<compile_context>
chip_gen: v7x
topology: tpu7x:2x2x1
jax: 0.10.2.dev20260603
libtpu: 0.0.44.dev20260713+nightly
codegen_flags: <defaults>
</compile_context>

<pallas_src>
import functools
import jax
import jax.numpy as jnp
from jax import lax
from jax.experimental import pallas as pl
from jax.experimental.pallas import tpu as pltpu, tpu_sc as plsc

NW = 32
RX = 8
NBUF = 4
LEAD = 2


def _make_sc(B, S, D):
    s_per_w = S // NW
    n_chunks = s_per_w // RX
    vecs = D // 16
    nbufs = (B + 1) * NBUF
    mesh = plsc.VectorSubcoreMesh(core_axis_name="c", subcore_axis_name="s")

    @functools.partial(
        pl.kernel,
        mesh=mesh,
        out_type=jax.ShapeDtypeStruct((B, S, D), jnp.float32),
        scratch_types=(
            [pltpu.VMEM((nbufs * RX, D), jnp.float32)]
            + [pltpu.SemaphoreType.DMA for _ in range(2 * NBUF)]
        ),
    )
    def k(x_hbm, wpe_hbm, out_hbm, buf, *sems):
        io_sems = sems[0:NBUF]
        out_sems = sems[NBUF:]
        wid = lax.axis_index("s") * 2 + lax.axis_index("c")
        s0 = wid * s_per_w

        def rows(ci):
            return pl.ds(s0 + ci * RX, RX)

        def wslot(sl):
            return pl.ds(sl * RX, RX)

        def xslot(b, sl):
            return pl.ds((NBUF + b * NBUF + sl) * RX, RX)

        def w_copy(ci, sl):
            return pltpu.make_async_copy(wpe_hbm.at[rows(ci)],
                                         buf.at[wslot(sl)], io_sems[sl])

        def in_copy(b, ci, sl):
            return pltpu.make_async_copy(x_hbm.at[(b, rows(ci))],
                                         buf.at[xslot(b, sl)], io_sems[sl])

        def out_copy(b, ci, sl):
            return pltpu.make_async_copy(buf.at[xslot(b, sl)],
                                         out_hbm.at[(b, rows(ci))],
                                         out_sems[sl])

        def start_chunk(ci, sl):
            w_copy(ci, sl).start()
            for b in range(B):
                in_copy(b, ci, sl).start()

        for ci in range(LEAD):
            start_chunk(ci, ci % NBUF)

        @pl.loop(0, n_chunks, step=NBUF)
        def _(g):
            for k in range(NBUF):
                ci = g + k
                sl = k
                sl2 = (k + LEAD) % NBUF

                @pl.when(ci >= LEAD)
                def _():
                    for b in range(B):
                        out_copy(b, ci - LEAD, sl2).wait()

                @pl.when(ci + LEAD < n_chunks)
                def _():
                    start_chunk(ci + LEAD, sl2)

                w_copy(ci, sl).wait()
                for b in range(B):
                    in_copy(b, ci, sl).wait()

                @plsc.parallel_loop(0, RX, 1)
                def _(r):
                    @plsc.parallel_loop(0, vecs, 1, unroll=4)
                    def _(c):
                        wv = buf[sl * RX + r, pl.ds(c * 16, 16)]
                        for b in range(B):
                            plsc.addupdate(
                                buf.at[(NBUF + b * NBUF + sl) * RX + r,
                                       pl.ds(c * 16, 16)], wv)

                for b in range(B):
                    out_copy(b, ci, sl).start()

        for ci in range(n_chunks - LEAD, n_chunks):
            for b in range(B):
                out_copy(b, ci, ci % NBUF).wait()

    return k


def kernel(x, wpe):
    B, S, D = x.shape
    return _make_sc(B, S, D)(x, wpe)

# --- scband reference (transcript-rebuilt; emitter-appended) ---
"""Pipeline reference for scband-positional-encoding-66554813219055 (READ-ONLY COPY).

The authoritative reference and input builder live on the scoring server;
editing this copy changes nothing except your own understanding.
"""

import jax, jax.numpy as jnp
import numpy as np

D_MODEL = 768
MAX_LEN = 4096
BATCH = 4
SEQ = 4096

def setup_inputs(seed: int = 0) -> dict:
    key = jax.random.key(seed)
    kx, kw = jax.random.split(key)
    x = jax.random.normal(kx, (BATCH, SEQ, D_MODEL), dtype=jnp.float32)
    wpe = jax.random.normal(kw, (MAX_LEN, D_MODEL), dtype=jnp.float32) * 0.02
    return {"x": x, "wpe": wpe}

def reference(x, wpe):
    # pos = arange(0, x.size(1)); pos_emb = wpe(pos); x = x + pos_emb
    pos = jnp.arange(x.shape[1], dtype=jnp.int64 if jax.config.jax_enable_x64 else jnp.int32)
    pos_emb = jnp.take(wpe, pos, axis=0)  # [S, d_model]
    out = x + pos_emb[None, :, :]
    # dropout p=0.0 -> identity
    return out

if __name__ == "__main__":
    import jax
    _d = setup_inputs()
    print(jax.jit(kernel)(*tuple(_d.values())))

</pallas_src>

<mosaic_0001>
#map = affine_map<(d0, d1) -> (0, 0, 0)>
#map1 = affine_map<(d0, d1) -> (0, 0)>
module attributes {stable_mosaic.version = 14 : i64} {
  func.func @k(%arg0: i32, %arg1: i32, %arg2: memref<4x4096x768xf32, #tpu.memory_space<hbm>>, %arg3: memref<4096x768xf32, #tpu.memory_space<hbm>>, %arg4: memref<4x4096x768xf32, #tpu.memory_space<hbm>>, %arg5: memref<160x768xf32, #tpu.memory_space<vmem>>, %arg6: memref<!tpu.dma_semaphore, #tpu.memory_space<semaphore_mem>>, %arg7: memref<!tpu.dma_semaphore, #tpu.memory_space<semaphore_mem>>, %arg8: memref<!tpu.dma_semaphore, #tpu.memory_space<semaphore_mem>>, %arg9: memref<!tpu.dma_semaphore, #tpu.memory_space<semaphore_mem>>, %arg10: memref<!tpu.dma_semaphore, #tpu.memory_space<semaphore_mem>>, %arg11: memref<!tpu.dma_semaphore, #tpu.memory_space<semaphore_mem>>, %arg12: memref<!tpu.dma_semaphore, #tpu.memory_space<semaphore_mem>>, %arg13: memref<!tpu.dma_semaphore, #tpu.memory_space<semaphore_mem>>) attributes {dimension_semantics = [#tpu.dimension_semantics<core_parallel>, #tpu.dimension_semantics<subcore_parallel>], iteration_bounds = array<i64: 2, 16>, scalar_prefetch = 0 : i64, scratch_operands = 9 : i64, tpu.core_type = #tpu.core_type<sc_vector_subcore>, window_params = [{transform_indices = #map}, {transform_indices = #map1}, {transform_indices = #map}]} {
    %mul3A = arith.constant 2 : i32
    %mul3A_0 = arith.muli %arg1, %mul3A : i32
    %add3A = arith.addi %mul3A_0, %arg0 : i32
    %mul3A_1 = arith.constant 128 : i32
    %mul3A_2 = arith.muli %add3A, %mul3A_1 : i32
    %add3A_3 = arith.constant 0 : i32
    %add3A_4 = arith.addi %mul3A_2, %add3A_3 : i32
    %dma_start3A = arith.constant 0 : i32
    %dma_start3A_5 = arith.constant 0 : i32
    %dma_start3A_6 = tpu.memref_slice %arg5[%dma_start3A, %dma_start3A_5] : memref<160x768xf32, #tpu.memory_space<vmem>> -> memref<8x768xf32, #tpu.memory_space<vmem>>
    %dma_start3A_7 = arith.constant 0 : i32
    %dma_start3A_8 = tpu.memref_slice %arg3[%add3A_4, %dma_start3A_7] : memref<4096x768xf32, #tpu.memory_space<hbm>> -> memref<8x768xf32, #tpu.memory_space<hbm>>
    %dma_start3A_9 = arith.constant 0 : i32
    %dma_start3A_10 = arith.constant 0 : i32
    %dma_start3A_11 = tpu.memref_slice %arg5[%dma_start3A_9, %dma_start3A_10] : memref<160x768xf32, #tpu.memory_space<vmem>> -> memref<8x768xf32, #tpu.memory_space<vmem>>
    %dma_start3A_12 = arith.constant 0 : i32
    %dma_start3A_13 = tpu.memref_slice %arg3[%add3A_4, %dma_start3A_12] : memref<4096x768xf32, #tpu.memory_space<hbm>> -> memref<8x768xf32, #tpu.memory_space<hbm>>
    tpu.enqueue_dma source(%dma_start3A_13 : memref<8x768xf32, #tpu.memory_space<hbm>>) target(%dma_start3A_11 : memref<8x768xf32, #tpu.memory_space<vmem>>) target_semaphore(%arg6 : memref<!tpu.dma_semaphore, #tpu.memory_space<semaphore_mem>>)
    %add3A_14 = arith.constant 0 : i32
    %add3A_15 = arith.addi %mul3A_2, %add3A_14 : i32
    %dma_start3A_16 = arith.constant 0 : i32
    %dma_start3A_17 = arith.constant 32 : i32
    %dma_start3A_18 = arith.constant 0 : i32
    %dma_start3A_19 = tpu.memref_slice %arg5[%dma_start3A_17, %dma_start3A_18] : memref<160x768xf32, #tpu.memory_space<vmem>> -> memref<8x768xf32, #tpu.memory_space<vmem>>
    %dma_start3A_20 = arith.constant 0 : i32
    %dma_start3A_21 = tpu.memref_slice %arg2[%dma_start3A_16, %add3A_15, %dma_start3A_20] : memref<4x4096x768xf32, #tpu.memory_space<hbm>> -> memref<1x8x768xf32, #tpu.memory_space<hbm>>
    %dma_start3A_22 = tpu.memref_squeeze %dma_start3A_21 : memref<1x8x768xf32, #tpu.memory_space<hbm>> -> memref<8x768xf32, #tpu.memory_space<hbm>>
    %dma_start3A_23 = arith.constant 32 : i32
    %dma_start3A_24 = arith.constant 0 : i32
    %dma_start3A_25 = tpu.memref_slice %arg5[%dma_start3A_23, %dma_start3A_24] : memref<160x768xf32, #tpu.memory_space<vmem>> -> memref<8x768xf32, #tpu.memory_space<vmem>>
    %dma_start3A_26 = arith.constant 0 : i32
    %dma_start3A_27 = tpu.memref_slice %arg2[%dma_start3A_16, %add3A_15, %dma_start3A_26] : memref<4x4096x768xf32, #tpu.memory_space<hbm>> -> memref<1x8x768xf32, #tpu.memory_space<hbm>>
    %dma_start3A_28 = tpu.memref_squeeze %dma_start3A_27 : memref<1x8x768xf32, #tpu.memory_space<hbm>> -> memref<8x768xf32, #tpu.memory_space<hbm>>
    tpu.enqueue_dma source(%dma_start3A_28 : memref<8x768xf32, #tpu.memory_space<hbm>>) target(%dma_start3A_25 : memref<8x768xf32, #tpu.memory_space<vmem>>) target_semaphore(%arg6 : memref<!tpu.dma_semaphore, #tpu.memory_space<semaphore_mem>>)
    %add3A_29 = arith.constant 0 : i32
    %add3A_30 = arith.addi %mul3A_2, %add3A_29 : i32
    %dma_start3A_31 = arith.constant 1 : i32
    %dma_start3A_32 = arith.constant 64 : i32
    %dma_start3A_33 = arith.constant 0 : i32
    %dma_start3A_34 = tpu.memref_slice %arg5[%dma_start3A_32, %dma_start3A_33] : memref<160x768xf32, #tpu.memory_space<vmem>> -> memref<8x768xf32, #tpu.memory_space<vmem>>
    %dma_start3A_35 = arith.constant 0 : i32
    %dma_start3A_36 = tpu.memref_slice %arg2[%dma_start3A_31, %add3A_30, %dma_start3A_35] : memref<4x4096x768xf32, #tpu.memory_space<hbm>> -> memref<1x8x768xf32, #tpu.memory_space<hbm>>
    %dma_start3A_37 = tpu.memref_squeeze %dma_start3A_36 : memref<1x8x768xf32, #tpu.memory_space<hbm>> -> memref<8x768xf32, #tpu.memory_space<hbm>>
    %dma_start3A_38 = arith.constant 64 : i32
    %dma_start3A_39 = arith.constant 0 : i32
    %dma_start3A_40 = tpu.memref_slice %arg5[%dma_start3A_38, %dma_start3A_39] : memref<160x768xf32, #tpu.memory_space<vmem>> -> memref<8x768xf32, #tpu.memory_space<vmem>>
    %dma_start3A_41 = arith.constant 0 : i32
    %dma_start3A_42 = tpu.memref_slice %arg2[%dma_start3A_31, %add3A_30, %dma_start3A_41] : memref<4x4096x768xf32, #tpu.memory_space<hbm>> -> memref<1x8x768xf32, #tpu.memory_space<hbm>>
    %dma_start3A_43 = tpu.memref_squeeze %dma_start3A_42 : memref<1x8x768xf32, #tpu.memory_space<hbm>> -> memref<8x768xf32, #tpu.memory_space<hbm>>
    tpu.enqueue_dma source(%dma_start3A_43 : memref<8x768xf32, #tpu.memory_space<hbm>>) target(%dma_start3A_40 : memref<8x768xf32, #tpu.memory_space<vmem>>) target_semaphore(%arg6 : memref<!tpu.dma_semaphore, #tpu.memory_space<semaphore_mem>>)
    %add3A_44 = arith.constant 0 : i32
    %add3A_45 = arith.addi %mul3A_2, %add3A_44 : i32
    %dma_start3A_46 = arith.constant 2 : i32
    %dma_start3A_47 = arith.constant 96 : i32
    %dma_start3A_48 = arith.constant 0 : i32
    %dma_start3A_49 = tpu.memref_slice %arg5[%dma_start3A_47, %dma_start3A_48] : memref<160x768xf32, #tpu.memory_space<vmem>> -> memref<8x768xf32, #tpu.memory_space<vmem>>
    %dma_start3A_50 = arith.constant 0 : i32
    %dma_start3A_51 = tpu.memref_slice %arg2[%dma_start3A_46, %add3A_45, %dma_start3A_50] : memref<4x4096x768xf32, #tpu.memory_space<hbm>> -> memref<1x8x768xf32, #tpu.memory_space<hbm>>
    %dma_start3A_52 = tpu.memref_squeeze %dma_start3A_51 : memref<1x8x768xf32, #tpu.memory_space<hbm>> -> memref<8x768xf32, #tpu.memory_space<hbm>>
    %dma_start3A_53 = arith.constant 96 : i32
    %dma_start3A_54 = arith.constant 0 : i32
    %dma_start3A_55 = tpu.memref_slice %arg5[%dma_start3A_53, %dma_start3A_54] : memref<160x768xf32, #tpu.memory_space<vmem>> -> memref<8x768xf32, #tpu.memory_space<vmem>>
    %dma_start3A_56 = arith.constant 0 : i32
    %dma_start3A_57 = tpu.memref_slice %arg2[%dma_start3A_46, %add3A_45, %dma_start3A_56] : memref<4x4096x768xf32, #tpu.memory_space<hbm>> -> memref<1x8x768xf32, #tpu.memory_space<hbm>>
    %dma_start3A_58 = tpu.memref_squeeze %dma_start3A_57 : memref<1x8x768xf32, #tpu.memory_space<hbm>> -> memref<8x768xf32, #tpu.memory_space<hbm>>
    tpu.enqueue_dma source(%dma_start3A_58 : memref<8x768xf32, #tpu.memory_space<hbm>>) target(%dma_start3A_55 : memref<8x768xf32, #tpu.memory_space<vmem>>) target_semaphore(%arg6 : memref<!tpu.dma_semaphore, #tpu.memory_space<semaphore_mem>>)
    %add3A_59 = arith.constant 0 : i32
    %add3A_60 = arith.addi %mul3A_2, %add3A_59 : i32
    %dma_start3A_61 = arith.constant 3 : i32
    %dma_start3A_62 = arith.constant 128 : i32
    %dma_start3A_63 = arith.constant 0 : i32
    %dma_start3A_64 = tpu.memref_slice %arg5[%dma_start3A_62, %dma_start3A_63] : memref<160x768xf32, #tpu.memory_space<vmem>> -> memref<8x768xf32, #tpu.memory_space<vmem>>
    %dma_start3A_65 = arith.constant 0 : i32
    %dma_start3A_66 = tpu.memref_slice %arg2[%dma_start3A_61, %add3A_60, %dma_start3A_65] : memref<4x4096x768xf32, #tpu.memory_space<hbm>> -> memref<1x8x768xf32, #tpu.memory_space<hbm>>
    %dma_start3A_67 = tpu.memref_squeeze %dma_start3A_66 : memref<1x8x768xf32, #tpu.memory_space<hbm>> -> memref<8x768xf32, #tpu.memory_space<hbm>>
    %dma_start3A_68 = arith.constant 128 : i32
    %dma_start3A_69 = arith.constant 0 : i32
    %dma_start3A_70 = tpu.memref_slice %arg5[%dma_start3A_68, %dma_start3A_69] : memref<160x768xf32, #tpu.memory_space<vmem>> -> memref<8x768xf32, #tpu.memory_space<vmem>>
    %dma_start3A_71 = arith.constant 0 : i32
    %dma_start3A_72 = tpu.memref_slice %arg2[%dma_start3A_61, %add3A_60, %dma_start3A_71] : memref<4x4096x768xf32, #tpu.memory_space<hbm>> -> memref<1x8x768xf32, #tpu.memory_space<hbm>>
    %dma_start3A_73 = tpu.memref_squeeze %dma_start3A_72 : memref<1x8x768xf32, #tpu.memory_space<hbm>> -> memref<8x768xf32, #tpu.memory_space<hbm>>
    tpu.enqueue_dma source(%dma_start3A_73 : memref<8x768xf32, #tpu.memory_space<hbm>>) target(%dma_start3A_70 : memref<8x768xf32, #tpu.memory_space<vmem>>) target_semaphore(%arg6 : memref<!tpu.dma_semaphore, #tpu.memory_space<semaphore_mem>>)
    %add3A_74 = arith.constant 8 : i32
    %add3A_75 = arith.addi %mul3A_2, %add3A_74 : i32
    %dma_start3A_76 = arith.constant 8 : i32
    %dma_start3A_77 = arith.constant 0 : i32
    %dma_start3A_78 = tpu.memref_slice %arg5[%dma_start3A_76, %dma_start3A_77] : memref<160x768xf32, #tpu.memory_space<vmem>> -> memref<8x768xf32, #tpu.memory_space<vmem>>
    %dma_start3A_79 = arith.constant 0 : i32
    %dma_start3A_80 = tpu.memref_slice %arg3[%add3A_75, %dma_start3A_79] : memref<4096x768xf32, #tpu.memory_space<hbm>> -> memref<8x768xf32, #tpu.memory_space<hbm>>
    %dma_start3A_81 = arith.constant 8 : i32
    %dma_start3A_82 = arith.constant 0 : i32
    %dma_start3A_83 = tpu.memref_slice %arg5[%dma_start3A_81, %dma_start3A_82] : memref<160x768xf32, #tpu.memory_space<vmem>> -> memref<8x768xf32, #tpu.memory_space<vmem>>
    %dma_start3A_84 = arith.constant 0 : i32
    %dma_start3A_85 = tpu.memref_slice %arg3[%add3A_75, %dma_start3A_84] : memref<4096x768xf32, #tpu.memory_space<hbm>> -> memref<8x768xf32, #tpu.memory_space<hbm>>
    tpu.enqueue_dma source(%dma_start3A_85 : memref<8x768xf32, #tpu.memory_space<hbm>>) target(%dma_start3A_83 : memref<8x768xf32, #tpu.memory_space<vmem>>) target_semaphore(%arg7 : memref<!tpu.dma_semaphore, #tpu.memory_space<semaphore_mem>>)
    %add3A_86 = arith.constant 8 : i32
    %add3A_87 = arith.addi %mul3A_2, %add3A_86 : i32
    %dma_start3A_88 = arith.constant 0 : i32
    %dma_start3A_89 = arith.constant 40 : i32
    %dma_start3A_90 = arith.constant 0 : i32
    %dma_start3A_91 = tpu.memref_slice %arg5[%dma_start3A_89, %dma_start3A_90] : memref<160x768xf32, #tpu.memory_space<vmem>> -> memref<8x768xf32, #tpu.memory_space<vmem>>
    %dma_start3A_92 = arith.constant 0 : i32
    %dma_start3A_93 = tpu.memref_slice %arg2[%dma_start3A_88, %add3A_87, %dma_start3A_92] : memref<4x4096x768xf32, #tpu.memory_space<hbm>> -> memref<1x8x768xf32, #tpu.memory_space<hbm>>
    %dma_start3A_94 = tpu.memref_squeeze %dma_start3A_93 : memref<1x8x768xf32, #tpu.memory_space<hbm>> -> memref<8x768xf32, #tpu.memory_space<hbm>>
    %dma_start3A_95 = arith.constant 40 : i32
    %dma_start3A_96 = arith.constant 0 : i32
    %dma_start3A_97 = tpu.memref_slice %arg5[%dma_start3A_95, %dma_start3A_96] : memref<160x768xf32, #tpu.memory_space<vmem>> -> memref<8x768xf32, #tpu.memory_space<vmem>>
    %dma_start3A_98 = arith.constant 0 : i32
    %dma_start3A_99 = tpu.memref_slice %arg2[%dma_start3A_88, %add3A_87, %dma_start3A_98] : memref<4x4096x768xf32, #tpu.memory_space<hbm>> -> memref<1x8x768xf32, #tpu.memory_space<hbm>>
    %dma_start3A_100 = tpu.memref_squeeze %dma_start3A_99 : memref<1x8x768xf32, #tpu.memory_space<hbm>> -> memref<8x768xf32, #tpu.memory_space<hbm>>
    tpu.enqueue_dma source(%dma_start3A_100 : memref<8x768xf32, #tpu.memory_space<hbm>>) target(%dma_start3A_97 : memref<8x768xf32, #tpu.memory_space<vmem>>) target_semaphore(%arg7 : memref<!tpu.dma_semaphore, #tpu.memory_space<semaphore_mem>>)
    %add3A_101 = arith.constant 8 : i32
    %add3A_102 = arith.addi %mul3A_2, %add3A_101 : i32
    %dma_start3A_103 = arith.constant 1 : i32
    %dma_start3A_104 = arith.constant 72 : i32
    %dma_start3A_105 = arith.constant 0 : i32
    %dma_start3A_106 = tpu.memref_slice %arg5[%dma_start3A_104, %dma_start3A_105] : memref<160x768xf32, #tpu.memory_space<vmem>> -> memref<8x768xf32, #tpu.memory_space<vmem>>
    %dma_start3A_107 = arith.constant 0 : i32
    %dma_start3A_108 = tpu.memref_slice %arg2[%dma_start3A_103, %add3A_102, %dma_start3A_107] : memref<4x4096x768xf32, #tpu.memory_space<hbm>> -> memref<1x8x768xf32, #tpu.memory_space<hbm>>
    %dma_start3A_109 = tpu.memref_squeeze %dma_start3A_108 : memref<1x8x768xf32, #tpu.memory_space<hbm>> -> memref<8x768xf32, #tpu.memory_space<hbm>>
    %dma_start3A_110 = arith.constant 72 : i32
    %dma_start3A_111 = arith.constant 0 : i32
    %dma_start3A_112 = tpu.memref_slice %arg5[%dma_start3A_110, %dma_start3A_111] : memref<160x768xf32, #tpu.memory_space<vmem>> -> memref<8x768xf32, #tpu.memory_space<vmem>>
    %dma_start3A_113 = arith.constant 0 : i32
    %dma_start3A_114 = tpu.memref_slice %arg2[%dma_start3A_103, %add3A_102, %dma_start3A_113] : memref<4x4096x768xf32, #tpu.memory_space<hbm>> -> memref<1x8x768xf32, #tpu.memory_space<hbm>>
    %dma_start3A_115 = tpu.memref_squeeze %dma_start3A_114 : memref<1x8x768xf32, #tpu.memory_space<hbm>> -> memref<8x768xf32, #tpu.memory_space<hbm>>
    tpu.enqueue_dma source(%dma_start3A_115 : memref<8x768xf32, #tpu.memory_space<hbm>>) target(%dma_start3A_112 : memref<8x768xf32, #tpu.memory_space<vmem>>) target_semaphore(%arg7 : memref<!tpu.dma_semaphore, #tpu.memory_space<semaphore_mem>>)
    %add3A_116 = arith.constant 8 : i32
    %add3A_117 = arith.addi %mul3A_2, %add3A_116 : i32
    %dma_start3A_118 = arith.constant 2 : i32
    %dma_start3A_119 = arith.constant 104 : i32
    %dma_start3A_120 = arith.constant 0 : i32
    %dma_start3A_121 = tpu.memref_slice %arg5[%dma_start3A_119, %dma_start3A_120] : memref<160x768xf32, #tpu.memory_space<vmem>> -> memref<8x768xf32, #tpu.memory_space<vmem>>
    %dma_start3A_122 = arith.constant 0 : i32
    %dma_start3A_123 = tpu.memref_slice %arg2[%dma_start3A_118, %add3A_117, %dma_start3A_122] : memref<4x4096x768xf32, #tpu.memory_space<hbm>> -> memref<1x8x768xf32, #tpu.memory_space<hbm>>
    %dma_start3A_124 = tpu.memref_squeeze %dma_start3A_123 : memref<1x8x768xf32, #tpu.memory_space<hbm>> -> memref<8x768xf32, #tpu.memory_space<hbm>>
    %dma_start3A_125 = arith.constant 104 : i32
    %dma_start3A_126 = arith.constant 0 : i32
    %dma_start3A_127 = tpu.memref_slice %arg5[%dma_start3A_125, %dma_start3A_126] : memref<160x768xf32, #tpu.memory_space<vmem>> -> memref<8x768xf32, #tpu.memory_space<vmem>>
    %dma_start3A_128 = arith.constant 0 : i32
    %dma_start3A_129 = tpu.memref_slice %arg2[%dma_start3A_118, %add3A_117, %dma_start3A_128] : memref<4x4096x768xf32, #tpu.memory_space<hbm>> -> memref<1x8x768xf32, #tpu.memory_space<hbm>>
    %dma_start3A_130 = tpu.memref_squeeze %dma_start3A_129 : memref<1x8x768xf32, #tpu.memory_space<hbm>> -> memref<8x768xf32, #tpu.memory_space<hbm>>
    tpu.enqueue_dma source(%dma_start3A_130 : memref<8x768xf32, #tpu.memory_space<hbm>>) target(%dma_start3A_127 : memref<8x768xf32, #tpu.memory_space<vmem>>) target_semaphore(%arg7 : memref<!tpu.dma_semaphore, #tpu.memory_space<semaphore_mem>>)
    %add3A_131 = arith.constant 8 : i32
    %add3A_132 = arith.addi %mul3A_2, %add3A_131 : i32
    %dma_start3A_133 = arith.constant 3 : i32
    %dma_start3A_134 = arith.constant 136 : i32
    %dma_start3A_135 = arith.constant 0 : i32
    %dma_start3A_136 = tpu.memref_slice %arg5[%dma_start3A_134, %dma_start3A_135] : memref<160x768xf32, #tpu.memory_space<vmem>> -> memref<8x768xf32, #tpu.memory_space<vmem>>
    %dma_start3A_137 = arith.constant 0 : i32
    %dma_start3A_138 = tpu.memref_slice %arg2[%dma_start3A_133, %add3A_132, %dma_start3A_137] : memref<4x4096x768xf32, #tpu.memory_space<hbm>> -> memref<1x8x768xf32, #tpu.memory_space<hbm>>
    %dma_start3A_139 = tpu.memref_squeeze %dma_start3A_138 : memref<1x8x768xf32, #tpu.memory_space<hbm>> -> memref<8x768xf32, #tpu.memory_space<hbm>>
    %dma_start3A_140 = arith.constant 136 : i32
    %dma_start3A_141 = arith.constant 0 : i32
    %dma_start3A_142 = tpu.memref_slice %arg5[%dma_start3A_140, %dma_start3A_141] : memref<160x768xf32, #tpu.memory_space<vmem>> -> memref<8x768xf32, #tpu.memory_space<vmem>>
    %dma_start3A_143 = arith.constant 0 : i32
    %dma_start3A_144 = tpu.memref_slice %arg2[%dma_start3A_133, %add3A_132, %dma_start3A_143] : memref<4x4096x768xf32, #tpu.memory_space<hbm>> -> memref<1x8x768xf32, #tpu.memory_space<hbm>>
    %dma_start3A_145 = tpu.memref_squeeze %dma_start3A_144 : memref<1x8x768xf32, #tpu.memory_space<hbm>> -> memref<8x768xf32, #tpu.memory_space<hbm>>
    tpu.enqueue_dma source(%dma_start3A_145 : memref<8x768xf32, #tpu.memory_space<hbm>>) target(%dma_start3A_142 : memref<8x768xf32, #tpu.memory_space<vmem>>) target_semaphore(%arg7 : memref<!tpu.dma_semaphore, #tpu.memory_space<semaphore_mem>>)
    %scan3A = arith.constant 0 : i32
    %scan3A_146 = arith.constant 4 : i32
    %scan3A_147 = arith.addi %scan3A, %scan3A_146 : i32
    %scan3A_148 = arith.constant 1 : i32
    scf.for %scan3A_269 = %scan3A to %scan3A_147 step %scan3A_148  : i32 {
      %mul3A_270 = arith.constant 4 : i32
      %mul3A_271 = arith.muli %scan3A_269, %mul3A_270 : i32
      %add3A_272 = arith.constant 0 : i32
      %add3A_273 = arith.addi %add3A_272, %mul3A_271 : i32
      %add3A_274 = arith.constant 0 : i32
      %add3A_275 = arith.addi %add3A_273, %add3A_274 : i32
      %ge3A = arith.constant 2 : i32
      %ge3A_276 = arith.cmpi sge, %add3A_275, %ge3A : i32
      %convert_element_type3A = arith.extui %ge3A_276 : i1 to i32
      %cond3A = arith.constant 0 : i32
      %cond3A_277 = arith.cmpi ne, %convert_element_type3A, %cond3A : i32
      scf.if %cond3A_277 {
        %sub3A = arith.constant 2 : i32
        %sub3A_901 = arith.subi %add3A_275, %sub3A : i32
        %mul3A_902 = arith.constant 8 : i32
        %mul3A_903 = arith.muli %sub3A_901, %mul3A_902 : i32
        %add3A_904 = arith.addi %mul3A_2, %mul3A_903 : i32
        %dma_wait3A_905 = arith.constant 0 : i32
        %dma_wait3A_906 = arith.constant 48 : i32
        %dma_wait3A_907 = arith.constant 0 : i32
        %dma_wait3A_908 = tpu.memref_slice %arg5[%dma_wait3A_906, %dma_wait3A_907] : memref<160x768xf32, #tpu.memory_space<vmem>> -> memref<8x768xf32, #tpu.memory_space<vmem>>
        %dma_wait3A_909 = arith.constant 0 : i32
        %dma_wait3A_910 = tpu.memref_slice %arg4[%dma_wait3A_905, %add3A_904, %dma_wait3A_909] : memref<4x4096x768xf32, #tpu.memory_space<hbm>> -> memref<1x8x768xf32, #tpu.memory_space<hbm>>
        %dma_wait3A_911 = tpu.memref_squeeze %dma_wait3A_910 : memref<1x8x768xf32, #tpu.memory_space<hbm>> -> memref<8x768xf32, #tpu.memory_space<hbm>>
        %dma_wait3A_912 = arith.constant 0 : i32
        %dma_wait3A_913 = tpu.memref_slice %arg4[%dma_wait3A_905, %add3A_904, %dma_wait3A_912] : memref<4x4096x768xf32, #tpu.memory_space<hbm>> -> memref<1x8x768xf32, #tpu.memory_space<hbm>>
        %dma_wait3A_914 = tpu.memref_squeeze %dma_wait3A_913 : memref<1x8x768xf32, #tpu.memory_space<hbm>> -> memref<8x768xf32, #tpu.memory_space<hbm>>
        %dma_wait3A_915 = arith.constant 48 : i32
        %dma_wait3A_916 = arith.constant 0 : i32
        %dma_wait3A_917 = tpu.memref_slice %arg5[%dma_wait3A_915, %dma_wait3A_916] : memref<160x768xf32, #tpu.memory_space<vmem>> -> memref<8x768xf32, #tpu.memory_space<vmem>>
        tpu.wait_dma2 semaphore(%arg12 : memref<!tpu.dma_semaphore, #tpu.memory_space<semaphore_mem>>) src(%dma_wait3A_917 : memref<8x768xf32, #tpu.memory_space<vmem>>) dst(%dma_wait3A_914 : memref<8x768xf32, #tpu.memory_space<hbm>>)
        %sub3A_918 = arith.constant 2 : i32
        %sub3A_919 = arith.subi %add3A_275, %sub3A_918 : i32
        %mul3A_920 = arith.constant 8 : i32
        %mul3A_921 = arith.muli %sub3A_919, %mul3A_920 : i32
        %add3A_922 = arith.addi %mul3A_2, %mul3A_921 : i32
        %dma_wait3A_923 = arith.constant 1 : i32
        %dma_wait3A_924 = arith.constant 80 : i32
        %dma_wait3A_925 = arith.constant 0 : i32
        %dma_wait3A_926 = tpu.memref_slice %arg5[%dma_wait3A_924, %dma_wait3A_925] : memref<160x768xf32, #tpu.memory_space<vmem>> -> memref<8x768xf32, #tpu.memory_space<vmem>>
        %dma_wait3A_927 = arith.constant 0 : i32
        %dma_wait3A_928 = tpu.memref_slice %arg4[%dma_wait3A_923, %add3A_922, %dma_wait3A_927] : memref<4x4096x768xf32, #tpu.memory_space<hbm>> -> memref<1x8x768xf32, #tpu.memory_space<hbm>>
        %dma_wait3A_929 = tpu.memref_squeeze %dma_wait3A_928 : memref<1x8x768xf32, #tpu.memory_space<hbm>> -> memref<8x768xf32, #tpu.memory_space<hbm>>
        %dma_wait3A_930 = arith.constant 0 : i32
        %dma_wait3A_931 = tpu.memref_slice %arg4[%dma_wait3A_923, %add3A_922, %dma_wait3A_930] : memref<4x4096x768xf32, #tpu.memory_space<hbm>> -> memref<1x8x768xf32, #tpu.memory_space<hbm>>
        %dma_wait3A_932 = tpu.memref_squeeze %dma_wait3A_931 : memref<1x8x768xf32, #tpu.memory_space<hbm>> -> memref<8x768xf32, #tpu.memory_space<hbm>>
        %dma_wait3A_933 = arith.constant 80 : i32
        %dma_wait3A_934 = arith.constant 0 : i32
        %dma_wait3A_935 = tpu.memref_slice %arg5[%dma_wait3A_933, %dma_wait3A_934] : memref<160x768xf32, #tpu.memory_space<vmem>> -> memref<8x768xf32, #tpu.memory_space<vmem>>
        tpu.wait_dma2 semaphore(%arg12 : memref<!tpu.dma_semaphore, #tpu.memory_space<semaphore_mem>>) src(%dma_wait3A_935 : memref<8x768xf32, #tpu.memory_space<vmem>>) dst(%dma_wait3A_932 : memref<8x768xf32, #tpu.memory_space<hbm>>)
        %sub3A_936 = arith.constant 2 : i32
        %sub3A_937 = arith.subi %add3A_275, %sub3A_936 : i32
        %mul3A_938 = arith.constant 8 : i32
        %mul3A_939 = arith.muli %sub3A_937, %mul3A_938 : i32
        %add3A_940 = arith.addi %mul3A_2, %mul3A_939 : i32
        %dma_wait3A_941 = arith.constant 2 : i32
        %dma_wait3A_942 = arith.constant 112 : i32
        %dma_wait3A_943 = arith.constant 0 : i32
        %dma_wait3A_944 = tpu.memref_slice %arg5[%dma_wait3A_942, %dma_wait3A_943] : memref<160x768xf32, #tpu.memory_space<vmem>> -> memref<8x768xf32, #tpu.memory_space<vmem>>
        %dma_wait3A_945 = arith.constant 0 : i32
        %dma_wait3A_946 = tpu.memref_slice %arg4[%dma_wait3A_941, %add3A_940, %dma_wait3A_945] : memref<4x4096x768xf32, #tpu.memory_space<hbm>> -> memref<1x8x768xf32, #tpu.memory_space<hbm>>
        %dma_wait3A_947 = tpu.memref_squeeze %dma_wait3A_946 : memref<1x8x768xf32, #tpu.memory_space<hbm>> -> memref<8x768xf32, #tpu.memory_space<hbm>>
        %dma_wait3A_948 = arith.constant 0 : i32
        %dma_wait3A_949 = tpu.memref_slice %arg4[%dma_wait3A_941, %add3A_940, %dma_wait3A_948] : memref<4x4096x768xf32, #tpu.memory_space<hbm>> -> memref<1x8x768xf32, #tpu.memory_space<hbm>>
        %dma_wait3A_950 = tpu.memref_squeeze %dma_wait3A_949 : memref<1x8x768xf32, #tpu.memory_space<hbm>> -> memref<8x768xf32, #tpu.memory_space<hbm>>
        %dma_wait3A_951 = arith.constant 112 : i32
        %dma_wait3A_952 = arith.constant 0 : i32
        %dma_wait3A_953 = tpu.memref_slice %arg5[%dma_wait3A_951, %dma_wait3A_952] : memref<160x768xf32, #tpu.memory_space<vmem>> -> memref<8x768xf32, #tpu.memory_space<vmem>>
        tpu.wait_dma2 semaphore(%arg12 : memref<!tpu.dma_semaphore, #tpu.memory_space<semaphore_mem>>) src(%dma_wait3A_953 : memref<8x768xf32, #tpu.memory_space<vmem>>) dst(%dma_wait3A_950 : memref<8x768xf32, #tpu.memory_space<hbm>>)
        %sub3A_954 = arith.constant 2 : i32
        %sub3A_955 = arith.subi %add3A_275, %sub3A_954 : i32
        %mul3A_956 = arith.constant 8 : i32
        %mul3A_957 = arith.muli %sub3A_955, %mul3A_956 : i32
        %add3A_958 = arith.addi %mul3A_2, %mul3A_957 : i32
        %dma_wait3A_959 = arith.constant 3 : i32
        %dma_wait3A_960 = arith.constant 144 : i32
        %dma_wait3A_961 = arith.constant 0 : i32
        %dma_wait3A_962 = tpu.memref_slice %arg5[%dma_wait3A_960, %dma_wait3A_961] : memref<160x768xf32, #tpu.memory_space<vmem>> -> memref<8x768xf32, #tpu.memory_space<vmem>>
        %dma_wait3A_963 = arith.constant 0 : i32
        %dma_wait3A_964 = tpu.memref_slice %arg4[%dma_wait3A_959, %add3A_958, %dma_wait3A_963] : memref<4x4096x768xf32, #tpu.memory_space<hbm>> -> memref<1x8x768xf32, #tpu.memory_space<hbm>>
        %dma_wait3A_965 = tpu.memref_squeeze %dma_wait3A_964 : memref<1x8x768xf32, #tpu.memory_space<hbm>> -> memref<8x768xf32, #tpu.memory_space<hbm>>
        %dma_wait3A_966 = arith.constant 0 : i32
        %dma_wait3A_967 = tpu.memref_slice %arg4[%dma_wait3A_959, %add3A_958, %dma_wait3A_966] : memref<4x4096x768xf32, #tpu.memory_space<hbm>> -> memref<1x8x768xf32, #tpu.memory_space<hbm>>
        %dma_wait3A_968 = tpu.memref_squeeze %dma_wait3A_967 : memref<1x8x768xf32, #tpu.memory_space<hbm>> -> memref<8x768xf32, #tpu.memory_space<hbm>>
        %dma_wait3A_969 = arith.constant 144 : i32
        %dma_wait3A_970 = arith.constant 0 : i32
        %dma_wait3A_971 = tpu.memref_slice %arg5[%dma_wait3A_969, %dma_wait3A_970] : memref<160x768xf32, #tpu.memory_space<vmem>> -> memref<8x768xf32, #tpu.memory_space<vmem>>
        tpu.wait_dma2 semaphore(%arg12 : memref<!tpu.dma_semaphore, #tpu.memory_space<semaphore_mem>>) src(%dma_wait3A_971 : memref<8x768xf32, #tpu.memory_space<vmem>>) dst(%dma_wait3A_968 : memref<8x768xf32, #tpu.memory_space<hbm>>)
      } else {
      }
      %add3A_278 = arith.constant 2 : i32
      %add3A_279 = arith.addi %add3A_275, %add3A_278 : i32
      %lt3A = arith.constant 16 : i32
      %lt3A_280 = arith.cmpi slt, %add3A_279, %lt3A : i32
      %convert_element_type3A_281 = arith.extui %lt3A_280 : i1 to i32
      %cond3A_282 = arith.constant 0 : i32
      %cond3A_283 = arith.cmpi ne, %convert_element_type3A_281, %cond3A_282 : i32
      scf.if %cond3A_283 {
        %add3A_901 = arith.constant 2 : i32
        %add3A_902 = arith.addi %add3A_275, %add3A_901 : i32
        %mul3A_903 = arith.constant 8 : i32
        %mul3A_904 = arith.muli %add3A_902, %mul3A_903 : i32
        %add3A_905 = arith.addi %mul3A_2, %mul3A_904 : i32
        %dma_start3A_906 = arith.constant 16 : i32
        %dma_start3A_907 = arith.constant 0 : i32
        %dma_start3A_908 = tpu.memref_slice %arg5[%dma_start3A_906, %dma_start3A_907] : memref<160x768xf32, #tpu.memory_space<vmem>> -> memref<8x768xf32, #tpu.memory_space<vmem>>
        %dma_start3A_909 = arith.constant 0 : i32
        %dma_start3A_910 = tpu.memref_slice %arg3[%add3A_905, %dma_start3A_909] : memref<4096x768xf32, #tpu.memory_space<hbm>> -> memref<8x768xf32, #tpu.memory_space<hbm>>
        %dma_start3A_911 = arith.constant 16 : i32
        %dma_start3A_912 = arith.constant 0 : i32
        %dma_start3A_913 = tpu.memref_slice %arg5[%dma_start3A_911, %dma_start3A_912] : memref<160x768xf32, #tpu.memory_space<vmem>> -> memref<8x768xf32, #tpu.memory_space<vmem>>
        %dma_start3A_914 = arith.constant 0 : i32
        %dma_start3A_915 = tpu.memref_slice %arg3[%add3A_905, %dma_start3A_914] : memref<4096x768xf32, #tpu.memory_space<hbm>> -> memref<8x768xf32, #tpu.memory_space<hbm>>
        tpu.enqueue_dma source(%dma_start3A_915 : memref<8x768xf32, #tpu.memory_space<hbm>>) target(%dma_start3A_913 : memref<8x768xf32, #tpu.memory_space<vmem>>) target_semaphore(%arg8 : memref<!tpu.dma_semaphore, #tpu.memory_space<semaphore_mem>>)
        %mul3A_916 = arith.constant 8 : i32
        %mul3A_917 = arith.muli %add3A_902, %mul3A_916 : i32
        %add3A_918 = arith.addi %mul3A_2, %mul3A_917 : i32
        %dma_start3A_919 = arith.constant 0 : i32
        %dma_start3A_920 = arith.constant 48 : i32
        %dma_start3A_921 = arith.constant 0 : i32
        %dma_start3A_922 = tpu.memref_slice %arg5[%dma_start3A_920, %dma_start3A_921] : memref<160x768xf32, #tpu.memory_space<vmem>> -> memref<8x768xf32, #tpu.memory_space<vmem>>
        %dma_start3A_923 = arith.constant 0 : i32
        %dma_start3A_924 = tpu.memref_slice %arg2[%dma_start3A_919, %add3A_918, %dma_start3A_923] : memref<4x4096x768xf32, #tpu.memory_space<hbm>> -> memref<1x8x768xf32, #tpu.memory_space<hbm>>
        %dma_start3A_925 = tpu.memref_squeeze %dma_start3A_924 : memref<1x8x768xf32, #tpu.memory_space<hbm>> -> memref<8x768xf32, #tpu.memory_space<hbm>>
        %dma_start3A_926 = arith.constant 48 : i32
        %dma_start3A_927 = arith.constant 0 : i32
        %dma_start3A_928 = tpu.memref_slice %arg5[%dma_start3A_926, %dma_start3A_927] : memref<160x768xf32, #tpu.memory_space<vmem>> -> memref<8x768xf32, #tpu.memory_space<vmem>>
        %dma_start3A_929 = arith.constant 0 : i32
        %dma_start3A_930 = tpu.memref_slice %arg2[%dma_start3A_919, %add3A_918, %dma_start3A_929] : memref<4x4096x768xf32, #tpu.memory_space<hbm>> -> memref<1x8x768xf32, #tpu.memory_space<hbm>>
        %dma_start3A_931 = tpu.memref_squeeze %dma_start3A_930 : memref<1x8x768xf32, #tpu.memory_space<hbm>> -> memref<8x768xf32, #tpu.memory_space<hbm>>
        tpu.enqueue_dma source(%dma_start3A_931 : memref<8x768xf32, #tpu.memory_space<hbm>>) target(%dma_start3A_928 : memref<8x768xf32, #tpu.memory_space<vmem>>) target_semaphore(%arg8 : memref<!tpu.dma_semaphore, #tpu.memory_space<semaphore_mem>>)
        %mul3A_932 = arith.constant 8 : i32
        %mul3A_933 = arith.muli %add3A_902, %mul3A_932 : i32
        %add3A_934 = arith.addi %mul3A_2, %mul3A_933 : i32
        %dma_start3A_935 = arith.constant 1 : i32
        %dma_start3A_936 = arith.constant 80 : i32
        %dma_start3A_937 = arith.constant 0 : i32
        %dma_start3A_938 = tpu.memref_slice %arg5[%dma_start3A_936, %dma_start3A_937] : memref<160x768xf32, #tpu.memory_space<vmem>> -> memref<8x768xf32, #tpu.memory_space<vmem>>
        %dma_start3A_939 = arith.constant 0 : i32
        %dma_start3A_940 = tpu.memref_slice %arg2[%dma_start3A_935, %add3A_934, %dma_start3A_939] : memref<4x4096x768xf32, #tpu.memory_space<hbm>> -> memref<1x8x768xf32, #tpu.memory_space<hbm>>
        %dma_start3A_941 = tpu.memref_squeeze %dma_start3A_940 : memref<1x8x768xf32, #tpu.memory_space<hbm>> -> memref<8x768xf32, #tpu.memory_space<hbm>>
        %dma_start3A_942 = arith.constant 80 : i32
        %dma_start3A_943 = arith.constant 0 : i32
        %dma_start3A_944 = tpu.memref_slice %arg5[%dma_start3A_942, %dma_start3A_943] : memref<160x768xf32, #tpu.memory_space<vmem>> -> memref<8x768xf32, #tpu.memory_space<vmem>>
        %dma_start3A_945 = arith.constant 0 : i32
        %dma_start3A_946 = tpu.memref_slice %arg2[%dma_start3A_935, %add3A_934, %dma_start3A_945] : memref<4x4096x768xf32, #tpu.memory_space<hbm>> -> memref<1x8x768xf32, #tpu.memory_space<hbm>>
        %dma_start3A_947 = tpu.memref_squeeze %dma_start3A_946 : memref<1x8x768xf32, #tpu.memory_space<hbm>> -> memref<8x768xf32, #tpu.memory_space<hbm>>
        tpu.enqueue_dma source(%dma_start3A_947 : memref<8x768xf32, #tpu.memory_space<hbm>>) target(%dma_start3A_944 : memref<8x768xf32, #tpu.memory_space<vmem>>) target_semaphore(%arg8 : memref<!tpu.dma_semaphore, #tpu.memory_space<semaphore_mem>>)
        %mul3A_948 = arith.constant 8 : i32
        %mul3A_949 = arith.muli %add3A_902, %mul3A_948 : i32
        %add3A_950 = arith.addi %mul3A_2, %mul3A_949 : i32
        %dma_start3A_951 = arith.constant 2 : i32
        %dma_start3A_952 = arith.constant 112 : i32
        %dma_start3A_953 = arith.constant 0 : i32
        %dma_start3A_954 = tpu.memref_slice %arg5[%dma_start3A_952, %dma_start3A_953] : memref<160x768xf32, #tpu.memory_space<vmem>> -> memref<8x768xf32, #tpu.memory_space<vmem>>
        %dma_start3A_955 = arith.constant 0 : i32
        %dma_start3A_956 = tpu.memref_slice %arg2[%dma_start3A_951, %add3A_950, %dma_start3A_955] : memref<4x4096x768xf32, #tpu.memory_space<hbm>> -> memref<1x8x768xf32, #tpu.memory_space<hbm>>
        %dma_start3A_957 = tpu.memref_squeeze %dma_start3A_956 : memref<1x8x768xf32, #tpu.memory_space<hbm>> -> memref<8x768xf32, #tpu.memory_space<hbm>>
        %dma_start3A_958 = arith.constant 112 : i32
        %dma_start3A_959 = arith.constant 0 : i32
        %dma_start3A_960 = tpu.memref_slice %arg5[%dma_start3A_958, %dma_start3A_959] : memref<160x768xf32, #tpu.memory_space<vmem>> -> memref<8x768xf32, #tpu.memory_space<vmem>>
        %dma_start3A_961 = arith.constant 0 : i32
        %dma_start3A_962 = tpu.memref_slice %arg2[%dma_start3A_951, %add3A_950, %dma_start3A_961] : memref<4x4096x768xf32, #tpu.memory_space<hbm>> -> memref<1x8x768xf32, #tpu.memory_space<hbm>>
        %dma_start3A_963 = tpu.memref_squeeze %dma_start3A_962 : memref<1x8x768xf32, #tpu.memory_space<hbm>> -> memref<8x768xf32, #tpu.memory_space<hbm>>
        tpu.enqueue_dma source(%dma_start3A_963 : memref<8x768xf32, #tpu.memory_space<hbm>>) target(%dma_start3A_960 : memref<8x768xf32, #tpu.memory_space<vmem>>) target_semaphore(%arg8 : memref<!tpu.dma_semaphore, #tpu.memory_space<semaphore_mem>>)
        %mul3A_964 = arith.constant 8 : i32
        %mul3A_965 = arith.muli %add3A_902, %mul3A_964 : i32
        %add3A_966 = arith.addi %mul3A_2, %mul3A_965 : i32
        %dma_start3A_967 = arith.constant 3 : i32
        %dma_start3A_968 = arith.constant 144 : i32
        %dma_start3A_969 = arith.constant 0 : i32
        %dma_start3A_970 = tpu.memref_slice %arg5[%dma_start3A_968, %dma_start3A_969] : memref<160x768xf32, #tpu.memory_space<vmem>> -> memref<8x768xf32, #tpu.memory_space<vmem>>
        %dma_start3A_971 = arith.constant 0 : i32
        %dma_start3A_972 = tpu.memref_slice %arg2[%dma_start3A_967, %add3A_966, %dma_start3A_971] : memref<4x4096x768xf32, #tpu.memory_space<hbm>> -> memref<1x8x768xf32, #tpu.memory_space<hbm>>
        %dma_start3A_973 = tpu.memref_squeeze %dma_start3A_972 : memref<1x8x768xf32, #tpu.memory_space<hbm>> -> memref<8x768xf32, #tpu.memory_space<hbm>>
        %dma_start3A_974 = arith.constant 144 : i32
        %dma_start3A_975 = arith.constant 0 : i32
        %dma_start3A_976 = tpu.memref_slice %arg5[%dma_start3A_974, %dma_start3A_975] : memref<160x768xf32, #tpu.memory_space<vmem>> -> memref<8x768xf32, #tpu.memory_space<vmem>>
        %dma_start3A_977 = arith.constant 0 : i32
        %dma_start3A_978 = tpu.memref_slice %arg2[%dma_start3A_967, %add3A_966, %dma_start3A_977] : memref<4x4096x768xf32, #tpu.memory_space<hbm>> -> memref<1x8x768xf32, #tpu.memory_space<hbm>>
        %dma_start3A_979 = tpu.memref_squeeze %dma_start3A_978 : memref<1x8x768xf32, #tpu.memory_space<hbm>> -> memref<8x768xf32, #tpu.memory_space<hbm>>
        tpu.enqueue_dma source(%dma_start3A_979 : memref<8x768xf32, #tpu.memory_space<hbm>>) target(%dma_start3A_976 : memref<8x768xf32, #tpu.memory_space<vmem>>) target_semaphore(%arg8 : memref<!tpu.dma_semaphore, #tpu.memory_space<semaphore_mem>>)
      } else {
      }
      %mul3A_284 = arith.constant 8 : i32
      %mul3A_285 = arith.muli %add3A_275, %mul3A_284 : i32
      %add3A_286 = arith.addi %mul3A_2, %mul3A_285 : i32
      %dma_wait3A_287 = arith.constant 0 : i32
      %dma_wait3A_288 = arith.constant 0 : i32
      %dma_wait3A_289 = tpu.memref_slice %arg5[%dma_wait3A_287, %dma_wait3A_288] : memref<160x768xf32, #tpu.memory_space<vmem>> -> memref<8x768xf32, #tpu.memory_space<vmem>>
      %dma_wait3A_290 = arith.constant 0 : i32
      %dma_wait3A_291 = tpu.memref_slice %arg3[%add3A_286, %dma_wait3A_290] : memref<4096x768xf32, #tpu.memory_space<hbm>> -> memref<8x768xf32, #tpu.memory_space<hbm>>
      %dma_wait3A_292 = arith.constant 0 : i32
      %dma_wait3A_293 = arith.constant 0 : i32
      %dma_wait3A_294 = tpu.memref_slice %arg5[%dma_wait3A_292, %dma_wait3A_293] : memref<160x768xf32, #tpu.memory_space<vmem>> -> memref<8x768xf32, #tpu.memory_space<vmem>>
      %dma_wait3A_295 = arith.constant 0 : i32
      %dma_wait3A_296 = tpu.memref_slice %arg3[%add3A_286, %dma_wait3A_295] : memref<4096x768xf32, #tpu.memory_space<hbm>> -> memref<8x768xf32, #tpu.memory_space<hbm>>
      tpu.wait_dma2 semaphore(%arg6 : memref<!tpu.dma_semaphore, #tpu.memory_space<semaphore_mem>>) src(%dma_wait3A_296 : memref<8x768xf32, #tpu.memory_space<hbm>>) dst(%dma_wait3A_294 : memref<8x768xf32, #tpu.memory_space<vmem>>)
      %mul3A_297 = arith.constant 8 : i32
      %mul3A_298 = arith.muli %add3A_275, %mul3A_297 : i32
      %add3A_299 = arith.addi %mul3A_2, %mul3A_298 : i32
      %dma_wait3A_300 = arith.constant 0 : i32
      %dma_wait3A_301 = arith.constant 32 : i32
      %dma_wait3A_302 = arith.constant 0 : i32
      %dma_wait3A_303 = tpu.memref_slice %arg5[%dma_wait3A_301, %dma_wait3A_302] : memref<160x768xf32, #tpu.memory_space<vmem>> -> memref<8x768xf32, #tpu.memory_space<vmem>>
      %dma_wait3A_304 = arith.constant 0 : i32
      %dma_wait3A_305 = tpu.memref_slice %arg2[%dma_wait3A_300, %add3A_299, %dma_wait3A_304] : memref<4x4096x768xf32, #tpu.memory_space<hbm>> -> memref<1x8x768xf32, #tpu.memory_space<hbm>>
      %dma_wait3A_306 = tpu.memref_squeeze %dma_wait3A_305 : memref<1x8x768xf32, #tpu.memory_space<hbm>> -> memref<8x768xf32, #tpu.memory_space<hbm>>
      %dma_wait3A_307 = arith.constant 32 : i32
      %dma_wait3A_308 = arith.constant 0 : i32
      %dma_wait3A_309 = tpu.memref_slice %arg5[%dma_wait3A_307, %dma_wait3A_308] : memref<160x768xf32, #tpu.memory_space<vmem>> -> memref<8x768xf32, #tpu.memory_space<vmem>>
      %dma_wait3A_310 = arith.constant 0 : i32
      %dma_wait3A_311 = tpu.memref_slice %arg2[%dma_wait3A_300, %add3A_299, %dma_wait3A_310] : memref<4x4096x768xf32, #tpu.memory_space<hbm>> -> memref<1x8x768xf32, #tpu.memory_space<hbm>>
      %dma_wait3A_312 = tpu.memref_squeeze %dma_wait3A_311 : memref<1x8x768xf32, #tpu.memory_space<hbm>> -> memref<8x768xf32, #tpu.memory_space<hbm>>
      tpu.wait_dma2 semaphore(%arg6 : memref<!tpu.dma_semaphore, #tpu.memory_space<semaphore_mem>>) src(%dma_wait3A_312 : memref<8x768xf32, #tpu.memory_space<hbm>>) dst(%dma_wait3A_309 : memref<8x768xf32, #tpu.memory_space<vmem>>)
      %mul3A_313 = arith.constant 8 : i32
      %mul3A_314 = arith.muli %add3A_275, %mul3A_313 : i32
      %add3A_315 = arith.addi %mul3A_2, %mul3A_314 : i32
      %dma_wait3A_316 = arith.constant 1 : i32
      %dma_wait3A_317 = arith.constant 64 : i32
      %dma_wait3A_318 = arith.constant 0 : i32
      %dma_wait3A_319 = tpu.memref_slice %arg5[%dma_wait3A_317, %dma_wait3A_318] : memref<160x768xf32, #tpu.memory_space<vmem>> -> memref<8x768xf32, #tpu.memory_space<vmem>>
      %dma_wait3A_320 = arith.constant 0 : i32
      %dma_wait3A_321 = tpu.memref_slice %arg2[%dma_wait3A_316, %add3A_315, %dma_wait3A_320] : memref<4x4096x768xf32, #tpu.memory_space<hbm>> -> memref<1x8x768xf32, #tpu.memory_space<hbm>>
      %dma_wait3A_322 = tpu.memref_squeeze %dma_wait3A_321 : memref<1x8x768xf32, #tpu.memory_space<hbm>> -> memref<8x768xf32, #tpu.memory_space<hbm>>
      %dma_wait3A_323 = arith.constant 64 : i32
      %dma_wait3A_324 = arith.constant 0 : i32
      %dma_wait3A_325 = tpu.memref_slice %arg5[%dma_wait3A_323, %dma_wait3A_324] : memref<160x768xf32, #tpu.memory_space<vmem>> -> memref<8x768xf32, #tpu.memory_space<vmem>>
      %dma_wait3A_326 = arith.constant 0 : i32
      %dma_wait3A_327 = tpu.memref_slice %arg2[%dma_wait3A_316, %add3A_315, %dma_wait3A_326] : memref<4x4096x768xf32, #tpu.memory_space<hbm>> -> memref<1x8x768xf32, #tpu.memory_space<hbm>>
      %dma_wait3A_328 = tpu.memref_squeeze %dma_wait3A_327 : memref<1x8x768xf32, #tpu.memory_space<hbm>> -> memref<8x768xf32, #tpu.memory_space<hbm>>
      tpu.wait_dma2 semaphore(%arg6 : memref<!tpu.dma_semaphore, #tpu.memory_space<semaphore_mem>>) src(%dma_wait3A_328 : memref<8x768xf32, #tpu.memory_space<hbm>>) dst(%dma_wait3A_325 : memref<8x768xf32, #tpu.memory_space<vmem>>)
      %mul3A_329 = arith.constant 8 : i32
      %mul3A_330 = arith.muli %add3A_275, %mul3A_329 : i32
      %add3A_331 = arith.addi %mul3A_2, %mul3A_330 : i32
      %dma_wait3A_332 = arith.constant 2 : i32
      %dma_wait3A_333 = arith.constant 96 : i32
      %dma_wait3A_334 = arith.constant 0 : i32
      %dma_wait3A_335 = tpu.memref_slice %arg5[%dma_wait3A_333, %dma_wait3A_334] : memref<160x768xf32, #tpu.memory_space<vmem>> -> memref<8x768xf32, #tpu.memory_space<vmem>>
      %dma_wait3A_336 = arith.constant 0 : i32
      %dma_wait3A_337 = tpu.memref_slice %arg2[%dma_wait3A_332, %add3A_331, %dma_wait3A_336] : memref<4x4096x768xf32, #tpu.memory_space<hbm>> -> memref<1x8x768xf32, #tpu.memory_space<hbm>>
      %dma_wait3A_338 = tpu.memref_squeeze %dma_wait3A_337 : memref<1x8x768xf32, #tpu.memory_space<hbm>> -> memref<8x768xf32, #tpu.memory_space<hbm>>
      %dma_wait3A_339 = arith.constant 96 : i32
      %dma_wait3A_340 = arith.constant 0 : i32
      %dma_wait3A_341 = tpu.memref_slice %arg5[%dma_wait3A_339, %dma_wait3A_340] : memref<160x768xf32, #tpu.memory_space<vmem>> -> memref<8x768xf32, #tpu.memory_space<vmem>>
      %dma_wait3A_342 = arith.constant 0 : i32
      %dma_wait3A_343 = tpu.memref_slice %arg2[%dma_wait3A_332, %add3A_331, %dma_wait3A_342] : memref<4x4096x768xf32, #tpu.memory_space<hbm>> -> memref<1x8x768xf32, #tpu.memory_space<hbm>>
      %dma_wait3A_344 = tpu.memref_squeeze %dma_wait3A_343 : memref<1x8x768xf32, #tpu.memory_space<hbm>> -> memref<8x768xf32, #tpu.memory_space<hbm>>
      tpu.wait_dma2 semaphore(%arg6 : memref<!tpu.dma_semaphore, #tpu.memory_space<semaphore_mem>>) src(%dma_wait3A_344 : memref<8x768xf32, #tpu.memory_space<hbm>>) dst(%dma_wait3A_341 : memref<8x768xf32, #tpu.memory_space<vmem>>)
      %mul3A_345 = arith.constant 8 : i32
      %mul3A_346 = arith.muli %add3A_275, %mul3A_345 : i32
      %add3A_347 = arith.addi %mul3A_2, %mul3A_346 : i32
      %dma_wait3A_348 = arith.constant 3 : i32
      %dma_wait3A_349 = arith.constant 128 : i32
      %dma_wait3A_350 = arith.constant 0 : i32
      %dma_wait3A_351 = tpu.memref_slice %arg5[%dma_wait3A_349, %dma_wait3A_350] : memref<160x768xf32, #tpu.memory_space<vmem>> -> memref<8x768xf32, #tpu.memory_space<vmem>>
      %dma_wait3A_352 = arith.constant 0 : i32
      %dma_wait3A_353 = tpu.memref_slice %arg2[%dma_wait3A_348, %add3A_347, %dma_wait3A_352] : memref<4x4096x768xf32, #tpu.memory_space<hbm>> -> memref<1x8x768xf32, #tpu.memory_space<hbm>>
      %dma_wait3A_354 = tpu.memref_squeeze %dma_wait3A_353 : memref<1x8x768xf32, #tpu.memory_space<hbm>> -> memref<8x768xf32, #tpu.memory_space<hbm>>
      %dma_wait3A_355 = arith.constant 128 : i32
      %dma_wait3A_356 = arith.constant 0 : i32
      %dma_wait3A_357 = tpu.memref_slice %arg5[%dma_wait3A_355, %dma_wait3A_356] : memref<160x768xf32, #tpu.memory_space<vmem>> -> memref<8x768xf32, #tpu.memory_space<vmem>>
      %dma_wait3A_358 = arith.constant 0 : i32
      %dma_wait3A_359 = tpu.memref_slice %arg2[%dma_wait3A_348, %add3A_347, %dma_wait3A_358] : memref<4x4096x768xf32, #tpu.memory_space<hbm>> -> memref<1x8x768xf32, #tpu.memory_space<hbm>>
      %dma_wait3A_360 = tpu.memref_squeeze %dma_wait3A_359 : memref<1x8x768xf32, #tpu.memory_space<hbm>> -> memref<8x768xf32, #tpu.memory_space<hbm>>
      tpu.wait_dma2 semaphore(%arg6 : memref<!tpu.dma_semaphore, #tpu.memory_space<semaphore_mem>>) src(%dma_wait3A_360 : memref<8x768xf32, #tpu.memory_space<hbm>>) dst(%dma_wait3A_357 : memref<8x768xf32, #tpu.memory_space<vmem>>)
      %parallel_loop3A = arith.constant 0 : i32
      %parallel_loop3A_361 = arith.constant 8 : i32
      %parallel_loop3A_362 = arith.constant 1 : i32
      scf.for %parallel_loop3A_901 = %parallel_loop3A to %parallel_loop3A_361 step %parallel_loop3A_362  : i32 {
        %parallel_loop3A_902 = arith.constant 0 : i32
        %parallel_loop3A_903 = arith.constant 48 : i32
        %parallel_loop3A_904 = arith.constant 1 : i32
        scf.for %parallel_loop3A_905 = %parallel_loop3A_902 to %parallel_loop3A_903 step %parallel_loop3A_904  : i32 {
          %parallel_loop3A_906 = arith.constant 0 : i32
          %parallel_loop3A_907 = arith.addi %parallel_loop3A_906, %parallel_loop3A_901 : i32
          %parallel_loop3A_908 = arith.constant 16 : i32
          %parallel_loop3A_909 = arith.muli %parallel_loop3A_905, %parallel_loop3A_908 : i32
          %parallel_loop3A_910 = arith.index_cast %parallel_loop3A_907 : i32 to index
          %parallel_loop3A_911 = arith.index_cast %parallel_loop3A_909 : i32 to index
          %parallel_loop3A_912 = tpu.vector_load %arg5[%parallel_loop3A_910, %parallel_loop3A_911] {strides = array<i32>} : memref<160x768xf32, #tpu.memory_space<vmem>>, vector<1x16xf32>,
          %parallel_loop3A_913 = vector.shape_cast %parallel_loop3A_912 : vector<1x16xf32> to vector<16xf32>
          %parallel_loop3A_914 = arith.constant 32 : i32
          %parallel_loop3A_915 = arith.addi %parallel_loop3A_914, %parallel_loop3A_901 : i32
          %parallel_loop3A_916 = arith.constant 16 : i32
          %parallel_loop3A_917 = arith.muli %parallel_loop3A_905, %parallel_loop3A_916 : i32
          %parallel_loop3A_918 = arith.index_cast %parallel_loop3A_915 : i32 to index
          %parallel_loop3A_919 = arith.index_cast %parallel_loop3A_917 : i32 to index
          %parallel_loop3A_920 = tpu.vector_load %arg5[%parallel_loop3A_918, %parallel_loop3A_919] {strides = array<i32>} : memref<160x768xf32, #tpu.memory_space<vmem>>, vector<1x16xf32>,
          %parallel_loop3A_921 = vector.shape_cast %parallel_loop3A_920 : vector<1x16xf32> to vector<16xf32>
          %parallel_loop3A_922 = vector.shape_cast %parallel_loop3A_913 : vector<16xf32> to vector<1x16xf32>
          tpu.vector_store %arg5[%parallel_loop3A_918, %parallel_loop3A_919], %parallel_loop3A_922 {add = true, strides = array<i32>} : memref<160x768xf32, #tpu.memory_space<vmem>>, vector<1x16xf32>,
          %parallel_loop3A_923 = arith.constant 64 : i32
          %parallel_loop3A_924 = arith.addi %parallel_loop3A_923, %parallel_loop3A_901 : i32
          %parallel_loop3A_925 = arith.constant 16 : i32
          %parallel_loop3A_926 = arith.muli %parallel_loop3A_905, %parallel_loop3A_925 : i32
          %parallel_loop3A_927 = arith.index_cast %parallel_loop3A_924 : i32 to index
          %parallel_loop3A_928 = arith.index_cast %parallel_loop3A_926 : i32 to index
          %parallel_loop3A_929 = tpu.vector_load %arg5[%parallel_loop3A_927, %parallel_loop3A_928] {strides = array<i32>} : memref<160x768xf32, #tpu.memory_space<vmem>>, vector<1x16xf32>,
          %parallel_loop3A_930 = vector.shape_cast %parallel_loop3A_929 : vector<1x16xf32> to vector<16xf32>
          %parallel_loop3A_931 = vector.shape_cast %parallel_loop3A_913 : vector<16xf32> to vector<1x16xf32>
          tpu.vector_store %arg5[%parallel_loop3A_927, %parallel_loop3A_928], %parallel_loop3A_931 {add = true, strides = array<i32>} : memref<160x768xf32, #tpu.memory_space<vmem>>, vector<1x16xf32>,
          %parallel_loop3A_932 = arith.constant 96 : i32
          %parallel_loop3A_933 = arith.addi %parallel_loop3A_932, %parallel_loop3A_901 : i32
          %parallel_loop3A_934 = arith.constant 16 : i32
          %parallel_loop3A_935 = arith.muli %parallel_loop3A_905, %parallel_loop3A_934 : i32
          %parallel_loop3A_936 = arith.index_cast %parallel_loop3A_933 : i32 to index
          %parallel_loop3A_937 = arith.index_cast %parallel_loop3A_935 : i32 to index
          %parallel_loop3A_938 = tpu.vector_load %arg5[%parallel_loop3A_936, %parallel_loop3A_937] {strides = array<i32>} : memref<160x768xf32, #tpu.memory_space<vmem>>, vector<1x16xf32>,
          %parallel_loop3A_939 = vector.shape_cast %parallel_loop3A_938 : vector<1x16xf32> to vector<16xf32>
          %parallel_loop3A_940 = vector.shape_cast %parallel_loop3A_913 : vector<16xf32> to vector<1x16xf32>
          tpu.vector_store %arg5[%parallel_loop3A_936, %parallel_loop3A_937], %parallel_loop3A_940 {add = true, strides = array<i32>} : memref<160x768xf32, #tpu.memory_space<vmem>>, vector<1x16xf32>,
          %parallel_loop3A_941 = arith.constant 128 : i32
          %parallel_loop3A_942 = arith.addi %parallel_loop3A_941, %parallel_loop3A_901 : i32
          %parallel_loop3A_943 = arith.constant 16 : i32
          %parallel_loop3A_944 = arith.muli %parallel_loop3A_905, %parallel_loop3A_943 : i32
          %parallel_loop3A_945 = arith.index_cast %parallel_loop3A_942 : i32 to index
          %parallel_loop3A_946 = arith.index_cast %parallel_loop3A_944 : i32 to index
          %parallel_loop3A_947 = tpu.vector_load %arg5[%parallel_loop3A_945, %parallel_loop3A_946] {strides = array<i32>} : memref<160x768xf32, #tpu.memory_space<vmem>>, vector<1x16xf32>,
          %parallel_loop3A_948 = vector.shape_cast %parallel_loop3A_947 : vector<1x16xf32> to vector<16xf32>
          %parallel_loop3A_949 = vector.shape_cast %parallel_loop3A_913 : vector<16xf32> to vector<1x16xf32>
          tpu.vector_store %arg5[%parallel_loop3A_945, %parallel_loop3A_946], %parallel_loop3A_949 {add = true, strides = array<i32>} : memref<160x768xf32, #tpu.memory_space<vmem>>, vector<1x16xf32>,
        } {sc.loop_unroll_factor = 4 : i64, sc.parallel_access}
      } {sc.loop_unroll_factor = 1 : i64, sc.parallel_access}
      %mul3A_363 = arith.constant 8 : i32
      %mul3A_364 = arith.muli %add3A_275, %mul3A_363 : i32
      %add3A_365 = arith.addi %mul3A_2, %mul3A_364 : i32
      %dma_start3A_366 = arith.constant 0 : i32
      %dma_start3A_367 = arith.constant 32 : i32
      %dma_start3A_368 = arith.constant 0 : i32
      %dma_start3A_369 = tpu.memref_slice %arg5[%dma_start3A_367, %dma_start3A_368] : memref<160x768xf32, #tpu.memory_space<vmem>> -> memref<8x768xf32, #tpu.memory_space<vmem>>
      %dma_start3A_370 = arith.constant 0 : i32
      %dma_start3A_371 = tpu.memref_slice %arg4[%dma_start3A_366, %add3A_365, %dma_start3A_370] : memref<4x4096x768xf32, #tpu.memory_space<hbm>> -> memref<1x8x768xf32, #tpu.memory_space<hbm>>
      %dma_start3A_372 = tpu.memref_squeeze %dma_start3A_371 : memref<1x8x768xf32, #tpu.memory_space<hbm>> -> memref<8x768xf32, #tpu.memory_space<hbm>>
      %dma_start3A_373 = arith.constant 0 : i32
      %dma_start3A_374 = tpu.memref_slice %arg4[%dma_start3A_366, %add3A_365, %dma_start3A_373] : memref<4x4096x768xf32, #tpu.memory_space<hbm>> -> memref<1x8x768xf32, #tpu.memory_space<hbm>>
      %dma_start3A_375 = tpu.memref_squeeze %dma_start3A_374 : memref<1x8x768xf32, #tpu.memory_space<hbm>> -> memref<8x768xf32, #tpu.memory_space<hbm>>
      %dma_start3A_376 = arith.constant 32 : i32
      %dma_start3A_377 = arith.constant 0 : i32
      %dma_start3A_378 = tpu.memref_slice %arg5[%dma_start3A_376, %dma_start3A_377] : memref<160x768xf32, #tpu.memory_space<vmem>> -> memref<8x768xf32, #tpu.memory_space<vmem>>
      tpu.enqueue_dma source(%dma_start3A_378 : memref<8x768xf32, #tpu.memory_space<vmem>>) target(%dma_start3A_375 : memref<8x768xf32, #tpu.memory_space<hbm>>) target_semaphore(%arg10 : memref<!tpu.dma_semaphore, #tpu.memory_space<semaphore_mem>>)
      %mul3A_379 = arith.constant 8 : i32
      %mul3A_380 = arith.muli %add3A_275, %mul3A_379 : i32
      %add3A_381 = arith.addi %mul3A_2, %mul3A_380 : i32
      %dma_start3A_382 = arith.constant 1 : i32
      %dma_start3A_383 = arith.constant 64 : i32
      %dma_start3A_384 = arith.constant 0 : i32
      %dma_start3A_385 = tpu.memref_slice %arg5[%dma_start3A_383, %dma_start3A_384] : memref<160x768xf32, #tpu.memory_space<vmem>> -> memref<8x768xf32, #tpu.memory_space<vmem>>
      %dma_start3A_386 = arith.constant 0 : i32
      %dma_start3A_387 = tpu.memref_slice %arg4[%dma_start3A_382, %add3A_381, %dma_start3A_386] : memref<4x4096x768xf32, #tpu.memory_space<hbm>> -> memref<1x8x768xf32, #tpu.memory_space<hbm>>
      %dma_start3A_388 = tpu.memref_squeeze %dma_start3A_387 : memref<1x8x768xf32, #tpu.memory_space<hbm>> -> memref<8x768xf32, #tpu.memory_space<hbm>>
      %dma_start3A_389 = arith.constant 0 : i32
      %dma_start3A_390 = tpu.memref_slice %arg4[%dma_start3A_382, %add3A_381, %dma_start3A_389] : memref<4x4096x768xf32, #tpu.memory_space<hbm>> -> memref<1x8x768xf32, #tpu.memory_space<hbm>>
      %dma_start3A_391 = tpu.memref_squeeze %dma_start3A_390 : memref<1x8x768xf32, #tpu.memory_space<hbm>> -> memref<8x768xf32, #tpu.memory_space<hbm>>
      %dma_start3A_392 = arith.constant 64 : i32
      %dma_start3A_393 = arith.constant 0 : i32
      %dma_start3A_394 = tpu.memref_slice %arg5[%dma_start3A_392, %dma_start3A_393] : memref<160x768xf32, #tpu.memory_space<vmem>> -> memref<8x768xf32, #tpu.memory_space<vmem>>
      tpu.enqueue_dma source(%dma_start3A_394 : memref<8x768xf32, #tpu.memory_space<vmem>>) target(%dma_start3A_391 : memref<8x768xf32, #tpu.memory_space<hbm>>) target_semaphore(%arg10 : memref<!tpu.dma_semaphore, #tpu.memory_space<semaphore_mem>>)
      %mul3A_395 = arith.constant 8 : i32
      %mul3A_396 = arith.muli %add3A_275, %mul3A_395 : i32
      %add3A_397 = arith.addi %mul3A_2, %mul3A_396 : i32
      %dma_start3A_398 = arith.constant 2 : i32
      %dma_start3A_399 = arith.constant 96 : i32
      %dma_start3A_400 = arith.constant 0 : i32
      %dma_start3A_401 = tpu.memref_slice %arg5[%dma_start3A_399, %dma_start3A_400] : memref<160x768xf32, #tpu.memory_space<vmem>> -> memref<8x768xf32, #tpu.memory_space<vmem>>
      %dma_start3A_402 = arith.constant 0 : i32
      %dma_start3A_403 = tpu.memref_slice %arg4[%dma_start3A_398, %add3A_397, %dma_start3A_402] : memref<4x4096x768xf32, #tpu.memory_space<hbm>> -> memref<1x8x768xf32, #tpu.memory_space<hbm>>
      %dma_start3A_404 = tpu.memref_squeeze %dma_start3A_403 : memref<1x8x768xf32, #tpu.memory_space<hbm>> -> memref<8x768xf32, #tpu.memory_space<hbm>>
      %dma_start3A_405 = arith.constant 0 : i32
      %dma_start3A_406 = tpu.memref_slice %arg4[%dma_start3A_398, %add3A_397, %dma_start3A_405] : memref<4x4096x768xf32, #tpu.memory_space<hbm>> -> memref<1x8x768xf32, #tpu.memory_space<hbm>>
      %dma_start3A_407 = tpu.memref_squeeze %dma_start3A_406 : memref<1x8x768xf32, #tpu.memory_space<hbm>> -> memref<8x768xf32, #tpu.memory_space<hbm>>
      %dma_start3A_408 = arith.constant 96 : i32
      %dma_start3A_409 = arith.constant 0 : i32
      %dma_start3A_410 = tpu.memref_slice %arg5[%dma_start3A_408, %dma_start3A_409] : memref<160x768xf32, #tpu.memory_space<vmem>> -> memref<8x768xf32, #tpu.memory_space<vmem>>
      tpu.enqueue_dma source(%dma_start3A_410 : memref<8x768xf32, #tpu.memory_space<vmem>>) target(%dma_start3A_407 : memref<8x768xf32, #tpu.memory_space<hbm>>) target_semaphore(%arg10 : memref<!tpu.dma_semaphore, #tpu.memory_space<semaphore_mem>>)
      %mul3A_411 = arith.constant 8 : i32
      %mul3A_412 = arith.muli %add3A_275, %mul3A_411 : i32
      %add3A_413 = arith.addi %mul3A_2, %mul3A_412 : i32
      %dma_start3A_414 = arith.constant 3 : i32
      %dma_start3A_415 = arith.constant 128 : i32
      %dma_start3A_416 = arith.constant 0 : i32
      %dma_start3A_417 = tpu.memref_slice %arg5[%dma_start3A_415, %dma_start3A_416] : memref<160x768xf32, #tpu.memory_space<vmem>> -> memref<8x768xf32, #tpu.memory_space<vmem>>
      %dma_start3A_418 = arith.constant 0 : i32
      %dma_start3A_419 = tpu.memref_slice %arg4[%dma_start3A_414, %add3A_413, %dma_start3A_418] : memref<4x4096x768xf32, #tpu.memory_space<hbm>> -> memref<1x8x768xf32, #tpu.memory_space<hbm>>
      %dma_start3A_420 = tpu.memref_squeeze %dma_start3A_419 : memref<1x8x768xf32, #tpu.memory_space<hbm>> -> memref<8x768xf32, #tpu.memory_space<hbm>>
      %dma_start3A_421 = arith.constant 0 : i32
      %dma_start3A_422 = tpu.memref_slice %arg4[%dma_start3A_414, %add3A_413, %dma_start3A_421] : memref<4x4096x768xf32, #tpu.memory_space<hbm>> -> memref<1x8x768xf32, #tpu.memory_space<hbm>>
      %dma_start3A_423 = tpu.memref_squeeze %dma_start3A_422 : memref<1x8x768xf32, #tpu.memory_space<hbm>> -> memref<8x768xf32, #tpu.memory_space<hbm>>
      %dma_start3A_424 = arith.constant 128 : i32
      %dma_start3A_425 = arith.constant 0 : i32
      %dma_start3A_426 = tpu.memref_slice %arg5[%dma_start3A_424, %dma_start3A_425] : memref<160x768xf32, #tpu.memory_space<vmem>> -> memref<8x768xf32, #tpu.memory_space<vmem>>
      tpu.enqueue_dma source(%dma_start3A_426 : memref<8x768xf32, #tpu.memory_space<vmem>>) target(%dma_start3A_423 : memref<8x768xf32, #tpu.memory_space<hbm>>) target_semaphore(%arg10 : memref<!tpu.dma_semaphore, #tpu.memory_space<semaphore_mem>>)
      %add3A_427 = arith.constant 1 : i32
      %add3A_428 = arith.addi %add3A_273, %add3A_427 : i32
      %ge3A_429 = arith.constant 2 : i32
      %ge3A_430 = arith.cmpi sge, %add3A_428, %ge3A_429 : i32
      %convert_element_type3A_431 = arith.extui %ge3A_430 : i1 to i32
      %cond3A_432 = arith.constant 0 : i32
      %cond3A_433 = arith.cmpi ne, %convert_element_type3A_431, %cond3A_432 : i32
      scf.if %cond3A_433 {
        %sub3A = arith.constant 2 : i32
        %sub3A_901 = arith.subi %add3A_428, %sub3A : i32
        %mul3A_902 = arith.constant 8 : i32
        %mul3A_903 = arith.muli %sub3A_901, %mul3A_902 : i32
        %add3A_904 = arith.addi %mul3A_2, %mul3A_903 : i32
        %dma_wait3A_905 = arith.constant 0 : i32
        %dma_wait3A_906 = arith.constant 56 : i32
        %dma_wait3A_907 = arith.constant 0 : i32
        %dma_wait3A_908 = tpu.memref_slice %arg5[%dma_wait3A_906, %dma_wait3A_907] : memref<160x768xf32, #tpu.memory_space<vmem>> -> memref<8x768xf32, #tpu.memory_space<vmem>>
        %dma_wait3A_909 = arith.constant 0 : i32
        %dma_wait3A_910 = tpu.memref_slice %arg4[%dma_wait3A_905, %add3A_904, %dma_wait3A_909] : memref<4x4096x768xf32, #tpu.memory_space<hbm>> -> memref<1x8x768xf32, #tpu.memory_space<hbm>>
        %dma_wait3A_911 = tpu.memref_squeeze %dma_wait3A_910 : memref<1x8x768xf32, #tpu.memory_space<hbm>> -> memref<8x768xf32, #tpu.memory_space<hbm>>
        %dma_wait3A_912 = arith.constant 0 : i32
        %dma_wait3A_913 = tpu.memref_slice %arg4[%dma_wait3A_905, %add3A_904, %dma_wait3A_912] : memref<4x4096x768xf32, #tpu.memory_space<hbm>> -> memref<1x8x768xf32, #tpu.memory_space<hbm>>
        %dma_wait3A_914 = tpu.memref_squeeze %dma_wait3A_913 : memref<1x8x768xf32, #tpu.memory_space<hbm>> -> memref<8x768xf32, #tpu.memory_space<hbm>>
        %dma_wait3A_915 = arith.constant 56 : i32
        %dma_wait3A_916 = arith.constant 0 : i32
        %dma_wait3A_917 = tpu.memref_slice %arg5[%dma_wait3A_915, %dma_wait3A_916] : memref<160x768xf32, #tpu.memory_space<vmem>> -> memref<8x768xf32, #tpu.memory_space<vmem>>
        tpu.wait_dma2 semaphore(%arg13 : memref<!tpu.dma_semaphore, #tpu.memory_space<semaphore_mem>>) src(%dma_wait3A_917 : memref<8x768xf32, #tpu.memory_space<vmem>>) dst(%dma_wait3A_914 : memref<8x768xf32, #tpu.memory_space<hbm>>)
        %sub3A_918 = arith.constant 2 : i32
        %sub3A_919 = arith.subi %add3A_428, %sub3A_918 : i32
        %mul3A_920 = arith.constant 8 : i32
        %mul3A_921 = arith.muli %sub3A_919, %mul3A_920 : i32
        %add3A_922 = arith.addi %mul3A_2, %mul3A_921 : i32
        %dma_wait3A_923 = arith.constant 1 : i32
        %dma_wait3A_924 = arith.constant 88 : i32
        %dma_wait3A_925 = arith.constant 0 : i32
        %dma_wait3A_926 = tpu.memref_slice %arg5[%dma_wait3A_924, %dma_wait3A_925] : memref<160x768xf32, #tpu.memory_space<vmem>> -> memref<8x768xf32, #tpu.memory_space<vmem>>
        %dma_wait3A_927 = arith.constant 0 : i32
        %dma_wait3A_928 = tpu.memref_slice %arg4[%dma_wait3A_923, %add3A_922, %dma_wait3A_927] : memref<4x4096x768xf32, #tpu.memory_space<hbm>> -> memref<1x8x768xf32, #tpu.memory_space<hbm>>
        %dma_wait3A_929 = tpu.memref_squeeze %dma_wait3A_928 : memref<1x8x768xf32, #tpu.memory_space<hbm>> -> memref<8x768xf32, #tpu.memory_space<hbm>>
        %dma_wait3A_930 = arith.constant 0 : i32
        %dma_wait3A_931 = tpu.memref_slice %arg4[%dma_wait3A_923, %add3A_922, %dma_wait3A_930] : memref<4x4096x768xf32, #tpu.memory_space<hbm>> -> memref<1x8x768xf32, #tpu.memory_space<hbm>>
        %dma_wait3A_932 = tpu.memref_squeeze %dma_wait3A_931 : memref<1x8x768xf32, #tpu.memory_space<hbm>> -> memref<8x768xf32, #tpu.memory_space<hbm>>
        %dma_wait3A_933 = arith.constant 88 : i32
        %dma_wait3A_934 = arith.constant 0 : i32
        %dma_wait3A_935 = tpu.memref_slice %arg5[%dma_wait3A_933, %dma_wait3A_934] : memref<160x768xf32, #tpu.memory_space<vmem>> -> memref<8x768xf32, #tpu.memory_space<vmem>>
        tpu.wait_dma2 semaphore(%arg13 : memref<!tpu.dma_semaphore, #tpu.memory_space<semaphore_mem>>) src(%dma_wait3A_935 : memref<8x768xf32, #tpu.memory_space<vmem>>) dst(%dma_wait3A_932 : memref<8x768xf32, #tpu.memory_space<hbm>>)
        %sub3A_936 = arith.constant 2 : i32
        %sub3A_937 = arith.subi %add3A_428, %sub3A_936 : i32
        %mul3A_938 = arith.constant 8 : i32
        %mul3A_939 = arith.muli %sub3A_937, %mul3A_938 : i32
        %add3A_940 = arith.addi %mul3A_2, %mul3A_939 : i32
        %dma_wait3A_941 = arith.constant 2 : i32
        %dma_wait3A_942 = arith.constant 120 : i32
        %dma_wait3A_943 = arith.constant 0 : i32
        %dma_wait3A_944 = tpu.memref_slice %arg5[%dma_wait3A_942, %dma_wait3A_943] : memref<160x768xf32, #tpu.memory_space<vmem>> -> memref<8x768xf32, #tpu.memory_space<vmem>>
        %dma_wait3A_945 = arith.constant 0 : i32
        %dma_wait3A_946 = tpu.memref_slice %arg4[%dma_wait3A_941, %add3A_940, %dma_wait3A_945] : memref<4x4096x768xf32, #tpu.memory_space<hbm>> -> memref<1x8x768xf32, #tpu.memory_space<hbm>>
        %dma_wait3A_947 = tpu.memref_squeeze %dma_wait3A_946 : memref<1x8x768xf32, #tpu.memory_space<hbm>> -> memref<8x768xf32, #tpu.memory_space<hbm>>
        %dma_wait3A_948 = arith.constant 0 : i32
        %dma_wait3A_949 = tpu.memref_slice %arg4[%dma_wait3A_941, %add3A_940, %dma_wait3A_948] : memref<4x4096x768xf32, #tpu.memory_space<hbm>> -> memref<1x8x768xf32, #tpu.memory_space<hbm>>
        %dma_wait3A_950 = tpu.memref_squeeze %dma_wait3A_949 : memref<1x8x768xf32, #tpu.memory_space<hbm>> -> memref<8x768xf32, #tpu.memory_space<hbm>>
        %dma_wait3A_951 = arith.constant 120 : i32
        %dma_wait3A_952 = arith.constant 0 : i32
        %dma_wait3A_953 = tpu.memref_slice %arg5[%dma_wait3A_951, %dma_wait3A_952] : memref<160x768xf32, #tpu.memory_space<vmem>> -> memref<8x768xf32, #tpu.memory_space<vmem>>
        tpu.wait_dma2 semaphore(%arg13 : memref<!tpu.dma_semaphore, #tpu.memory_space<semaphore_mem>>) src(%dma_wait3A_953 : memref<8x768xf32, #tpu.memory_space<vmem>>) dst(%dma_wait3A_950 : memref<8x768xf32, #tpu.memory_space<hbm>>)
        %sub3A_954 = arith.constant 2 : i32
        %sub3A_955 = arith.subi %add3A_428, %sub3A_954 : i32
        %mul3A_956 = arith.constant 8 : i32
        %mul3A_957 = arith.muli %sub3A_955, %mul3A_956 : i32
        %add3A_958 = arith.addi %mul3A_2, %mul3A_957 : i32
        %dma_wait3A_959 = arith.constant 3 : i32
        %dma_wait3A_960 = arith.constant 152 : i32
        %dma_wait3A_961 = arith.constant 0 : i32
        %dma_wait3A_962 = tpu.memref_slice %arg5[%dma_wait3A_960, %dma_wait3A_961] : memref<160x768xf32, #tpu.memory_space<vmem>> -> memref<8x768xf32, #tpu.memory_space<vmem>>
        %dma_wait3A_963 = arith.constant 0 : i32
        %dma_wait3A_964 = tpu.memref_slice %arg4[%dma_wait3A_959, %add3A_958, %dma_wait3A_963] : memref<4x4096x768xf32, #tpu.memory_space<hbm>> -> memref<1x8x768xf32, #tpu.memory_space<hbm>>
        %dma_wait3A_965 = tpu.memref_squeeze %dma_wait3A_964 : memref<1x8x768xf32, #tpu.memory_space<hbm>> -> memref<8x768xf32, #tpu.memory_space<hbm>>
        %dma_wait3A_966 = arith.constant 0 : i32
        %dma_wait3A_967 = tpu.memref_slice %arg4[%dma_wait3A_959, %add3A_958, %dma_wait3A_966] : memref<4x4096x768xf32, #tpu.memory_space<hbm>> -> memref<1x8x768xf32, #tpu.memory_space<hbm>>
        %dma_wait3A_968 = tpu.memref_squeeze %dma_wait3A_967 : memref<1x8x768xf32, #tpu.memory_space<hbm>> -> memref<8x768xf32, #tpu.memory_space<hbm>>
        %dma_wait3A_969 = arith.constant 152 : i32
        %dma_wait3A_970 = arith.constant 0 : i32
        %dma_wait3A_971 = tpu.memref_slice %arg5[%dma_wait3A_969, %dma_wait3A_970] : memref<160x768xf32, #tpu.memory_space<vmem>> -> memref<8x768xf32, #tpu.memory_space<vmem>>
        tpu.wait_dma2 semaphore(%arg13 : memref<!tpu.dma_semaphore, #tpu.memory_space<semaphore_mem>>) src(%dma_wait3A_971 : memref<8x768xf32, #tpu.memory_space<vmem>>) dst(%dma_wait3A_968 : memref<8x768xf32, #tpu.memory_space<hbm>>)
      } else {
      }
      %add3A_434 = arith.constant 2 : i32
      %add3A_435 = arith.addi %add3A_428, %add3A_434 : i32
      %lt3A_436 = arith.constant 16 : i32
      %lt3A_437 = arith.cmpi slt, %add3A_435, %lt3A_436 : i32
      %convert_element_type3A_438 = arith.extui %lt3A_437 : i1 to i32
      %cond3A_439 = arith.constant 0 : i32
      %cond3A_440 = arith.cmpi ne, %convert_element_type3A_438, %cond3A_439 : i32
      scf.if %cond3A_440 {
        %add3A_901 = arith.constant 2 : i32
        %add3A_902 = arith.addi %add3A_428, %add3A_901 : i32
        %mul3A_903 = arith.constant 8 : i32
        %mul3A_904 = arith.muli %add3A_902, %mul3A_903 : i32
        %add3A_905 = arith.addi %mul3A_2, %mul3A_904 : i32
        %dma_start3A_906 = arith.constant 24 : i32
        %dma_start3A_907 = arith.constant 0 : i32
        %dma_start3A_908 = tpu.memref_slice %arg5[%dma_start3A_906, %dma_start3A_907] : memref<160x768xf32, #tpu.memory_space<vmem>> -> memref<8x768xf32, #tpu.memory_space<vmem>>
        %dma_start3A_909 = arith.constant 0 : i32
        %dma_start3A_910 = tpu.memref_slice %arg3[%add3A_905, %dma_start3A_909] : memref<4096x768xf32, #tpu.memory_space<hbm>> -> memref<8x768xf32, #tpu.memory_space<hbm>>
        %dma_start3A_911 = arith.constant 24 : i32
        %dma_start3A_912 = arith.constant 0 : i32
        %dma_start3A_913 = tpu.memref_slice %arg5[%dma_start3A_911, %dma_start3A_912] : memref<160x768xf32, #tpu.memory_space<vmem>> -> memref<8x768xf32, #tpu.memory_space<vmem>>
        %dma_start3A_914 = arith.constant 0 : i32
        %dma_start3A_915 = tpu.memref_slice %arg3[%add3A_905, %dma_start3A_914] : memref<4096x768xf32, #tpu.memory_space<hbm>> -> memref<8x768xf32, #tpu.memory_space<hbm>>
        tpu.enqueue_dma source(%dma_start3A_915 : memref<8x768xf32, #tpu.memory_space<hbm>>) target(%dma_start3A_913 : memref<8x768xf32, #tpu.memory_space<vmem>>) target_semaphore(%arg9 : memref<!tpu.dma_semaphore, #tpu.memory_space<semaphore_mem>>)
        %mul3A_916 = arith.constant 8 : i32
        %mul3A_917 = arith.muli %add3A_902, %mul3A_916 : i32
        %add3A_918 = arith.addi %mul3A_2, %mul3A_917 : i32
        %dma_start3A_919 = arith.constant 0 : i32
        %dma_start3A_920 = arith.constant 56 : i32
        %dma_start3A_921 = arith.constant 0 : i32
        %dma_start3A_922 = tpu.memref_slice %arg5[%dma_start3A_920, %dma_start3A_921] : memref<160x768xf32, #tpu.memory_space<vmem>> -> memref<8x768xf32, #tpu.memory_space<vmem>>
        %dma_start3A_923 = arith.constant 0 : i32
        %dma_start3A_924 = tpu.memref_slice %arg2[%dma_start3A_919, %add3A_918, %dma_start3A_923] : memref<4x4096x768xf32, #tpu.memory_space<hbm>> -> memref<1x8x768xf32, #tpu.memory_space<hbm>>
        %dma_start3A_925 = tpu.memref_squeeze %dma_start3A_924 : memref<1x8x768xf32, #tpu.memory_space<hbm>> -> memref<8x768xf32, #tpu.memory_space<hbm>>
        %dma_start3A_926 = arith.constant 56 : i32
        %dma_start3A_927 = arith.constant 0 : i32
        %dma_start3A_928 = tpu.memref_slice %arg5[%dma_start3A_926, %dma_start3A_927] : memref<160x768xf32, #tpu.memory_space<vmem>> -> memref<8x768xf32, #tpu.memory_space<vmem>>
        %dma_start3A_929 = arith.constant 0 : i32
        %dma_start3A_930 = tpu.memref_slice %arg2[%dma_start3A_919, %add3A_918, %dma_start3A_929] : memref<4x4096x768xf32, #tpu.memory_space<hbm>> -> memref<1x8x768xf32, #tpu.memory_space<hbm>>
        %dma_start3A_931 = tpu.memref_squeeze %dma_start3A_930 : memref<1x8x768xf32, #tpu.memory_space<hbm>> -> memref<8x768xf32, #tpu.memory_space<hbm>>
        tpu.enqueue_dma source(%dma_start3A_931 : memref<8x768xf32, #tpu.memory_space<hbm>>) target(%dma_start3A_928 : memref<8x768xf32, #tpu.memory_space<vmem>>) target_semaphore(%arg9 : memref<!tpu.dma_semaphore, #tpu.memory_space<semaphore_mem>>)
        %mul3A_932 = arith.constant 8 : i32
        %mul3A_933 = arith.muli %add3A_902, %mul3A_932 : i32
        %add3A_934 = arith.addi %mul3A_2, %mul3A_933 : i32
        %dma_start3A_935 = arith.constant 1 : i32
        %dma_start3A_936 = arith.constant 88 : i32
        %dma_start3A_937 = arith.constant 0 : i32
        %dma_start3A_938 = tpu.memref_slice %arg5[%dma_start3A_936, %dma_start3A_937] : memref<160x768xf32, #tpu.memory_space<vmem>> -> memref<8x768xf32, #tpu.memory_space<vmem>>
        %dma_start3A_939 = arith.constant 0 : i32
        %dma_start3A_940 = tpu.memref_slice %arg2[%dma_start3A_935, %add3A_934, %dma_start3A_939] : memref<4x4096x768xf32, #tpu.memory_space<hbm>> -> memref<1x8x768xf32, #tpu.memory_space<hbm>>
        %dma_start3A_941 = tpu.memref_squeeze %dma_start3A_940 : memref<1x8x768xf32, #tpu.memory_space<hbm>> -> memref<8x768xf32, #tpu.memory_space<hbm>>
        %dma_start3A_942 = arith.constant 88 : i32
        %dma_start3A_943 = arith.constant 0 : i32
        %dma_start3A_944 = tpu.memref_slice %arg5[%dma_start3A_942, %dma_start3A_943] : memref<160x768xf32, #tpu.memory_space<vmem>> -> memref<8x768xf32, #tpu.memory_space<vmem>>
        %dma_start3A_945 = arith.constant 0 : i32
        %dma_start3A_946 = tpu.memref_slice %arg2[%dma_start3A_935, %add3A_934, %dma_start3A_945] : memref<4x4096x768xf32, #tpu.memory_space<hbm>> -> memref<1x8x768xf32, #tpu.memory_space<hbm>>
        %dma_start3A_947 = tpu.memref_squeeze %dma_start3A_946 : memref<1x8x768xf32, #tpu.memory_space<hbm>> -> memref<8x768xf32, #tpu.memory_space<hbm>>
        tpu.enqueue_dma source(%dma_start3A_947 : memref<8x768xf32, #tpu.memory_space<hbm>>) target(%dma_start3A_944 : memref<8x768xf32, #tpu.memory_space<vmem>>) target_semaphore(%arg9 : memref<!tpu.dma_semaphore, #tpu.memory_space<semaphore_mem>>)
        %mul3A_948 = arith.constant 8 : i32
        %mul3A_949 = arith.muli %add3A_902, %mul3A_948 : i32
        %add3A_950 = arith.addi %mul3A_2, %mul3A_949 : i32
        %dma_start3A_951 = arith.constant 2 : i32
        %dma_start3A_952 = arith.constant 120 : i32
        %dma_start3A_953 = arith.constant 0 : i32
        %dma_start3A_954 = tpu.memref_slice %arg5[%dma_start3A_952, %dma_start3A_953] : memref<160x768xf32, #tpu.memory_space<vmem>> -> memref<8x768xf32, #tpu.memory_space<vmem>>
        %dma_start3A_955 = arith.constant 0 : i32
        %dma_start3A_956 = tpu.memref_slice %arg2[%dma_start3A_951, %add3A_950, %dma_start3A_955] : memref<4x4096x768xf32, #tpu.memory_space<hbm>> -> memref<1x8x768xf32, #tpu.memory_space<hbm>>
        %dma_start3A_957 = tpu.memref_squeeze %dma_start3A_956 : memref<1x8x768xf32, #tpu.memory_space<hbm>> -> memref<8x768xf32, #tpu.memory_space<hbm>>
        %dma_start3A_958 = arith.constant 120 : i32
        %dma_start3A_959 = arith.constant 0 : i32
        %dma_start3A_960 = tpu.memref_slice %arg5[%dma_start3A_958, %dma_start3A_959] : memref<160x768xf32, #tpu.memory_space<vmem>> -> memref<8x768xf32, #tpu.memory_space<vmem>>
        %dma_start3A_961 = arith.constant 0 : i32
        %dma_start3A_962 = tpu.memref_slice %arg2[%dma_start3A_951, %add3A_950, %dma_start3A_961] : memref<4x4096x768xf32, #tpu.memory_space<hbm>> -> memref<1x8x768xf32, #tpu.memory_space<hbm>>
        %dma_start3A_963 = tpu.memref_squeeze %dma_start3A_962 : memref<1x8x768xf32, #tpu.memory_space<hbm>> -> memref<8x768xf32, #tpu.memory_space<hbm>>
        tpu.enqueue_dma source(%dma_start3A_963 : memref<8x768xf32, #tpu.memory_space<hbm>>) target(%dma_start3A_960 : memref<8x768xf32, #tpu.memory_space<vmem>>) target_semaphore(%arg9 : memref<!tpu.dma_semaphore, #tpu.memory_space<semaphore_mem>>)
        %mul3A_964 = arith.constant 8 : i32
        %mul3A_965 = arith.muli %add3A_902, %mul3A_964 : i32
        %add3A_966 = arith.addi %mul3A_2, %mul3A_965 : i32
        %dma_start3A_967 = arith.constant 3 : i32
        %dma_start3A_968 = arith.constant 152 : i32
        %dma_start3A_969 = arith.constant 0 : i32
        %dma_start3A_970 = tpu.memref_slice %arg5[%dma_start3A_968, %dma_start3A_969] : memref<160x768xf32, #tpu.memory_space<vmem>> -> memref<8x768xf32, #tpu.memory_space<vmem>>
        %dma_start3A_971 = arith.constant 0 : i32
        %dma_start3A_972 = tpu.memref_slice %arg2[%dma_start3A_967, %add3A_966, %dma_start3A_971] : memref<4x4096x768xf32, #tpu.memory_space<hbm>> -> memref<1x8x768xf32, #tpu.memory_space<hbm>>
        %dma_start3A_973 = tpu.memref_squeeze %dma_start3A_972 : memref<1x8x768xf32, #tpu.memory_space<hbm>> -> memref<8x768xf32, #tpu.memory_space<hbm>>
        %dma_start3A_974 = arith.constant 152 : i32
        %dma_start3A_975 = arith.constant 0 : i32
        %dma_start3A_976 = tpu.memref_slice %arg5[%dma_start3A_974, %dma_start3A_975] : memref<160x768xf32, #tpu.memory_space<vmem>> -> memref<8x768xf32, #tpu.memory_space<vmem>>
        %dma_start3A_977 = arith.constant 0 : i32
        %dma_start3A_978 = tpu.memref_slice %arg2[%dma_start3A_967, %add3A_966, %dma_start3A_977] : memref<4x4096x768xf32, #tpu.memory_space<hbm>> -> memref<1x8x768xf32, #tpu.memory_space<hbm>>
        %dma_start3A_979 = tpu.memref_squeeze %dma_start3A_978 : memref<1x8x768xf32, #tpu.memory_space<hbm>> -> memref<8x768xf32, #tpu.memory_space<hbm>>
        tpu.enqueue_dma source(%dma_start3A_979 : memref<8x768xf32, #tpu.memory_space<hbm>>) target(%dma_start3A_976 : memref<8x768xf32, #tpu.memory_space<vmem>>) target_semaphore(%arg9 : memref<!tpu.dma_semaphore, #tpu.memory_space<semaphore_mem>>)
      } else {
      }
      %mul3A_441 = arith.constant 8 : i32
      %mul3A_442 = arith.muli %add3A_428, %mul3A_441 : i32
      %add3A_443 = arith.addi %mul3A_2, %mul3A_442 : i32
      %dma_wait3A_444 = arith.constant 8 : i32
      %dma_wait3A_445 = arith.constant 0 : i32
      %dma_wait3A_446 = tpu.memref_slice %arg5[%dma_wait3A_444, %dma_wait3A_445] : memref<160x768xf32, #tpu.memory_space<vmem>> -> memref<8x768xf32, #tpu.memory_space<vmem>>
      %dma_wait3A_447 = arith.constant 0 : i32
      %dma_wait3A_448 = tpu.memref_slice %arg3[%add3A_443, %dma_wait3A_447] : memref<4096x768xf32, #tpu.memory_space<hbm>> -> memref<8x768xf32, #tpu.memory_space<hbm>>
      %dma_wait3A_449 = arith.constant 8 : i32
      %dma_wait3A_450 = arith.constant 0 : i32
      %dma_wait3A_451 = tpu.memref_slice %arg5[%dma_wait3A_449, %dma_wait3A_450] : memref<160x768xf32, #tpu.memory_space<vmem>> -> memref<8x768xf32, #tpu.memory_space<vmem>>
      %dma_wait3A_452 = arith.constant 0 : i32
      %dma_wait3A_453 = tpu.memref_slice %arg3[%add3A_443, %dma_wait3A_452] : memref<4096x768xf32, #tpu.memory_space<hbm>> -> memref<8x768xf32, #tpu.memory_space<hbm>>
      tpu.wait_dma2 semaphore(%arg7 : memref<!tpu.dma_semaphore, #tpu.memory_space<semaphore_mem>>) src(%dma_wait3A_453 : memref<8x768xf32, #tpu.memory_space<hbm>>) dst(%dma_wait3A_451 : memref<8x768xf32, #tpu.memory_space<vmem>>)
      %mul3A_454 = arith.constant 8 : i32
      %mul3A_455 = arith.muli %add3A_428, %mul3A_454 : i32
      %add3A_456 = arith.addi %mul3A_2, %mul3A_455 : i32
      %dma_wait3A_457 = arith.constant 0 : i32
      %dma_wait3A_458 = arith.constant 40 : i32
      %dma_wait3A_459 = arith.constant 0 : i32
      %dma_wait3A_460 = tpu.memref_slice %arg5[%dma_wait3A_458, %dma_wait3A_459] : memref<160x768xf32, #tpu.memory_space<vmem>> -> memref<8x768xf32, #tpu.memory_space<vmem>>
      %dma_wait3A_461 = arith.constant 0 : i32
      %dma_wait3A_462 = tpu.memref_slice %arg2[%dma_wait3A_457, %add3A_456, %dma_wait3A_461] : memref<4x4096x768xf32, #tpu.memory_space<hbm>> -> memref<1x8x768xf32, #tpu.memory_space<hbm>>
      %dma_wait3A_463 = tpu.memref_squeeze %dma_wait3A_462 : memref<1x8x768xf32, #tpu.memory_space<hbm>> -> memref<8x768xf32, #tpu.memory_space<hbm>>
      %dma_wait3A_464 = arith.constant 40 : i32
      %dma_wait3A_465 = arith.constant 0 : i32
      %dma_wait3A_466 = tpu.memref_slice %arg5[%dma_wait3A_464, %dma_wait3A_465] : memref<160x768xf32, #tpu.memory_space<vmem>> -> memref<8x768xf32, #tpu.memory_space<vmem>>
      %dma_wait3A_467 = arith.constant 0 : i32
      %dma_wait3A_468 = tpu.memref_slice %arg2[%dma_wait3A_457, %add3A_456, %dma_wait3A_467] : memref<4x4096x768xf32, #tpu.memory_space<hbm>> -> memref<1x8x768xf32, #tpu.memory_space<hbm>>
      %dma_wait3A_469 = tpu.memref_squeeze %dma_wait3A_468 : memref<1x8x768xf32, #tpu.memory_space<hbm>> -> memref<8x768xf32, #tpu.memory_space<hbm>>
      tpu.wait_dma2 semaphore(%arg7 : memref<!tpu.dma_semaphore, #tpu.memory_space<semaphore_mem>>) src(%dma_wait3A_469 : memref<8x768xf32, #tpu.memory_space<hbm>>) dst(%dma_wait3A_466 : memref<8x768xf32, #tpu.memory_space<vmem>>)
      %mul3A_470 = arith.constant 8 : i32
      %mul3A_471 = arith.muli %add3A_428, %mul3A_470 : i32
      %add3A_472 = arith.addi %mul3A_2, %mul3A_471 : i32
      %dma_wait3A_473 = arith.constant 1 : i32
      %dma_wait3A_474 = arith.constant 72 : i32
      %dma_wait3A_475 = arith.constant 0 : i32
      %dma_wait3A_476 = tpu.memref_slice %arg5[%dma_wait3A_474, %dma_wait3A_475] : memref<160x768xf32, #tpu.memory_space<vmem>> -> memref<8x768xf32, #tpu.memory_space<vmem>>
      %dma_wait3A_477 = arith.constant 0 : i32
      %dma_wait3A_478 = tpu.memref_slice %arg2[%dma_wait3A_473, %add3A_472, %dma_wait3A_477] : memref<4x4096x768xf32, #tpu.memory_space<hbm>> -> memref<1x8x768xf32, #tpu.memory_space<hbm>>
      %dma_wait3A_479 = tpu.memref_squeeze %dma_wait3A_478 : memref<1x8x768xf32, #tpu.memory_space<hbm>> -> memref<8x768xf32, #tpu.memory_space<hbm>>
      %dma_wait3A_480 = arith.constant 72 : i32
      %dma_wait3A_481 = arith.constant 0 : i32
      %dma_wait3A_482 = tpu.memref_slice %arg5[%dma_wait3A_480, %dma_wait3A_481] : memref<160x768xf32, #tpu.memory_space<vmem>> -> memref<8x768xf32, #tpu.memory_space<vmem>>
      %dma_wait3A_483 = arith.constant 0 : i32
      %dma_wait3A_484 = tpu.memref_slice %arg2[%dma_wait3A_473, %add3A_472, %dma_wait3A_483] : memref<4x4096x768xf32, #tpu.memory_space<hbm>> -> memref<1x8x768xf32, #tpu.memory_space<hbm>>
      %dma_wait3A_485 = tpu.memref_squeeze %dma_wait3A_484 : memref<1x8x768xf32, #tpu.memory_space<hbm>> -> memref<8x768xf32, #tpu.memory_space<hbm>>
      tpu.wait_dma2 semaphore(%arg7 : memref<!tpu.dma_semaphore, #tpu.memory_space<semaphore_mem>>) src(%dma_wait3A_485 : memref<8x768xf32, #tpu.memory_space<hbm>>) dst(%dma_wait3A_482 : memref<8x768xf32, #tpu.memory_space<vmem>>)
      %mul3A_486 = arith.constant 8 : i32
      %mul3A_487 = arith.muli %add3A_428, %mul3A_486 : i32
      %add3A_488 = arith.addi %mul3A_2, %mul3A_487 : i32
      %dma_wait3A_489 = arith.constant 2 : i32
      %dma_wait3A_490 = arith.constant 104 : i32
      %dma_wait3A_491 = arith.constant 0 : i32
      %dma_wait3A_492 = tpu.memref_slice %arg5[%dma_wait3A_490, %dma_wait3A_491] : memref<160x768xf32, #tpu.memory_space<vmem>> -> memref<8x768xf32, #tpu.memory_space<vmem>>
      %dma_wait3A_493 = arith.constant 0 : i32
      %dma_wait3A_494 = tpu.memref_slice %arg2[%dma_wait3A_489, %add3A_488, %dma_wait3A_493] : memref<4x4096x768xf32, #tpu.memory_space<hbm>> -> memref<1x8x768xf32, #tpu.memory_space<hbm>>
      %dma_wait3A_495 = tpu.memref_squeeze %dma_wait3A_494 : memref<1x8x768xf32, #tpu.memory_space<hbm>> -> memref<8x768xf32, #tpu.memory_space<hbm>>
      %dma_wait3A_496 = arith.constant 104 : i32
      %dma_wait3A_497 = arith.constant 0 : i32
      %dma_wait3A_498 = tpu.memref_slice %arg5[%dma_wait3A_496, %dma_wait3A_497] : memref<160x768xf32, #tpu.memory_space<vmem>> -> memref<8x768xf32, #tpu.memory_space<vmem>>
      %dma_wait3A_499 = arith.constant 0 : i32
      %dma_wait3A_500 = tpu.memref_slice %arg2[%dma_wait3A_489, %add3A_488, %dma_wait3A_499] : memref<4x4096x768xf32, #tpu.memory_space<hbm>> -> memref<1x8x768xf32, #tpu.memory_space<hbm>>
      %dma_wait3A_501 = tpu.memref_squeeze %dma_wait3A_500 : memref<1x8x768xf32, #tpu.memory_space<hbm>> -> memref<8x768xf32, #tpu.memory_space<hbm>>
      tpu.wait_dma2 semaphore(%arg7 : memref<!tpu.dma_semaphore, #tpu.memory_space<semaphore_mem>>) src(%dma_wait3A_501 : memref<8x768xf32, #tpu.memory_space<hbm>>) dst(%dma_wait3A_498 : memref<8x768xf32, #tpu.memory_space<vmem>>)
      %mul3A_502 = arith.constant 8 : i32
      %mul3A_503 = arith.muli %add3A_428, %mul3A_502 : i32
      %add3A_504 = arith.addi %mul3A_2, %mul3A_503 : i32
      %dma_wait3A_505 = arith.constant 3 : i32
      %dma_wait3A_506 = arith.constant 136 : i32
      %dma_wait3A_507 = arith.constant 0 : i32
      %dma_wait3A_508 = tpu.memref_slice %arg5[%dma_wait3A_506, %dma_wait3A_507] : memref<160x768xf32, #tpu.memory_space<vmem>> -> memref<8x768xf32, #tpu.memory_space<vmem>>
      %dma_wait3A_509 = arith.constant 0 : i32
      %dma_wait3A_510 = tpu.memref_slice %arg2[%dma_wait3A_505, %add3A_504, %dma_wait3A_509] : memref<4x4096x768xf32, #tpu.memory_space<hbm>> -> memref<1x8x768xf32, #tpu.memory_space<hbm>>
      %dma_wait3A_511 = tpu.memref_squeeze %dma_wait3A_510 : memref<1x8x768xf32, #tpu.memory_space<hbm>> -> memref<8x768xf32, #tpu.memory_space<hbm>>
      %dma_wait3A_512 = arith.constant 136 : i32
      %dma_wait3A_513 = arith.constant 0 : i32
      %dma_wait3A_514 = tpu.memref_slice %arg5[%dma_wait3A_512, %dma_wait3A_513] : memref<160x768xf32, #tpu.memory_space<vmem>> -> memref<8x768xf32, #tpu.memory_space<vmem>>
      %dma_wait3A_515 = arith.constant 0 : i32
      %dma_wait3A_516 = tpu.memref_slice %arg2[%dma_wait3A_505, %add3A_504, %dma_wait3A_515] : memref<4x4096x768xf32, #tpu.memory_space<hbm>> -> memref<1x8x768xf32, #tpu.memory_space<hbm>>
      %dma_wait3A_517 = tpu.memref_squeeze %dma_wait3A_516 : memref<1x8x768xf32, #tpu.memory_space<hbm>> -> memref<8x768xf32, #tpu.memory_space<hbm>>
      tpu.wait_dma2 semaphore(%arg7 : memref<!tpu.dma_semaphore, #tpu.memory_space<semaphore_mem>>) src(%dma_wait3A_517 : memref<8x768xf32, #tpu.memory_space<hbm>>) dst(%dma_wait3A_514 : memref<8x768xf32, #tpu.memory_space<vmem>>)
      %parallel_loop3A_518 = arith.constant 0 : i32
      %parallel_loop3A_519 = arith.constant 8 : i32
      %parallel_loop3A_520 = arith.constant 1 : i32
      scf.for %parallel_loop3A_901 = %parallel_loop3A_518 to %parallel_loop3A_519 step %parallel_loop3A_520  : i32 {
        %parallel_loop3A_902 = arith.constant 0 : i32
        %parallel_loop3A_903 = arith.constant 48 : i32
        %parallel_loop3A_904 = arith.constant 1 : i32
        scf.for %parallel_loop3A_905 = %parallel_loop3A_902 to %parallel_loop3A_903 step %parallel_loop3A_904  : i32 {
          %parallel_loop3A_906 = arith.constant 8 : i32
          %parallel_loop3A_907 = arith.addi %parallel_loop3A_906, %parallel_loop3A_901 : i32
          %parallel_loop3A_908 = arith.constant 16 : i32
          %parallel_loop3A_909 = arith.muli %parallel_loop3A_905, %parallel_loop3A_908 : i32
          %parallel_loop3A_910 = arith.index_cast %parallel_loop3A_907 : i32 to index
          %parallel_loop3A_911 = arith.index_cast %parallel_loop3A_909 : i32 to index
          %parallel_loop3A_912 = tpu.vector_load %arg5[%parallel_loop3A_910, %parallel_loop3A_911] {strides = array<i32>} : memref<160x768xf32, #tpu.memory_space<vmem>>, vector<1x16xf32>,
          %parallel_loop3A_913 = vector.shape_cast %parallel_loop3A_912 : vector<1x16xf32> to vector<16xf32>
          %parallel_loop3A_914 = arith.constant 40 : i32
          %parallel_loop3A_915 = arith.addi %parallel_loop3A_914, %parallel_loop3A_901 : i32
          %parallel_loop3A_916 = arith.constant 16 : i32
          %parallel_loop3A_917 = arith.muli %parallel_loop3A_905, %parallel_loop3A_916 : i32
          %parallel_loop3A_918 = arith.index_cast %parallel_loop3A_915 : i32 to index
          %parallel_loop3A_919 = arith.index_cast %parallel_loop3A_917 : i32 to index
          %parallel_loop3A_920 = tpu.vector_load %arg5[%parallel_loop3A_918, %parallel_loop3A_919] {strides = array<i32>} : memref<160x768xf32, #tpu.memory_space<vmem>>, vector<1x16xf32>,
          %parallel_loop3A_921 = vector.shape_cast %parallel_loop3A_920 : vector<1x16xf32> to vector<16xf32>
          %parallel_loop3A_922 = vector.shape_cast %parallel_loop3A_913 : vector<16xf32> to vector<1x16xf32>
          tpu.vector_store %arg5[%parallel_loop3A_918, %parallel_loop3A_919], %parallel_loop3A_922 {add = true, strides = array<i32>} : memref<160x768xf32, #tpu.memory_space<vmem>>, vector<1x16xf32>,
          %parallel_loop3A_923 = arith.constant 72 : i32
          %parallel_loop3A_924 = arith.addi %parallel_loop3A_923, %parallel_loop3A_901 : i32
          %parallel_loop3A_925 = arith.constant 16 : i32
          %parallel_loop3A_926 = arith.muli %parallel_loop3A_905, %parallel_loop3A_925 : i32
          %parallel_loop3A_927 = arith.index_cast %parallel_loop3A_924 : i32 to index
          %parallel_loop3A_928 = arith.index_cast %parallel_loop3A_926 : i32 to index
          %parallel_loop3A_929 = tpu.vector_load %arg5[%parallel_loop3A_927, %parallel_loop3A_928] {strides = array<i32>} : memref<160x768xf32, #tpu.memory_space<vmem>>, vector<1x16xf32>,
          %parallel_loop3A_930 = vector.shape_cast %parallel_loop3A_929 : vector<1x16xf32> to vector<16xf32>
          %parallel_loop3A_931 = vector.shape_cast %parallel_loop3A_913 : vector<16xf32> to vector<1x16xf32>
          tpu.vector_store %arg5[%parallel_loop3A_927, %parallel_loop3A_928], %parallel_loop3A_931 {add = true, strides = array<i32>} : memref<160x768xf32, #tpu.memory_space<vmem>>, vector<1x16xf32>,
          %parallel_loop3A_932 = arith.constant 104 : i32
          %parallel_loop3A_933 = arith.addi %parallel_loop3A_932, %parallel_loop3A_901 : i32
          %parallel_loop3A_934 = arith.constant 16 : i32
          %parallel_loop3A_935 = arith.muli %parallel_loop3A_905, %parallel_loop3A_934 : i32
          %parallel_loop3A_936 = arith.index_cast %parallel_loop3A_933 : i32 to index
          %parallel_loop3A_937 = arith.index_cast %parallel_loop3A_935 : i32 to index
          %parallel_loop3A_938 = tpu.vector_load %arg5[%parallel_loop3A_936, %parallel_loop3A_937] {strides = array<i32>} : memref<160x768xf32, #tpu.memory_space<vmem>>, vector<1x16xf32>,
          %parallel_loop3A_939 = vector.shape_cast %parallel_loop3A_938 : vector<1x16xf32> to vector<16xf32>
          %parallel_loop3A_940 = vector.shape_cast %parallel_loop3A_913 : vector<16xf32> to vector<1x16xf32>
          tpu.vector_store %arg5[%parallel_loop3A_936, %parallel_loop3A_937], %parallel_loop3A_940 {add = true, strides = array<i32>} : memref<160x768xf32, #tpu.memory_space<vmem>>, vector<1x16xf32>,
          %parallel_loop3A_941 = arith.constant 136 : i32
          %parallel_loop3A_942 = arith.addi %parallel_loop3A_941, %parallel_loop3A_901 : i32
          %parallel_loop3A_943 = arith.constant 16 : i32
          %parallel_loop3A_944 = arith.muli %parallel_loop3A_905, %parallel_loop3A_943 : i32
          %parallel_loop3A_945 = arith.index_cast %parallel_loop3A_942 : i32 to index
          %parallel_loop3A_946 = arith.index_cast %parallel_loop3A_944 : i32 to index
          %parallel_loop3A_947 = tpu.vector_load %arg5[%parallel_loop3A_945, %parallel_loop3A_946] {strides = array<i32>} : memref<160x768xf32, #tpu.memory_space<vmem>>, vector<1x16xf32>,
          %parallel_loop3A_948 = vector.shape_cast %parallel_loop3A_947 : vector<1x16xf32> to vector<16xf32>
          %parallel_loop3A_949 = vector.shape_cast %parallel_loop3A_913 : vector<16xf32> to vector<1x16xf32>
          tpu.vector_store %arg5[%parallel_loop3A_945, %parallel_loop3A_946], %parallel_loop3A_949 {add = true, strides = array<i32>} : memref<160x768xf32, #tpu.memory_space<vmem>>, vector<1x16xf32>,
        } {sc.loop_unroll_factor = 4 : i64, sc.parallel_access}
      } {sc.loop_unroll_factor = 1 : i64, sc.parallel_access}
      %mul3A_521 = arith.constant 8 : i32
      %mul3A_522 = arith.muli %add3A_428, %mul3A_521 : i32
      %add3A_523 = arith.addi %mul3A_2, %mul3A_522 : i32
      %dma_start3A_524 = arith.constant 0 : i32
      %dma_start3A_525 = arith.constant 40 : i32
      %dma_start3A_526 = arith.constant 0 : i32
      %dma_start3A_527 = tpu.memref_slice %arg5[%dma_start3A_525, %dma_start3A_526] : memref<160x768xf32, #tpu.memory_space<vmem>> -> memref<8x768xf32, #tpu.memory_space<vmem>>
      %dma_start3A_528 = arith.constant 0 : i32
      %dma_start3A_529 = tpu.memref_slice %arg4[%dma_start3A_524, %add3A_523, %dma_start3A_528] : memref<4x4096x768xf32, #tpu.memory_space<hbm>> -> memref<1x8x768xf32, #tpu.memory_space<hbm>>
      %dma_start3A_530 = tpu.memref_squeeze %dma_start3A_529 : memref<1x8x768xf32, #tpu.memory_space<hbm>> -> memref<8x768xf32, #tpu.memory_space<hbm>>
      %dma_start3A_531 = arith.constant 0 : i32
      %dma_start3A_532 = tpu.memref_slice %arg4[%dma_start3A_524, %add3A_523, %dma_start3A_531] : memref<4x4096x768xf32, #tpu.memory_space<hbm>> -> memref<1x8x768xf32, #tpu.memory_space<hbm>>
      %dma_start3A_533 = tpu.memref_squeeze %dma_start3A_532 : memref<1x8x768xf32, #tpu.memory_space<hbm>> -> memref<8x768xf32, #tpu.memory_space<hbm>>
      %dma_start3A_534 = arith.constant 40 : i32
      %dma_start3A_535 = arith.constant 0 : i32
      %dma_start3A_536 = tpu.memref_slice %arg5[%dma_start3A_534, %dma_start3A_535] : memref<160x768xf32, #tpu.memory_space<vmem>> -> memref<8x768xf32, #tpu.memory_space<vmem>>
      tpu.enqueue_dma source(%dma_start3A_536 : memref<8x768xf32, #tpu.memory_space<vmem>>) target(%dma_start3A_533 : memref<8x768xf32, #tpu.memory_space<hbm>>) target_semaphore(%arg11 : memref<!tpu.dma_semaphore, #tpu.memory_space<semaphore_mem>>)
      %mul3A_537 = arith.constant 8 : i32
      %mul3A_538 = arith.muli %add3A_428, %mul3A_537 : i32
      %add3A_539 = arith.addi %mul3A_2, %mul3A_538 : i32
      %dma_start3A_540 = arith.constant 1 : i32
      %dma_start3A_541 = arith.constant 72 : i32
      %dma_start3A_542 = arith.constant 0 : i32
      %dma_start3A_543 = tpu.memref_slice %arg5[%dma_start3A_541, %dma_start3A_542] : memref<160x768xf32, #tpu.memory_space<vmem>> -> memref<8x768xf32, #tpu.memory_space<vmem>>
      %dma_start3A_544 = arith.constant 0 : i32
      %dma_start3A_545 = tpu.memref_slice %arg4[%dma_start3A_540, %add3A_539, %dma_start3A_544] : memref<4x4096x768xf32, #tpu.memory_space<hbm>> -> memref<1x8x768xf32, #tpu.memory_space<hbm>>
      %dma_start3A_546 = tpu.memref_squeeze %dma_start3A_545 : memref<1x8x768xf32, #tpu.memory_space<hbm>> -> memref<8x768xf32, #tpu.memory_space<hbm>>
      %dma_start3A_547 = arith.constant 0 : i32
      %dma_start3A_548 = tpu.memref_slice %arg4[%dma_start3A_540, %add3A_539, %dma_start3A_547] : memref<4x4096x768xf32, #tpu.memory_space<hbm>> -> memref<1x8x768xf32, #tpu.memory_space<hbm>>
      %dma_start3A_549 = tpu.memref_squeeze %dma_start3A_548 : memref<1x8x768xf32, #tpu.memory_space<hbm>> -> memref<8x768xf32, #tpu.memory_space<hbm>>
      %dma_start3A_550 = arith.constant 72 : i32
      %dma_start3A_551 = arith.constant 0 : i32
      %dma_start3A_552 = tpu.memref_slice %arg5[%dma_start3A_550, %dma_start3A_551] : memref<160x768xf32, #tpu.memory_space<vmem>> -> memref<8x768xf32, #tpu.memory_space<vmem>>
      tpu.enqueue_dma source(%dma_start3A_552 : memref<8x768xf32, #tpu.memory_space<vmem>>) target(%dma_start3A_549 : memref<8x768xf32, #tpu.memory_space<hbm>>) target_semaphore(%arg11 : memref<!tpu.dma_semaphore, #tpu.memory_space<semaphore_mem>>)
      %mul3A_553 = arith.constant 8 : i32
      %mul3A_554 = arith.muli %add3A_428, %mul3A_553 : i32
      %add3A_555 = arith.addi %mul3A_2, %mul3A_554 : i32
      %dma_start3A_556 = arith.constant 2 : i32
      %dma_start3A_557 = arith.constant 104 : i32
      %dma_start3A_558 = arith.constant 0 : i32
      %dma_start3A_559 = tpu.memref_slice %arg5[%dma_start3A_557, %dma_start3A_558] : memref<160x768xf32, #tpu.memory_space<vmem>> -> memref<8x768xf32, #tpu.memory_space<vmem>>
      %dma_start3A_560 = arith.constant 0 : i32
      %dma_start3A_561 = tpu.memref_slice %arg4[%dma_start3A_556, %add3A_555, %dma_start3A_560] : memref<4x4096x768xf32, #tpu.memory_space<hbm>> -> memref<1x8x768xf32, #tpu.memory_space<hbm>>
      %dma_start3A_562 = tpu.memref_squeeze %dma_start3A_561 : memref<1x8x768xf32, #tpu.memory_space<hbm>> -> memref<8x768xf32, #tpu.memory_space<hbm>>
      %dma_start3A_563 = arith.constant 0 : i32
      %dma_start3A_564 = tpu.memref_slice %arg4[%dma_start3A_556, %add3A_555, %dma_start3A_563] : memref<4x4096x768xf32, #tpu.memory_space<hbm>> -> memref<1x8x768xf32, #tpu.memory_space<hbm>>
      %dma_start3A_565 = tpu.memref_squeeze %dma_start3A_564 : memref<1x8x768xf32, #tpu.memory_space<hbm>> -> memref<8x768xf32, #tpu.memory_space<hbm>>
      %dma_start3A_566 = arith.constant 104 : i32
      %dma_start3A_567 = arith.constant 0 : i32
      %dma_start3A_568 = tpu.memref_slice %arg5[%dma_start3A_566, %dma_start3A_567] : memref<160x768xf32, #tpu.memory_space<vmem>> -> memref<8x768xf32, #tpu.memory_space<vmem>>
      tpu.enqueue_dma source(%dma_start3A_568 : memref<8x768xf32, #tpu.memory_space<vmem>>) target(%dma_start3A_565 : memref<8x768xf32, #tpu.memory_space<hbm>>) target_semaphore(%arg11 : memref<!tpu.dma_semaphore, #tpu.memory_space<semaphore_mem>>)
      %mul3A_569 = arith.constant 8 : i32
      %mul3A_570 = arith.muli %add3A_428, %mul3A_569 : i32
      %add3A_571 = arith.addi %mul3A_2, %mul3A_570 : i32
      %dma_start3A_572 = arith.constant 3 : i32
      %dma_start3A_573 = arith.constant 136 : i32
      %dma_start3A_574 = arith.constant 0 : i32
      %dma_start3A_575 = tpu.memref_slice %arg5[%dma_start3A_573, %dma_start3A_574] : memref<160x768xf32, #tpu.memory_space<vmem>> -> memref<8x768xf32, #tpu.memory_space<vmem>>
      %dma_start3A_576 = arith.constant 0 : i32
      %dma_start3A_577 = tpu.memref_slice %arg4[%dma_start3A_572, %add3A_571, %dma_start3A_576] : memref<4x4096x768xf32, #tpu.memory_space<hbm>> -> memref<1x8x768xf32, #tpu.memory_space<hbm>>
      %dma_start3A_578 = tpu.memref_squeeze %dma_start3A_577 : memref<1x8x768xf32, #tpu.memory_space<hbm>> -> memref<8x768xf32, #tpu.memory_space<hbm>>
      %dma_start3A_579 = arith.constant 0 : i32
      %dma_start3A_580 = tpu.memref_slice %arg4[%dma_start3A_572, %add3A_571, %dma_start3A_579] : memref<4x4096x768xf32, #tpu.memory_space<hbm>> -> memref<1x8x768xf32, #tpu.memory_space<hbm>>
      %dma_start3A_581 = tpu.memref_squeeze %dma_start3A_580 : memref<1x8x768xf32, #tpu.memory_space<hbm>> -> memref<8x768xf32, #tpu.memory_space<hbm>>
      %dma_start3A_582 = arith.constant 136 : i32
      %dma_start3A_583 = arith.constant 0 : i32
      %dma_start3A_584 = tpu.memref_slice %arg5[%dma_start3A_582, %dma_start3A_583] : memref<160x768xf32, #tpu.memory_space<vmem>> -> memref<8x768xf32, #tpu.memory_space<vmem>>
      tpu.enqueue_dma source(%dma_start3A_584 : memref<8x768xf32, #tpu.memory_space<vmem>>) target(%dma_start3A_581 : memref<8x768xf32, #tpu.memory_space<hbm>>) target_semaphore(%arg11 : memref<!tpu.dma_semaphore, #tpu.memory_space<semaphore_mem>>)
      %add3A_585 = arith.constant 2 : i32
      %add3A_586 = arith.addi %add3A_273, %add3A_585 : i32
      %ge3A_587 = arith.constant 2 : i32
      %ge3A_588 = arith.cmpi sge, %add3A_586, %ge3A_587 : i32
      %convert_element_type3A_589 = arith.extui %ge3A_588 : i1 to i32
      %cond3A_590 = arith.constant 0 : i32
      %cond3A_591 = arith.cmpi ne, %convert_element_type3A_589, %cond3A_590 : i32
      scf.if %cond3A_591 {
        %sub3A = arith.constant 2 : i32
        %sub3A_901 = arith.subi %add3A_586, %sub3A : i32
        %mul3A_902 = arith.constant 8 : i32
        %mul3A_903 = arith.muli %sub3A_901, %mul3A_902 : i32
        %add3A_904 = arith.addi %mul3A_2, %mul3A_903 : i32
        %dma_wait3A_905 = arith.constant 0 : i32
        %dma_wait3A_906 = arith.constant 32 : i32
        %dma_wait3A_907 = arith.constant 0 : i32
        %dma_wait3A_908 = tpu.memref_slice %arg5[%dma_wait3A_906, %dma_wait3A_907] : memref<160x768xf32, #tpu.memory_space<vmem>> -> memref<8x768xf32, #tpu.memory_space<vmem>>
        %dma_wait3A_909 = arith.constant 0 : i32
        %dma_wait3A_910 = tpu.memref_slice %arg4[%dma_wait3A_905, %add3A_904, %dma_wait3A_909] : memref<4x4096x768xf32, #tpu.memory_space<hbm>> -> memref<1x8x768xf32, #tpu.memory_space<hbm>>
        %dma_wait3A_911 = tpu.memref_squeeze %dma_wait3A_910 : memref<1x8x768xf32, #tpu.memory_space<hbm>> -> memref<8x768xf32, #tpu.memory_space<hbm>>
        %dma_wait3A_912 = arith.constant 0 : i32
        %dma_wait3A_913 = tpu.memref_slice %arg4[%dma_wait3A_905, %add3A_904, %dma_wait3A_912] : memref<4x4096x768xf32, #tpu.memory_space<hbm>> -> memref<1x8x768xf32, #tpu.memory_space<hbm>>
        %dma_wait3A_914 = tpu.memref_squeeze %dma_wait3A_913 : memref<1x8x768xf32, #tpu.memory_space<hbm>> -> memref<8x768xf32, #tpu.memory_space<hbm>>
        %dma_wait3A_915 = arith.constant 32 : i32
        %dma_wait3A_916 = arith.constant 0 : i32
        %dma_wait3A_917 = tpu.memref_slice %arg5[%dma_wait3A_915, %dma_wait3A_916] : memref<160x768xf32, #tpu.memory_space<vmem>> -> memref<8x768xf32, #tpu.memory_space<vmem>>
        tpu.wait_dma2 semaphore(%arg10 : memref<!tpu.dma_semaphore, #tpu.memory_space<semaphore_mem>>) src(%dma_wait3A_917 : memref<8x768xf32, #tpu.memory_space<vmem>>) dst(%dma_wait3A_914 : memref<8x768xf32, #tpu.memory_space<hbm>>)
        %sub3A_918 = arith.constant 2 : i32
        %sub3A_919 = arith.subi %add3A_586, %sub3A_918 : i32
        %mul3A_920 = arith.constant 8 : i32
        %mul3A_921 = arith.muli %sub3A_919, %mul3A_920 : i32
        %add3A_922 = arith.addi %mul3A_2, %mul3A_921 : i32
        %dma_wait3A_923 = arith.constant 1 : i32
        %dma_wait3A_924 = arith.constant 64 : i32
        %dma_wait3A_925 = arith.constant 0 : i32
        %dma_wait3A_926 = tpu.memref_slice %arg5[%dma_wait3A_924, %dma_wait3A_925] : memref<160x768xf32, #tpu.memory_space<vmem>> -> memref<8x768xf32, #tpu.memory_space<vmem>>
        %dma_wait3A_927 = arith.constant 0 : i32
        %dma_wait3A_928 = tpu.memref_slice %arg4[%dma_wait3A_923, %add3A_922, %dma_wait3A_927] : memref<4x4096x768xf32, #tpu.memory_space<hbm>> -> memref<1x8x768xf32, #tpu.memory_space<hbm>>
        %dma_wait3A_929 = tpu.memref_squeeze %dma_wait3A_928 : memref<1x8x768xf32, #tpu.memory_space<hbm>> -> memref<8x768xf32, #tpu.memory_space<hbm>>
        %dma_wait3A_930 = arith.constant 0 : i32
        %dma_wait3A_931 = tpu.memref_slice %arg4[%dma_wait3A_923, %add3A_922, %dma_wait3A_930] : memref<4x4096x768xf32, #tpu.memory_space<hbm>> -> memref<1x8x768xf32, #tpu.memory_space<hbm>>
        %dma_wait3A_932 = tpu.memref_squeeze %dma_wait3A_931 : memref<1x8x768xf32, #tpu.memory_space<hbm>> -> memref<8x768xf32, #tpu.memory_space<hbm>>
        %dma_wait3A_933 = arith.constant 64 : i32
        %dma_wait3A_934 = arith.constant 0 : i32
        %dma_wait3A_935 = tpu.memref_slice %arg5[%dma_wait3A_933, %dma_wait3A_934] : memref<160x768xf32, #tpu.memory_space<vmem>> -> memref<8x768xf32, #tpu.memory_space<vmem>>
        tpu.wait_dma2 semaphore(%arg10 : memref<!tpu.dma_semaphore, #tpu.memory_space<semaphore_mem>>) src(%dma_wait3A_935 : memref<8x768xf32, #tpu.memory_space<vmem>>) dst(%dma_wait3A_932 : memref<8x768xf32, #tpu.memory_space<hbm>>)
        %sub3A_936 = arith.constant 2 : i32
        %sub3A_937 = arith.subi %add3A_586, %sub3A_936 : i32
        %mul3A_938 = arith.constant 8 : i32
        %mul3A_939 = arith.muli %sub3A_937, %mul3A_938 : i32
        %add3A_940 = arith.addi %mul3A_2, %mul3A_939 : i32
        %dma_wait3A_941 = arith.constant 2 : i32
        %dma_wait3A_942 = arith.constant 96 : i32
        %dma_wait3A_943 = arith.constant 0 : i32
        %dma_wait3A_944 = tpu.memref_slice %arg5[%dma_wait3A_942, %dma_wait3A_943] : memref<160x768xf32, #tpu.memory_space<vmem>> -> memref<8x768xf32, #tpu.memory_space<vmem>>
        %dma_wait3A_945 = arith.constant 0 : i32
        %dma_wait3A_946 = tpu.memref_slice %arg4[%dma_wait3A_941, %add3A_940, %dma_wait3A_945] : memref<4x4096x768xf32, #tpu.memory_space<hbm>> -> memref<1x8x768xf32, #tpu.memory_space<hbm>>
        %dma_wait3A_947 = tpu.memref_squeeze %dma_wait3A_946 : memref<1x8x768xf32, #tpu.memory_space<hbm>> -> memref<8x768xf32, #tpu.memory_space<hbm>>
        %dma_wait3A_948 = arith.constant 0 : i32
        %dma_wait3A_949 = tpu.memref_slice %arg4[%dma_wait3A_941, %add3A_940, %dma_wait3A_948] : memref<4x4096x768xf32, #tpu.memory_space<hbm>> -> memref<1x8x768xf32, #tpu.memory_space<hbm>>
        %dma_wait3A_950 = tpu.memref_squeeze %dma_wait3A_949 : memref<1x8x768xf32, #tpu.memory_space<hbm>> -> memref<8x768xf32, #tpu.memory_space<hbm>>
        %dma_wait3A_951 = arith.constant 96 : i32
        %dma_wait3A_952 = arith.constant 0 : i32
        %dma_wait3A_953 = tpu.memref_slice %arg5[%dma_wait3A_951, %dma_wait3A_952] : memref<160x768xf32, #tpu.memory_space<vmem>> -> memref<8x768xf32, #tpu.memory_space<vmem>>
        tpu.wait_dma2 semaphore(%arg10 : memref<!tpu.dma_semaphore, #tpu.memory_space<semaphore_mem>>) src(%dma_wait3A_953 : memref<8x768xf32, #tpu.memory_space<vmem>>) dst(%dma_wait3A_950 : memref<8x768xf32, #tpu.memory_space<hbm>>)
        %sub3A_954 = arith.constant 2 : i32
        %sub3A_955 = arith.subi %add3A_586, %sub3A_954 : i32
        %mul3A_956 = arith.constant 8 : i32
        %mul3A_957 = arith.muli %sub3A_955, %mul3A_956 : i32
        %add3A_958 = arith.addi %mul3A_2, %mul3A_957 : i32
        %dma_wait3A_959 = arith.constant 3 : i32
        %dma_wait3A_960 = arith.constant 128 : i32
        %dma_wait3A_961 = arith.constant 0 : i32
        %dma_wait3A_962 = tpu.memref_slice %arg5[%dma_wait3A_960, %dma_wait3A_961] : memref<160x768xf32, #tpu.memory_space<vmem>> -> memref<8x768xf32, #tpu.memory_space<vmem>>
        %dma_wait3A_963 = arith.constant 0 : i32
        %dma_wait3A_964 = tpu.memref_slice %arg4[%dma_wait3A_959, %add3A_958, %dma_wait3A_963] : memref<4x4096x768xf32, #tpu.memory_space<hbm>> -> memref<1x8x768xf32, #tpu.memory_space<hbm>>
        %dma_wait3A_965 = tpu.memref_squeeze %dma_wait3A_964 : memref<1x8x768xf32, #tpu.memory_space<hbm>> -> memref<8x768xf32, #tpu.memory_space<hbm>>
        %dma_wait3A_966 = arith.constant 0 : i32
        %dma_wait3A_967 = tpu.memref_slice %arg4[%dma_wait3A_959, %add3A_958, %dma_wait3A_966] : memref<4x4096x768xf32, #tpu.memory_space<hbm>> -> memref<1x8x768xf32, #tpu.memory_space<hbm>>
        %dma_wait3A_968 = tpu.memref_squeeze %dma_wait3A_967 : memref<1x8x768xf32, #tpu.memory_space<hbm>> -> memref<8x768xf32, #tpu.memory_space<hbm>>
        %dma_wait3A_969 = arith.constant 128 : i32
        %dma_wait3A_970 = arith.constant 0 : i32
        %dma_wait3A_971 = tpu.memref_slice %arg5[%dma_wait3A_969, %dma_wait3A_970] : memref<160x768xf32, #tpu.memory_space<vmem>> -> memref<8x768xf32, #tpu.memory_space<vmem>>
        tpu.wait_dma2 semaphore(%arg10 : memref<!tpu.dma_semaphore, #tpu.memory_space<semaphore_mem>>) src(%dma_wait3A_971 : memref<8x768xf32, #tpu.memory_space<vmem>>) dst(%dma_wait3A_968 : memref<8x768xf32, #tpu.memory_space<hbm>>)
      } else {
      }
      %add3A_592 = arith.constant 2 : i32
      %add3A_593 = arith.addi %add3A_586, %add3A_592 : i32
      %lt3A_594 = arith.constant 16 : i32
      %lt3A_595 = arith.cmpi slt, %add3A_593, %lt3A_594 : i32
      %convert_element_type3A_596 = arith.extui %lt3A_595 : i1 to i32
      %cond3A_597 = arith.constant 0 : i32
      %cond3A_598 = arith.cmpi ne, %convert_element_type3A_596, %cond3A_597 : i32
      scf.if %cond3A_598 {
        %add3A_901 = arith.constant 2 : i32
        %add3A_902 = arith.addi %add3A_586, %add3A_901 : i32
        %mul3A_903 = arith.constant 8 : i32
        %mul3A_904 = arith.muli %add3A_902, %mul3A_903 : i32
        %add3A_905 = arith.addi %mul3A_2, %mul3A_904 : i32
        %dma_start3A_906 = arith.constant 0 : i32
        %dma_start3A_907 = arith.constant 0 : i32
        %dma_start3A_908 = tpu.memref_slice %arg5[%dma_start3A_906, %dma_start3A_907] : memref<160x768xf32, #tpu.memory_space<vmem>> -> memref<8x768xf32, #tpu.memory_space<vmem>>
        %dma_start3A_909 = arith.constant 0 : i32
        %dma_start3A_910 = tpu.memref_slice %arg3[%add3A_905, %dma_start3A_909] : memref<4096x768xf32, #tpu.memory_space<hbm>> -> memref<8x768xf32, #tpu.memory_space<hbm>>
        %dma_start3A_911 = arith.constant 0 : i32
        %dma_start3A_912 = arith.constant 0 : i32
        %dma_start3A_913 = tpu.memref_slice %arg5[%dma_start3A_911, %dma_start3A_912] : memref<160x768xf32, #tpu.memory_space<vmem>> -> memref<8x768xf32, #tpu.memory_space<vmem>>
        %dma_start3A_914 = arith.constant 0 : i32
        %dma_start3A_915 = tpu.memref_slice %arg3[%add3A_905, %dma_start3A_914] : memref<4096x768xf32, #tpu.memory_space<hbm>> -> memref<8x768xf32, #tpu.memory_space<hbm>>
        tpu.enqueue_dma source(%dma_start3A_915 : memref<8x768xf32, #tpu.memory_space<hbm>>) target(%dma_start3A_913 : memref<8x768xf32, #tpu.memory_space<vmem>>) target_semaphore(%arg6 : memref<!tpu.dma_semaphore, #tpu.memory_space<semaphore_mem>>)
        %mul3A_916 = arith.constant 8 : i32
        %mul3A_917 = arith.muli %add3A_902, %mul3A_916 : i32
        %add3A_918 = arith.addi %mul3A_2, %mul3A_917 : i32
        %dma_start3A_919 = arith.constant 0 : i32
        %dma_start3A_920 = arith.constant 32 : i32
        %dma_start3A_921 = arith.constant 0 : i32
        %dma_start3A_922 = tpu.memref_slice %arg5[%dma_start3A_920, %dma_start3A_921] : memref<160x768xf32, #tpu.memory_space<vmem>> -> memref<8x768xf32, #tpu.memory_space<vmem>>
        %dma_start3A_923 = arith.constant 0 : i32
        %dma_start3A_924 = tpu.memref_slice %arg2[%dma_start3A_919, %add3A_918, %dma_start3A_923] : memref<4x4096x768xf32, #tpu.memory_space<hbm>> -> memref<1x8x768xf32, #tpu.memory_space<hbm>>
        %dma_start3A_925 = tpu.memref_squeeze %dma_start3A_924 : memref<1x8x768xf32, #tpu.memory_space<hbm>> -> memref<8x768xf32, #tpu.memory_space<hbm>>
        %dma_start3A_926 = arith.constant 32 : i32
        %dma_start3A_927 = arith.constant 0 : i32
        %dma_start3A_928 = tpu.memref_slice %arg5[%dma_start3A_926, %dma_start3A_927] : memref<160x768xf32, #tpu.memory_space<vmem>> -> memref<8x768xf32, #tpu.memory_space<vmem>>
        %dma_start3A_929 = arith.constant 0 : i32
        %dma_start3A_930 = tpu.memref_slice %arg2[%dma_start3A_919, %add3A_918, %dma_start3A_929] : memref<4x4096x768xf32, #tpu.memory_space<hbm>> -> memref<1x8x768xf32, #tpu.memory_space<hbm>>
        %dma_start3A_931 = tpu.memref_squeeze %dma_start3A_930 : memref<1x8x768xf32, #tpu.memory_space<hbm>> -> memref<8x768xf32, #tpu.memory_space<hbm>>
        tpu.enqueue_dma source(%dma_start3A_931 : memref<8x768xf32, #tpu.memory_space<hbm>>) target(%dma_start3A_928 : memref<8x768xf32, #tpu.memory_space<vmem>>) target_semaphore(%arg6 : memref<!tpu.dma_semaphore, #tpu.memory_space<semaphore_mem>>)
        %mul3A_932 = arith.constant 8 : i32
        %mul3A_933 = arith.muli %add3A_902, %mul3A_932 : i32
        %add3A_934 = arith.addi %mul3A_2, %mul3A_933 : i32
        %dma_start3A_935 = arith.constant 1 : i32
        %dma_start3A_936 = arith.constant 64 : i32
        %dma_start3A_937 = arith.constant 0 : i32
        %dma_start3A_938 = tpu.memref_slice %arg5[%dma_start3A_936, %dma_start3A_937] : memref<160x768xf32, #tpu.memory_space<vmem>> -> memref<8x768xf32, #tpu.memory_space<vmem>>
        %dma_start3A_939 = arith.constant 0 : i32
        %dma_start3A_940 = tpu.memref_slice %arg2[%dma_start3A_935, %add3A_934, %dma_start3A_939] : memref<4x4096x768xf32, #tpu.memory_space<hbm>> -> memref<1x8x768xf32, #tpu.memory_space<hbm>>
        %dma_start3A_941 = tpu.memref_squeeze %dma_start3A_940 : memref<1x8x768xf32, #tpu.memory_space<hbm>> -> memref<8x768xf32, #tpu.memory_space<hbm>>
        %dma_start3A_942 = arith.constant 64 : i32
        %dma_start3A_943 = arith.constant 0 : i32
        %dma_start3A_944 = tpu.memref_slice %arg5[%dma_start3A_942, %dma_start3A_943] : memref<160x768xf32, #tpu.memory_space<vmem>> -> memref<8x768xf32, #tpu.memory_space<vmem>>
        %dma_start3A_945 = arith.constant 0 : i32
        %dma_start3A_946 = tpu.memref_slice %arg2[%dma_start3A_935, %add3A_934, %dma_start3A_945] : memref<4x4096x768xf32, #tpu.memory_space<hbm>> -> memref<1x8x768xf32, #tpu.memory_space<hbm>>
        %dma_start3A_947 = tpu.memref_squeeze %dma_start3A_946 : memref<1x8x768xf32, #tpu.memory_space<hbm>> -> memref<8x768xf32, #tpu.memory_space<hbm>>
        tpu.enqueue_dma source(%dma_start3A_947 : memref<8x768xf32, #tpu.memory_space<hbm>>) target(%dma_start3A_944 : memref<8x768xf32, #tpu.memory_space<vmem>>) target_semaphore(%arg6 : memref<!tpu.dma_semaphore, #tpu.memory_space<semaphore_mem>>)
        %mul3A_948 = arith.constant 8 : i32
        %mul3A_949 = arith.muli %add3A_902, %mul3A_948 : i32
        %add3A_950 = arith.addi %mul3A_2, %mul3A_949 : i32
        %dma_start3A_951 = arith.constant 2 : i32
        %dma_start3A_952 = arith.constant 96 : i32
        %dma_start3A_953 = arith.constant 0 : i32
        %dma_start3A_954 = tpu.memref_slice %arg5[%dma_start3A_952, %dma_start3A_953] : memref<160x768xf32, #tpu.memory_space<vmem>> -> memref<8x768xf32, #tpu.memory_space<vmem>>
        %dma_start3A_955 = arith.constant 0 : i32
        %dma_start3A_956 = tpu.memref_slice %arg2[%dma_start3A_951, %add3A_950, %dma_start3A_955] : memref<4x4096x768xf32, #tpu.memory_space<hbm>> -> memref<1x8x768xf32, #tpu.memory_space<hbm>>
        %dma_start3A_957 = tpu.memref_squeeze %dma_start3A_956 : memref<1x8x768xf32, #tpu.memory_space<hbm>> -> memref<8x768xf32, #tpu.memory_space<hbm>>
        %dma_start3A_958 = arith.constant 96 : i32
        %dma_start3A_959 = arith.constant 0 : i32
        %dma_start3A_960 = tpu.memref_slice %arg5[%dma_start3A_958, %dma_start3A_959] : memref<160x768xf32, #tpu.memory_space<vmem>> -> memref<8x768xf32, #tpu.memory_space<vmem>>
        %dma_start3A_961 = arith.constant 0 : i32
        %dma_start3A_962 = tpu.memref_slice %arg2[%dma_start3A_951, %add3A_950, %dma_start3A_961] : memref<4x4096x768xf32, #tpu.memory_space<hbm>> -> memref<1x8x768xf32, #tpu.memory_space<hbm>>
        %dma_start3A_963 = tpu.memref_squeeze %dma_start3A_962 : memref<1x8x768xf32, #tpu.memory_space<hbm>> -> memref<8x768xf32, #tpu.memory_space<hbm>>
        tpu.enqueue_dma source(%dma_start3A_963 : memref<8x768xf32, #tpu.memory_space<hbm>>) target(%dma_start3A_960 : memref<8x768xf32, #tpu.memory_space<vmem>>) target_semaphore(%arg6 : memref<!tpu.dma_semaphore, #tpu.memory_space<semaphore_mem>>)
        %mul3A_964 = arith.constant 8 : i32
        %mul3A_965 = arith.muli %add3A_902, %mul3A_964 : i32
        %add3A_966 = arith.addi %mul3A_2, %mul3A_965 : i32
        %dma_start3A_967 = arith.constant 3 : i32
        %dma_start3A_968 = arith.constant 128 : i32
        %dma_start3A_969 = arith.constant 0 : i32
        %dma_start3A_970 = tpu.memref_slice %arg5[%dma_start3A_968, %dma_start3A_969] : memref<160x768xf32, #tpu.memory_space<vmem>> -> memref<8x768xf32, #tpu.memory_space<vmem>>
        %dma_start3A_971 = arith.constant 0 : i32
        %dma_start3A_972 = tpu.memref_slice %arg2[%dma_start3A_967, %add3A_966, %dma_start3A_971] : memref<4x4096x768xf32, #tpu.memory_space<hbm>> -> memref<1x8x768xf32, #tpu.memory_space<hbm>>
        %dma_start3A_973 = tpu.memref_squeeze %dma_start3A_972 : memref<1x8x768xf32, #tpu.memory_space<hbm>> -> memref<8x768xf32, #tpu.memory_space<hbm>>
        %dma_start3A_974 = arith.constant 128 : i32
        %dma_start3A_975 = arith.constant 0 : i32
        %dma_start3A_976 = tpu.memref_slice %arg5[%dma_start3A_974, %dma_start3A_975] : memref<160x768xf32, #tpu.memory_space<vmem>> -> memref<8x768xf32, #tpu.memory_space<vmem>>
        %dma_start3A_977 = arith.constant 0 : i32
        %dma_start3A_978 = tpu.memref_slice %arg2[%dma_start3A_967, %add3A_966, %dma_start3A_977] : memref<4x4096x768xf32, #tpu.memory_space<hbm>> -> memref<1x8x768xf32, #tpu.memory_space<hbm>>
        %dma_start3A_979 = tpu.memref_squeeze %dma_start3A_978 : memref<1x8x768xf32, #tpu.memory_space<hbm>> -> memref<8x768xf32, #tpu.memory_space<hbm>>
        tpu.enqueue_dma source(%dma_start3A_979 : memref<8x768xf32, #tpu.memory_space<hbm>>) target(%dma_start3A_976 : memref<8x768xf32, #tpu.memory_space<vmem>>) target_semaphore(%arg6 : memref<!tpu.dma_semaphore, #tpu.memory_space<semaphore_mem>>)
      } else {
      }
      %mul3A_599 = arith.constant 8 : i32
      %mul3A_600 = arith.muli %add3A_586, %mul3A_599 : i32
      %add3A_601 = arith.addi %mul3A_2, %mul3A_600 : i32
      %dma_wait3A_602 = arith.constant 16 : i32
      %dma_wait3A_603 = arith.constant 0 : i32
      %dma_wait3A_604 = tpu.memref_slice %arg5[%dma_wait3A_602, %dma_wait3A_603] : memref<160x768xf32, #tpu.memory_space<vmem>> -> memref<8x768xf32, #tpu.memory_space<vmem>>
      %dma_wait3A_605 = arith.constant 0 : i32
      %dma_wait3A_606 = tpu.memref_slice %arg3[%add3A_601, %dma_wait3A_605] : memref<4096x768xf32, #tpu.memory_space<hbm>> -> memref<8x768xf32, #tpu.memory_space<hbm>>
      %dma_wait3A_607 = arith.constant 16 : i32
      %dma_wait3A_608 = arith.constant 0 : i32
      %dma_wait3A_609 = tpu.memref_slice %arg5[%dma_wait3A_607, %dma_wait3A_608] : memref<160x768xf32, #tpu.memory_space<vmem>> -> memref<8x768xf32, #tpu.memory_space<vmem>>
      %dma_wait3A_610 = arith.constant 0 : i32
      %dma_wait3A_611 = tpu.memref_slice %arg3[%add3A_601, %dma_wait3A_610] : memref<4096x768xf32, #tpu.memory_space<hbm>> -> memref<8x768xf32, #tpu.memory_space<hbm>>
      tpu.wait_dma2 semaphore(%arg8 : memref<!tpu.dma_semaphore, #tpu.memory_space<semaphore_mem>>) src(%dma_wait3A_611 : memref<8x768xf32, #tpu.memory_space<hbm>>) dst(%dma_wait3A_609 : memref<8x768xf32, #tpu.memory_space<vmem>>)
      %mul3A_612 = arith.constant 8 : i32
      %mul3A_613 = arith.muli %add3A_586, %mul3A_612 : i32
      %add3A_614 = arith.addi %mul3A_2, %mul3A_613 : i32
      %dma_wait3A_615 = arith.constant 0 : i32
      %dma_wait3A_616 = arith.constant 48 : i32
      %dma_wait3A_617 = arith.constant 0 : i32
      %dma_wait3A_618 = tpu.memref_slice %arg5[%dma_wait3A_616, %dma_wait3A_617] : memref<160x768xf32, #tpu.memory_space<vmem>> -> memref<8x768xf32, #tpu.memory_space<vmem>>
      %dma_wait3A_619 = arith.constant 0 : i32
      %dma_wait3A_620 = tpu.memref_slice %arg2[%dma_wait3A_615, %add3A_614, %dma_wait3A_619] : memref<4x4096x768xf32, #tpu.memory_space<hbm>> -> memref<1x8x768xf32, #tpu.memory_space<hbm>>
      %dma_wait3A_621 = tpu.memref_squeeze %dma_wait3A_620 : memref<1x8x768xf32, #tpu.memory_space<hbm>> -> memref<8x768xf32, #tpu.memory_space<hbm>>
      %dma_wait3A_622 = arith.constant 48 : i32
      %dma_wait3A_623 = arith.constant 0 : i32
      %dma_wait3A_624 = tpu.memref_slice %arg5[%dma_wait3A_622, %dma_wait3A_623] : memref<160x768xf32, #tpu.memory_space<vmem>> -> memref<8x768xf32, #tpu.memory_space<vmem>>
      %dma_wait3A_625 = arith.constant 0 : i32
      %dma_wait3A_626 = tpu.memref_slice %arg2[%dma_wait3A_615, %add3A_614, %dma_wait3A_625] : memref<4x4096x768xf32, #tpu.memory_space<hbm>> -> memref<1x8x768xf32, #tpu.memory_space<hbm>>
      %dma_wait3A_627 = tpu.memref_squeeze %dma_wait3A_626 : memref<1x8x768xf32, #tpu.memory_space<hbm>> -> memref<8x768xf32, #tpu.memory_space<hbm>>
      tpu.wait_dma2 semaphore(%arg8 : memref<!tpu.dma_semaphore, #tpu.memory_space<semaphore_mem>>) src(%dma_wait3A_627 : memref<8x768xf32, #tpu.memory_space<hbm>>) dst(%dma_wait3A_624 : memref<8x768xf32, #tpu.memory_space<vmem>>)
      %mul3A_628 = arith.constant 8 : i32
      %mul3A_629 = arith.muli %add3A_586, %mul3A_628 : i32
      %add3A_630 = arith.addi %mul3A_2, %mul3A_629 : i32
      %dma_wait3A_631 = arith.constant 1 : i32
      %dma_wait3A_632 = arith.constant 80 : i32
      %dma_wait3A_633 = arith.constant 0 : i32
      %dma_wait3A_634 = tpu.memref_slice %arg5[%dma_wait3A_632, %dma_wait3A_633] : memref<160x768xf32, #tpu.memory_space<vmem>> -> memref<8x768xf32, #tpu.memory_space<vmem>>
      %dma_wait3A_635 = arith.constant 0 : i32
      %dma_wait3A_636 = tpu.memref_slice %arg2[%dma_wait3A_631, %add3A_630, %dma_wait3A_635] : memref<4x4096x768xf32, #tpu.memory_space<hbm>> -> memref<1x8x768xf32, #tpu.memory_space<hbm>>
      %dma_wait3A_637 = tpu.memref_squeeze %dma_wait3A_636 : memref<1x8x768xf32, #tpu.memory_space<hbm>> -> memref<8x768xf32, #tpu.memory_space<hbm>>
      %dma_wait3A_638 = arith.constant 80 : i32
      %dma_wait3A_639 = arith.constant 0 : i32
      %dma_wait3A_640 = tpu.memref_slice %arg5[%dma_wait3A_638, %dma_wait3A_639] : memref<160x768xf32, #tpu.memory_space<vmem>> -> memref<8x768xf32, #tpu.memory_space<vmem>>
      %dma_wait3A_641 = arith.constant 0 : i32
      %dma_wait3A_642 = tpu.memref_slice %arg2[%dma_wait3A_631, %add3A_630, %dma_wait3A_641] : memref<4x4096x768xf32, #tpu.memory_space<hbm>> -> memref<1x8x768xf32, #tpu.memory_space<hbm>>
      %dma_wait3A_643 = tpu.memref_squeeze %dma_wait3A_642 : memref<1x8x768xf32, #tpu.memory_space<hbm>> -> memref<8x768xf32, #tpu.memory_space<hbm>>
      tpu.wait_dma2 semaphore(%arg8 : memref<!tpu.dma_semaphore, #tpu.memory_space<semaphore_mem>>) src(%dma_wait3A_643 : memref<8x768xf32, #tpu.memory_space<hbm>>) dst(%dma_wait3A_640 : memref<8x768xf32, #tpu.memory_space<vmem>>)
      %mul3A_644 = arith.constant 8 : i32
      %mul3A_645 = arith.muli %add3A_586, %mul3A_644 : i32
      %add3A_646 = arith.addi %mul3A_2, %mul3A_645 : i32
      %dma_wait3A_647 = arith.constant 2 : i32
      %dma_wait3A_648 = arith.constant 112 : i32
      %dma_wait3A_649 = arith.constant 0 : i32
      %dma_wait3A_650 = tpu.memref_slice %arg5[%dma_wait3A_648, %dma_wait3A_649] : memref<160x768xf32, #tpu.memory_space<vmem>> -> memref<8x768xf32, #tpu.memory_space<vmem>>
      %dma_wait3A_651 = arith.constant 0 : i32
      %dma_wait3A_652 = tpu.memref_slice %arg2[%dma_wait3A_647, %add3A_646, %dma_wait3A_651] : memref<4x4096x768xf32, #tpu.memory_space<hbm>> -> memref<1x8x768xf32, #tpu.memory_space<hbm>>
      %dma_wait3A_653 = tpu.memref_squeeze %dma_wait3A_652 : memref<1x8x768xf32, #tpu.memory_space<hbm>> -> memref<8x768xf32, #tpu.memory_space<hbm>>
      %dma_wait3A_654 = arith.constant 112 : i32
      %dma_wait3A_655 = arith.constant 0 : i32
      %dma_wait3A_656 = tpu.memref_slice %arg5[%dma_wait3A_654, %dma_wait3A_655] : memref<160x768xf32, #tpu.memory_space<vmem>> -> memref<8x768xf32, #tpu.memory_space<vmem>>
      %dma_wait3A_657 = arith.constant 0 : i32
      %dma_wait3A_658 = tpu.memref_slice %arg2[%dma_wait3A_647, %add3A_646, %dma_wait3A_657] : memref<4x4096x768xf32, #tpu.memory_space<hbm>> -> memref<1x8x768xf32, #tpu.memory_space<hbm>>
      %dma_wait3A_659 = tpu.memref_squeeze %dma_wait3A_658 : memref<1x8x768xf32, #tpu.memory_space<hbm>> -> memref<8x768xf32, #tpu.memory_space<hbm>>
      tpu.wait_dma2 semaphore(%arg8 : memref<!tpu.dma_semaphore, #tpu.memory_space<semaphore_mem>>) src(%dma_wait3A_659 : memref<8x768xf32, #tpu.memory_space<hbm>>) dst(%dma_wait3A_656 : memref<8x768xf32, #tpu.memory_space<vmem>>)
      %mul3A_660 = arith.constant 8 : i32
      %mul3A_661 = arith.muli %add3A_586, %mul3A_660 : i32
      %add3A_662 = arith.addi %mul3A_2, %mul3A_661 : i32
      %dma_wait3A_663 = arith.constant 3 : i32
      %dma_wait3A_664 = arith.constant 144 : i32
      %dma_wait3A_665 = arith.constant 0 : i32
      %dma_wait3A_666 = tpu.memref_slice %arg5[%dma_wait3A_664, %dma_wait3A_665] : memref<160x768xf32, #tpu.memory_space<vmem>> -> memref<8x768xf32, #tpu.memory_space<vmem>>
      %dma_wait3A_667 = arith.constant 0 : i32
      %dma_wait3A_668 = tpu.memref_slice %arg2[%dma_wait3A_663, %add3A_662, %dma_wait3A_667] : memref<4x4096x768xf32, #tpu.memory_space<hbm>> -> memref<1x8x768xf32, #tpu.memory_space<hbm>>
      %dma_wait3A_669 = tpu.memref_squeeze %dma_wait3A_668 : memref<1x8x768xf32, #tpu.memory_space<hbm>> -> memref<8x768xf32, #tpu.memory_space<hbm>>
      %dma_wait3A_670 = arith.constant 144 : i32
      %dma_wait3A_671 = arith.constant 0 : i32
      %dma_wait3A_672 = tpu.memref_slice %arg5[%dma_wait3A_670, %dma_wait3A_671] : memref<160x768xf32, #tpu.memory_space<vmem>> -> memref<8x768xf32, #tpu.memory_space<vmem>>
      %dma_wait3A_673 = arith.constant 0 : i32
      %dma_wait3A_674 = tpu.memref_slice %arg2[%dma_wait3A_663, %add3A_662, %dma_wait3A_673] : memref<4x4096x768xf32, #tpu.memory_space<hbm>> -> memref<1x8x768xf32, #tpu.memory_space<hbm>>
      %dma_wait3A_675 = tpu.memref_squeeze %dma_wait3A_674 : memref<1x8x768xf32, #tpu.memory_space<hbm>> -> memref<8x768xf32, #tpu.memory_space<hbm>>
      tpu.wait_dma2 semaphore(%arg8 : memref<!tpu.dma_semaphore, #tpu.memory_space<semaphore_mem>>) src(%dma_wait3A_675 : memref<8x768xf32, #tpu.memory_space<hbm>>) dst(%dma_wait3A_672 : memref<8x768xf32, #tpu.memory_space<vmem>>)
      %parallel_loop3A_676 = arith.constant 0 : i32
      %parallel_loop3A_677 = arith.constant 8 : i32
      %parallel_loop3A_678 = arith.constant 1 : i32
      scf.for %parallel_loop3A_901 = %parallel_loop3A_676 to %parallel_loop3A_677 step %parallel_loop3A_678  : i32 {
        %parallel_loop3A_902 = arith.constant 0 : i32
        %parallel_loop3A_903 = arith.constant 48 : i32
        %parallel_loop3A_904 = arith.constant 1 : i32
        scf.for %parallel_loop3A_905 = %parallel_loop3A_902 to %parallel_loop3A_903 step %parallel_loop3A_904  : i32 {
          %parallel_loop3A_906 = arith.constant 16 : i32
          %parallel_loop3A_907 = arith.addi %parallel_loop3A_906, %parallel_loop3A_901 : i32
          %parallel_loop3A_908 = arith.constant 16 : i32
          %parallel_loop3A_909 = arith.muli %parallel_loop3A_905, %parallel_loop3A_908 : i32
          %parallel_loop3A_910 = arith.index_cast %parallel_loop3A_907 : i32 to index
          %parallel_loop3A_911 = arith.index_cast %parallel_loop3A_909 : i32 to index
          %parallel_loop3A_912 = tpu.vector_load %arg5[%parallel_loop3A_910, %parallel_loop3A_911] {strides = array<i32>} : memref<160x768xf32, #tpu.memory_space<vmem>>, vector<1x16xf32>,
          %parallel_loop3A_913 = vector.shape_cast %parallel_loop3A_912 : vector<1x16xf32> to vector<16xf32>
          %parallel_loop3A_914 = arith.constant 48 : i32
          %parallel_loop3A_915 = arith.addi %parallel_loop3A_914, %parallel_loop3A_901 : i32
          %parallel_loop3A_916 = arith.constant 16 : i32
          %parallel_loop3A_917 = arith.muli %parallel_loop3A_905, %parallel_loop3A_916 : i32
          %parallel_loop3A_918 = arith.index_cast %parallel_loop3A_915 : i32 to index
          %parallel_loop3A_919 = arith.index_cast %parallel_loop3A_917 : i32 to index
          %parallel_loop3A_920 = tpu.vector_load %arg5[%parallel_loop3A_918, %parallel_loop3A_919] {strides = array<i32>} : memref<160x768xf32, #tpu.memory_space<vmem>>, vector<1x16xf32>,
          %parallel_loop3A_921 = vector.shape_cast %parallel_loop3A_920 : vector<1x16xf32> to vector<16xf32>
          %parallel_loop3A_922 = vector.shape_cast %parallel_loop3A_913 : vector<16xf32> to vector<1x16xf32>
          tpu.vector_store %arg5[%parallel_loop3A_918, %parallel_loop3A_919], %parallel_loop3A_922 {add = true, strides = array<i32>} : memref<160x768xf32, #tpu.memory_space<vmem>>, vector<1x16xf32>,
          %parallel_loop3A_923 = arith.constant 80 : i32
          %parallel_loop3A_924 = arith.addi %parallel_loop3A_923, %parallel_loop3A_901 : i32
          %parallel_loop3A_925 = arith.constant 16 : i32
          %parallel_loop3A_926 = arith.muli %parallel_loop3A_905, %parallel_loop3A_925 : i32
          %parallel_loop3A_927 = arith.index_cast %parallel_loop3A_924 : i32 to index
          %parallel_loop3A_928 = arith.index_cast %parallel_loop3A_926 : i32 to index
          %parallel_loop3A_929 = tpu.vector_load %arg5[%parallel_loop3A_927, %parallel_loop3A_928] {strides = array<i32>} : memref<160x768xf32, #tpu.memory_space<vmem>>, vector<1x16xf32>,
          %parallel_loop3A_930 = vector.shape_cast %parallel_loop3A_929 : vector<1x16xf32> to vector<16xf32>
          %parallel_loop3A_931 = vector.shape_cast %parallel_loop3A_913 : vector<16xf32> to vector<1x16xf32>
          tpu.vector_store %arg5[%parallel_loop3A_927, %parallel_loop3A_928], %parallel_loop3A_931 {add = true, strides = array<i32>} : memref<160x768xf32, #tpu.memory_space<vmem>>, vector<1x16xf32>,
          %parallel_loop3A_932 = arith.constant 112 : i32
          %parallel_loop3A_933 = arith.addi %parallel_loop3A_932, %parallel_loop3A_901 : i32
          %parallel_loop3A_934 = arith.constant 16 : i32
          %parallel_loop3A_935 = arith.muli %parallel_loop3A_905, %parallel_loop3A_934 : i32
          %parallel_loop3A_936 = arith.index_cast %parallel_loop3A_933 : i32 to index
          %parallel_loop3A_937 = arith.index_cast %parallel_loop3A_935 : i32 to index
          %parallel_loop3A_938 = tpu.vector_load %arg5[%parallel_loop3A_936, %parallel_loop3A_937] {strides = array<i32>} : memref<160x768xf32, #tpu.memory_space<vmem>>, vector<1x16xf32>,
          %parallel_loop3A_939 = vector.shape_cast %parallel_loop3A_938 : vector<1x16xf32> to vector<16xf32>
          %parallel_loop3A_940 = vector.shape_cast %parallel_loop3A_913 : vector<16xf32> to vector<1x16xf32>
          tpu.vector_store %arg5[%parallel_loop3A_936, %parallel_loop3A_937], %parallel_loop3A_940 {add = true, strides = array<i32>} : memref<160x768xf32, #tpu.memory_space<vmem>>, vector<1x16xf32>,
          %parallel_loop3A_941 = arith.constant 144 : i32
          %parallel_loop3A_942 = arith.addi %parallel_loop3A_941, %parallel_loop3A_901 : i32
          %parallel_loop3A_943 = arith.constant 16 : i32
          %parallel_loop3A_944 = arith.muli %parallel_loop3A_905, %parallel_loop3A_943 : i32
          %parallel_loop3A_945 = arith.index_cast %parallel_loop3A_942 : i32 to index
          %parallel_loop3A_946 = arith.index_cast %parallel_loop3A_944 : i32 to index
          %parallel_loop3A_947 = tpu.vector_load %arg5[%parallel_loop3A_945, %parallel_loop3A_946] {strides = array<i32>} : memref<160x768xf32, #tpu.memory_space<vmem>>, vector<1x16xf32>,
          %parallel_loop3A_948 = vector.shape_cast %parallel_loop3A_947 : vector<1x16xf32> to vector<16xf32>
          %parallel_loop3A_949 = vector.shape_cast %parallel_loop3A_913 : vector<16xf32> to vector<1x16xf32>
          tpu.vector_store %arg5[%parallel_loop3A_945, %parallel_loop3A_946], %parallel_loop3A_949 {add = true, strides = array<i32>} : memref<160x768xf32, #tpu.memory_space<vmem>>, vector<1x16xf32>,
        } {sc.loop_unroll_factor = 4 : i64, sc.parallel_access}
      } {sc.loop_unroll_factor = 1 : i64, sc.parallel_access}
      %mul3A_679 = arith.constant 8 : i32
      %mul3A_680 = arith.muli %add3A_586, %mul3A_679 : i32
      %add3A_681 = arith.addi %mul3A_2, %mul3A_680 : i32
      %dma_start3A_682 = arith.constant 0 : i32
      %dma_start3A_683 = arith.constant 48 : i32
      %dma_start3A_684 = arith.constant 0 : i32
      %dma_start3A_685 = tpu.memref_slice %arg5[%dma_start3A_683, %dma_start3A_684] : memref<160x768xf32, #tpu.memory_space<vmem>> -> memref<8x768xf32, #tpu.memory_space<vmem>>
      %dma_start3A_686 = arith.constant 0 : i32
      %dma_start3A_687 = tpu.memref_slice %arg4[%dma_start3A_682, %add3A_681, %dma_start3A_686] : memref<4x4096x768xf32, #tpu.memory_space<hbm>> -> memref<1x8x768xf32, #tpu.memory_space<hbm>>
      %dma_start3A_688 = tpu.memref_squeeze %dma_start3A_687 : memref<1x8x768xf32, #tpu.memory_space<hbm>> -> memref<8x768xf32, #tpu.memory_space<hbm>>
      %dma_start3A_689 = arith.constant 0 : i32
      %dma_start3A_690 = tpu.memref_slice %arg4[%dma_start3A_682, %add3A_681, %dma_start3A_689] : memref<4x4096x768xf32, #tpu.memory_space<hbm>> -> memref<1x8x768xf32, #tpu.memory_space<hbm>>
      %dma_start3A_691 = tpu.memref_squeeze %dma_start3A_690 : memref<1x8x768xf32, #tpu.memory_space<hbm>> -> memref<8x768xf32, #tpu.memory_space<hbm>>
      %dma_start3A_692 = arith.constant 48 : i32
      %dma_start3A_693 = arith.constant 0 : i32
      %dma_start3A_694 = tpu.memref_slice %arg5[%dma_start3A_692, %dma_start3A_693] : memref<160x768xf32, #tpu.memory_space<vmem>> -> memref<8x768xf32, #tpu.memory_space<vmem>>
      tpu.enqueue_dma source(%dma_start3A_694 : memref<8x768xf32, #tpu.memory_space<vmem>>) target(%dma_start3A_691 : memref<8x768xf32, #tpu.memory_space<hbm>>) target_semaphore(%arg12 : memref<!tpu.dma_semaphore, #tpu.memory_space<semaphore_mem>>)
      %mul3A_695 = arith.constant 8 : i32
      %mul3A_696 = arith.muli %add3A_586, %mul3A_695 : i32
      %add3A_697 = arith.addi %mul3A_2, %mul3A_696 : i32
      %dma_start3A_698 = arith.constant 1 : i32
      %dma_start3A_699 = arith.constant 80 : i32
      %dma_start3A_700 = arith.constant 0 : i32
      %dma_start3A_701 = tpu.memref_slice %arg5[%dma_start3A_699, %dma_start3A_700] : memref<160x768xf32, #tpu.memory_space<vmem>> -> memref<8x768xf32, #tpu.memory_space<vmem>>
      %dma_start3A_702 = arith.constant 0 : i32
      %dma_start3A_703 = tpu.memref_slice %arg4[%dma_start3A_698, %add3A_697, %dma_start3A_702] : memref<4x4096x768xf32, #tpu.memory_space<hbm>> -> memref<1x8x768xf32, #tpu.memory_space<hbm>>
      %dma_start3A_704 = tpu.memref_squeeze %dma_start3A_703 : memref<1x8x768xf32, #tpu.memory_space<hbm>> -> memref<8x768xf32, #tpu.memory_space<hbm>>
      %dma_start3A_705 = arith.constant 0 : i32
      %dma_start3A_706 = tpu.memref_slice %arg4[%dma_start3A_698, %add3A_697, %dma_start3A_705] : memref<4x4096x768xf32, #tpu.memory_space<hbm>> -> memref<1x8x768xf32, #tpu.memory_space<hbm>>
      %dma_start3A_707 = tpu.memref_squeeze %dma_start3A_706 : memref<1x8x768xf32, #tpu.memory_space<hbm>> -> memref<8x768xf32, #tpu.memory_space<hbm>>
      %dma_start3A_708 = arith.constant 80 : i32
      %dma_start3A_709 = arith.constant 0 : i32
      %dma_start3A_710 = tpu.memref_slice %arg5[%dma_start3A_708, %dma_start3A_709] : memref<160x768xf32, #tpu.memory_space<vmem>> -> memref<8x768xf32, #tpu.memory_space<vmem>>
      tpu.enqueue_dma source(%dma_start3A_710 : memref<8x768xf32, #tpu.memory_space<vmem>>) target(%dma_start3A_707 : memref<8x768xf32, #tpu.memory_space<hbm>>) target_semaphore(%arg12 : memref<!tpu.dma_semaphore, #tpu.memory_space<semaphore_mem>>)
      %mul3A_711 = arith.constant 8 : i32
      %mul3A_712 = arith.muli %add3A_586, %mul3A_711 : i32
      %add3A_713 = arith.addi %mul3A_2, %mul3A_712 : i32
      %dma_start3A_714 = arith.constant 2 : i32
      %dma_start3A_715 = arith.constant 112 : i32
      %dma_start3A_716 = arith.constant 0 : i32
      %dma_start3A_717 = tpu.memref_slice %arg5[%dma_start3A_715, %dma_start3A_716] : memref<160x768xf32, #tpu.memory_space<vmem>> -> memref<8x768xf32, #tpu.memory_space<vmem>>
      %dma_start3A_718 = arith.constant 0 : i32
      %dma_start3A_719 = tpu.memref_slice %arg4[%dma_start3A_714, %add3A_713, %dma_start3A_718] : memref<4x4096x768xf32, #tpu.memory_space<hbm>> -> memref<1x8x768xf32, #tpu.memory_space<hbm>>
      %dma_start3A_720 = tpu.memref_squeeze %dma_start3A_719 : memref<1x8x768xf32, #tpu.memory_space<hbm>> -> memref<8x768xf32, #tpu.memory_space<hbm>>
      %dma_start3A_721 = arith.constant 0 : i32
      %dma_start3A_722 = tpu.memref_slice %arg4[%dma_start3A_714, %add3A_713, %dma_start3A_721] : memref<4x4096x768xf32, #tpu.memory_space<hbm>> -> memref<1x8x768xf32, #tpu.memory_space<hbm>>
      %dma_start3A_723 = tpu.memref_squeeze %dma_start3A_722 : memref<1x8x768xf32, #tpu.memory_space<hbm>> -> memref<8x768xf32, #tpu.memory_space<hbm>>
      %dma_start3A_724 = arith.constant 112 : i32
      %dma_start3A_725 = arith.constant 0 : i32
      %dma_start3A_726 = tpu.memref_slice %arg5[%dma_start3A_724, %dma_start3A_725] : memref<160x768xf32, #tpu.memory_space<vmem>> -> memref<8x768xf32, #tpu.memory_space<vmem>>
      tpu.enqueue_dma source(%dma_start3A_726 : memref<8x768xf32, #tpu.memory_space<vmem>>) target(%dma_start3A_723 : memref<8x768xf32, #tpu.memory_space<hbm>>) target_semaphore(%arg12 : memref<!tpu.dma_semaphore, #tpu.memory_space<semaphore_mem>>)
      %mul3A_727 = arith.constant 8 : i32
      %mul3A_728 = arith.muli %add3A_586, %mul3A_727 : i32
      %add3A_729 = arith.addi %mul3A_2, %mul3A_728 : i32
      %dma_start3A_730 = arith.constant 3 : i32
      %dma_start3A_731 = arith.constant 144 : i32
      %dma_start3A_732 = arith.constant 0 : i32
      %dma_start3A_733 = tpu.memref_slice %arg5[%dma_start3A_731, %dma_start3A_732] : memref<160x768xf32, #tpu.memory_space<vmem>> -> memref<8x768xf32, #tpu.memory_space<vmem>>
      %dma_start3A_734 = arith.constant 0 : i32
      %dma_start3A_735 = tpu.memref_slice %arg4[%dma_start3A_730, %add3A_729, %dma_start3A_734] : memref<4x4096x768xf32, #tpu.memory_space<hbm>> -> memref<1x8x768xf32, #tpu.memory_space<hbm>>
      %dma_start3A_736 = tpu.memref_squeeze %dma_start3A_735 : memref<1x8x768xf32, #tpu.memory_space<hbm>> -> memref<8x768xf32, #tpu.memory_space<hbm>>
      %dma_start3A_737 = arith.constant 0 : i32
      %dma_start3A_738 = tpu.memref_slice %arg4[%dma_start3A_730, %add3A_729, %dma_start3A_737] : memref<4x4096x768xf32, #tpu.memory_space<hbm>> -> memref<1x8x768xf32, #tpu.memory_space<hbm>>
      %dma_start3A_739 = tpu.memref_squeeze %dma_start3A_738 : memref<1x8x768xf32, #tpu.memory_space<hbm>> -> memref<8x768xf32, #tpu.memory_space<hbm>>
      %dma_start3A_740 = arith.constant 144 : i32
      %dma_start3A_741 = arith.constant 0 : i32
      %dma_start3A_742 = tpu.memref_slice %arg5[%dma_start3A_740, %dma_start3A_741] : memref<160x768xf32, #tpu.memory_space<vmem>> -> memref<8x768xf32, #tpu.memory_space<vmem>>
      tpu.enqueue_dma source(%dma_start3A_742 : memref<8x768xf32, #tpu.memory_space<vmem>>) target(%dma_start3A_739 : memref<8x768xf32, #tpu.memory_space<hbm>>) target_semaphore(%arg12 : memref<!tpu.dma_semaphore, #tpu.memory_space<semaphore_mem>>)
      %add3A_743 = arith.constant 3 : i32
      %add3A_744 = arith.addi %add3A_273, %add3A_743 : i32
      %ge3A_745 = arith.constant 2 : i32
      %ge3A_746 = arith.cmpi sge, %add3A_744, %ge3A_745 : i32
      %convert_element_type3A_747 = arith.extui %ge3A_746 : i1 to i32
      %cond3A_748 = arith.constant 0 : i32
      %cond3A_749 = arith.cmpi ne, %convert_element_type3A_747, %cond3A_748 : i32
      scf.if %cond3A_749 {
        %sub3A = arith.constant 2 : i32
        %sub3A_901 = arith.subi %add3A_744, %sub3A : i32
        %mul3A_902 = arith.constant 8 : i32
        %mul3A_903 = arith.muli %sub3A_901, %mul3A_902 : i32
        %add3A_904 = arith.addi %mul3A_2, %mul3A_903 : i32
        %dma_wait3A_905 = arith.constant 0 : i32
        %dma_wait3A_906 = arith.constant 40 : i32
        %dma_wait3A_907 = arith.constant 0 : i32
        %dma_wait3A_908 = tpu.memref_slice %arg5[%dma_wait3A_906, %dma_wait3A_907] : memref<160x768xf32, #tpu.memory_space<vmem>> -> memref<8x768xf32, #tpu.memory_space<vmem>>
        %dma_wait3A_909 = arith.constant 0 : i32
        %dma_wait3A_910 = tpu.memref_slice %arg4[%dma_wait3A_905, %add3A_904, %dma_wait3A_909] : memref<4x4096x768xf32, #tpu.memory_space<hbm>> -> memref<1x8x768xf32, #tpu.memory_space<hbm>>
        %dma_wait3A_911 = tpu.memref_squeeze %dma_wait3A_910 : memref<1x8x768xf32, #tpu.memory_space<hbm>> -> memref<8x768xf32, #tpu.memory_space<hbm>>
        %dma_wait3A_912 = arith.constant 0 : i32
        %dma_wait3A_913 = tpu.memref_slice %arg4[%dma_wait3A_905, %add3A_904, %dma_wait3A_912] : memref<4x4096x768xf32, #tpu.memory_space<hbm>> -> memref<1x8x768xf32, #tpu.memory_space<hbm>>
        %dma_wait3A_914 = tpu.memref_squeeze %dma_wait3A_913 : memref<1x8x768xf32, #tpu.memory_space<hbm>> -> memref<8x768xf32, #tpu.memory_space<hbm>>
        %dma_wait3A_915 = arith.constant 40 : i32
        %dma_wait3A_916 = arith.constant 0 : i32
        %dma_wait3A_917 = tpu.memref_slice %arg5[%dma_wait3A_915, %dma_wait3A_916] : memref<160x768xf32, #tpu.memory_space<vmem>> -> memref<8x768xf32, #tpu.memory_space<vmem>>
        tpu.wait_dma2 semaphore(%arg11 : memref<!tpu.dma_semaphore, #tpu.memory_space<semaphore_mem>>) src(%dma_wait3A_917 : memref<8x768xf32, #tpu.memory_space<vmem>>) dst(%dma_wait3A_914 : memref<8x768xf32, #tpu.memory_space<hbm>>)
        %sub3A_918 = arith.constant 2 : i32
        %sub3A_919 = arith.subi %add3A_744, %sub3A_918 : i32
        %mul3A_920 = arith.constant 8 : i32
        %mul3A_921 = arith.muli %sub3A_919, %mul3A_920 : i32
        %add3A_922 = arith.addi %mul3A_2, %mul3A_921 : i32
        %dma_wait3A_923 = arith.constant 1 : i32
        %dma_wait3A_924 = arith.constant 72 : i32
        %dma_wait3A_925 = arith.constant 0 : i32
        %dma_wait3A_926 = tpu.memref_slice %arg5[%dma_wait3A_924, %dma_wait3A_925] : memref<160x768xf32, #tpu.memory_space<vmem>> -> memref<8x768xf32, #tpu.memory_space<vmem>>
        %dma_wait3A_927 = arith.constant 0 : i32
        %dma_wait3A_928 = tpu.memref_slice %arg4[%dma_wait3A_923, %add3A_922, %dma_wait3A_927] : memref<4x4096x768xf32, #tpu.memory_space<hbm>> -> memref<1x8x768xf32, #tpu.memory_space<hbm>>
        %dma_wait3A_929 = tpu.memref_squeeze %dma_wait3A_928 : memref<1x8x768xf32, #tpu.memory_space<hbm>> -> memref<8x768xf32, #tpu.memory_space<hbm>>
        %dma_wait3A_930 = arith.constant 0 : i32
        %dma_wait3A_931 = tpu.memref_slice %arg4[%dma_wait3A_923, %add3A_922, %dma_wait3A_930] : memref<4x4096x768xf32, #tpu.memory_space<hbm>> -> memref<1x8x768xf32, #tpu.memory_space<hbm>>
        %dma_wait3A_932 = tpu.memref_squeeze %dma_wait3A_931 : memref<1x8x768xf32, #tpu.memory_space<hbm>> -> memref<8x768xf32, #tpu.memory_space<hbm>>
        %dma_wait3A_933 = arith.constant 72 : i32
        %dma_wait3A_934 = arith.constant 0 : i32
        %dma_wait3A_935 = tpu.memref_slice %arg5[%dma_wait3A_933, %dma_wait3A_934] : memref<160x768xf32, #tpu.memory_space<vmem>> -> memref<8x768xf32, #tpu.memory_space<vmem>>
        tpu.wait_dma2 semaphore(%arg11 : memref<!tpu.dma_semaphore, #tpu.memory_space<semaphore_mem>>) src(%dma_wait3A_935 : memref<8x768xf32, #tpu.memory_space<vmem>>) dst(%dma_wait3A_932 : memref<8x768xf32, #tpu.memory_space<hbm>>)
        %sub3A_936 = arith.constant 2 : i32
        %sub3A_937 = arith.subi %add3A_744, %sub3A_936 : i32
        %mul3A_938 = arith.constant 8 : i32
        %mul3A_939 = arith.muli %sub3A_937, %mul3A_938 : i32
        %add3A_940 = arith.addi %mul3A_2, %mul3A_939 : i32
        %dma_wait3A_941 = arith.constant 2 : i32
        %dma_wait3A_942 = arith.constant 104 : i32
        %dma_wait3A_943 = arith.constant 0 : i32
        %dma_wait3A_944 = tpu.memref_slice %arg5[%dma_wait3A_942, %dma_wait3A_943] : memref<160x768xf32, #tpu.memory_space<vmem>> -> memref<8x768xf32, #tpu.memory_space<vmem>>
        %dma_wait3A_945 = arith.constant 0 : i32
        %dma_wait3A_946 = tpu.memref_slice %arg4[%dma_wait3A_941, %add3A_940, %dma_wait3A_945] : memref<4x4096x768xf32, #tpu.memory_space<hbm>> -> memref<1x8x768xf32, #tpu.memory_space<hbm>>
        %dma_wait3A_947 = tpu.memref_squeeze %dma_wait3A_946 : memref<1x8x768xf32, #tpu.memory_space<hbm>> -> memref<8x768xf32, #tpu.memory_space<hbm>>
        %dma_wait3A_948 = arith.constant 0 : i32
        %dma_wait3A_949 = tpu.memref_slice %arg4[%dma_wait3A_941, %add3A_940, %dma_wait3A_948] : memref<4x4096x768xf32, #tpu.memory_space<hbm>> -> memref<1x8x768xf32, #tpu.memory_space<hbm>>
        %dma_wait3A_950 = tpu.memref_squeeze %dma_wait3A_949 : memref<1x8x768xf32, #tpu.memory_space<hbm>> -> memref<8x768xf32, #tpu.memory_space<hbm>>
        %dma_wait3A_951 = arith.constant 104 : i32
        %dma_wait3A_952 = arith.constant 0 : i32
        %dma_wait3A_953 = tpu.memref_slice %arg5[%dma_wait3A_951, %dma_wait3A_952] : memref<160x768xf32, #tpu.memory_space<vmem>> -> memref<8x768xf32, #tpu.memory_space<vmem>>
        tpu.wait_dma2 semaphore(%arg11 : memref<!tpu.dma_semaphore, #tpu.memory_space<semaphore_mem>>) src(%dma_wait3A_953 : memref<8x768xf32, #tpu.memory_space<vmem>>) dst(%dma_wait3A_950 : memref<8x768xf32, #tpu.memory_space<hbm>>)
        %sub3A_954 = arith.constant 2 : i32
        %sub3A_955 = arith.subi %add3A_744, %sub3A_954 : i32
        %mul3A_956 = arith.constant 8 : i32
        %mul3A_957 = arith.muli %sub3A_955, %mul3A_956 : i32
        %add3A_958 = arith.addi %mul3A_2, %mul3A_957 : i32
        %dma_wait3A_959 = arith.constant 3 : i32
        %dma_wait3A_960 = arith.constant 136 : i32
        %dma_wait3A_961 = arith.constant 0 : i32
        %dma_wait3A_962 = tpu.memref_slice %arg5[%dma_wait3A_960, %dma_wait3A_961] : memref<160x768xf32, #tpu.memory_space<vmem>> -> memref<8x768xf32, #tpu.memory_space<vmem>>
        %dma_wait3A_963 = arith.constant 0 : i32
        %dma_wait3A_964 = tpu.memref_slice %arg4[%dma_wait3A_959, %add3A_958, %dma_wait3A_963] : memref<4x4096x768xf32, #tpu.memory_space<hbm>> -> memref<1x8x768xf32, #tpu.memory_space<hbm>>
        %dma_wait3A_965 = tpu.memref_squeeze %dma_wait3A_964 : memref<1x8x768xf32, #tpu.memory_space<hbm>> -> memref<8x768xf32, #tpu.memory_space<hbm>>
        %dma_wait3A_966 = arith.constant 0 : i32
        %dma_wait3A_967 = tpu.memref_slice %arg4[%dma_wait3A_959, %add3A_958, %dma_wait3A_966] : memref<4x4096x768xf32, #tpu.memory_space<hbm>> -> memref<1x8x768xf32, #tpu.memory_space<hbm>>
        %dma_wait3A_968 = tpu.memref_squeeze %dma_wait3A_967 : memref<1x8x768xf32, #tpu.memory_space<hbm>> -> memref<8x768xf32, #tpu.memory_space<hbm>>
        %dma_wait3A_969 = arith.constant 136 : i32
        %dma_wait3A_970 = arith.constant 0 : i32
        %dma_wait3A_971 = tpu.memref_slice %arg5[%dma_wait3A_969, %dma_wait3A_970] : memref<160x768xf32, #tpu.memory_space<vmem>> -> memref<8x768xf32, #tpu.memory_space<vmem>>
        tpu.wait_dma2 semaphore(%arg11 : memref<!tpu.dma_semaphore, #tpu.memory_space<semaphore_mem>>) src(%dma_wait3A_971 : memref<8x768xf32, #tpu.memory_space<vmem>>) dst(%dma_wait3A_968 : memref<8x768xf32, #tpu.memory_space<hbm>>)
      } else {
      }
      %add3A_750 = arith.constant 2 : i32
      %add3A_751 = arith.addi %add3A_744, %add3A_750 : i32
      %lt3A_752 = arith.constant 16 : i32
      %lt3A_753 = arith.cmpi slt, %add3A_751, %lt3A_752 : i32
      %convert_element_type3A_754 = arith.extui %lt3A_753 : i1 to i32
      %cond3A_755 = arith.constant 0 : i32
      %cond3A_756 = arith.cmpi ne, %convert_element_type3A_754, %cond3A_755 : i32
      scf.if %cond3A_756 {
        %add3A_901 = arith.constant 2 : i32
        %add3A_902 = arith.addi %add3A_744, %add3A_901 : i32
        %mul3A_903 = arith.constant 8 : i32
        %mul3A_904 = arith.muli %add3A_902, %mul3A_903 : i32
        %add3A_905 = arith.addi %mul3A_2, %mul3A_904 : i32
        %dma_start3A_906 = arith.constant 8 : i32
        %dma_start3A_907 = arith.constant 0 : i32
        %dma_start3A_908 = tpu.memref_slice %arg5[%dma_start3A_906, %dma_start3A_907] : memref<160x768xf32, #tpu.memory_space<vmem>> -> memref<8x768xf32, #tpu.memory_space<vmem>>
        %dma_start3A_909 = arith.constant 0 : i32
        %dma_start3A_910 = tpu.memref_slice %arg3[%add3A_905, %dma_start3A_909] : memref<4096x768xf32, #tpu.memory_space<hbm>> -> memref<8x768xf32, #tpu.memory_space<hbm>>
        %dma_start3A_911 = arith.constant 8 : i32
        %dma_start3A_912 = arith.constant 0 : i32
        %dma_start3A_913 = tpu.memref_slice %arg5[%dma_start3A_911, %dma_start3A_912] : memref<160x768xf32, #tpu.memory_space<vmem>> -> memref<8x768xf32, #tpu.memory_space<vmem>>
        %dma_start3A_914 = arith.constant 0 : i32
        %dma_start3A_915 = tpu.memref_slice %arg3[%add3A_905, %dma_start3A_914] : memref<4096x768xf32, #tpu.memory_space<hbm>> -> memref<8x768xf32, #tpu.memory_space<hbm>>
        tpu.enqueue_dma source(%dma_start3A_915 : memref<8x768xf32, #tpu.memory_space<hbm>>) target(%dma_start3A_913 : memref<8x768xf32, #tpu.memory_space<vmem>>) target_semaphore(%arg7 : memref<!tpu.dma_semaphore, #tpu.memory_space<semaphore_mem>>)
        %mul3A_916 = arith.constant 8 : i32
        %mul3A_917 = arith.muli %add3A_902, %mul3A_916 : i32
        %add3A_918 = arith.addi %mul3A_2, %mul3A_917 : i32
        %dma_start3A_919 = arith.constant 0 : i32
        %dma_start3A_920 = arith.constant 40 : i32
        %dma_start3A_921 = arith.constant 0 : i32
        %dma_start3A_922 = tpu.memref_slice %arg5[%dma_start3A_920, %dma_start3A_921] : memref<160x768xf32, #tpu.memory_space<vmem>> -> memref<8x768xf32, #tpu.memory_space<vmem>>
        %dma_start3A_923 = arith.constant 0 : i32
        %dma_start3A_924 = tpu.memref_slice %arg2[%dma_start3A_919, %add3A_918, %dma_start3A_923] : memref<4x4096x768xf32, #tpu.memory_space<hbm>> -> memref<1x8x768xf32, #tpu.memory_space<hbm>>
        %dma_start3A_925 = tpu.memref_squeeze %dma_start3A_924 : memref<1x8x768xf32, #tpu.memory_space<hbm>> -> memref<8x768xf32, #tpu.memory_space<hbm>>
        %dma_start3A_926 = arith.constant 40 : i32
        %dma_start3A_927 = arith.constant 0 : i32
        %dma_start3A_928 = tpu.memref_slice %arg5[%dma_start3A_926, %dma_start3A_927] : memref<160x768xf32, #tpu.memory_space<vmem>> -> memref<8x768xf32, #tpu.memory_space<vmem>>
        %dma_start3A_929 = arith.constant 0 : i32
        %dma_start3A_930 = tpu.memref_slice %arg2[%dma_start3A_919, %add3A_918, %dma_start3A_929] : memref<4x4096x768xf32, #tpu.memory_space<hbm>> -> memref<1x8x768xf32, #tpu.memory_space<hbm>>
        %dma_start3A_931 = tpu.memref_squeeze %dma_start3A_930 : memref<1x8x768xf32, #tpu.memory_space<hbm>> -> memref<8x768xf32, #tpu.memory_space<hbm>>
        tpu.enqueue_dma source(%dma_start3A_931 : memref<8x768xf32, #tpu.memory_space<hbm>>) target(%dma_start3A_928 : memref<8x768xf32, #tpu.memory_space<vmem>>) target_semaphore(%arg7 : memref<!tpu.dma_semaphore, #tpu.memory_space<semaphore_mem>>)
        %mul3A_932 = arith.constant 8 : i32
        %mul3A_933 = arith.muli %add3A_902, %mul3A_932 : i32
        %add3A_934 = arith.addi %mul3A_2, %mul3A_933 : i32
        %dma_start3A_935 = arith.constant 1 : i32
        %dma_start3A_936 = arith.constant 72 : i32
        %dma_start3A_937 = arith.constant 0 : i32
        %dma_start3A_938 = tpu.memref_slice %arg5[%dma_start3A_936, %dma_start3A_937] : memref<160x768xf32, #tpu.memory_space<vmem>> -> memref<8x768xf32, #tpu.memory_space<vmem>>
        %dma_start3A_939 = arith.constant 0 : i32
        %dma_start3A_940 = tpu.memref_slice %arg2[%dma_start3A_935, %add3A_934, %dma_start3A_939] : memref<4x4096x768xf32, #tpu.memory_space<hbm>> -> memref<1x8x768xf32, #tpu.memory_space<hbm>>
        %dma_start3A_941 = tpu.memref_squeeze %dma_start3A_940 : memref<1x8x768xf32, #tpu.memory_space<hbm>> -> memref<8x768xf32, #tpu.memory_space<hbm>>
        %dma_start3A_942 = arith.constant 72 : i32
        %dma_start3A_943 = arith.constant 0 : i32
        %dma_start3A_944 = tpu.memref_slice %arg5[%dma_start3A_942, %dma_start3A_943] : memref<160x768xf32, #tpu.memory_space<vmem>> -> memref<8x768xf32, #tpu.memory_space<vmem>>
        %dma_start3A_945 = arith.constant 0 : i32
        %dma_start3A_946 = tpu.memref_slice %arg2[%dma_start3A_935, %add3A_934, %dma_start3A_945] : memref<4x4096x768xf32, #tpu.memory_space<hbm>> -> memref<1x8x768xf32, #tpu.memory_space<hbm>>
        %dma_start3A_947 = tpu.memref_squeeze %dma_start3A_946 : memref<1x8x768xf32, #tpu.memory_space<hbm>> -> memref<8x768xf32, #tpu.memory_space<hbm>>
        tpu.enqueue_dma source(%dma_start3A_947 : memref<8x768xf32, #tpu.memory_space<hbm>>) target(%dma_start3A_944 : memref<8x768xf32, #tpu.memory_space<vmem>>) target_semaphore(%arg7 : memref<!tpu.dma_semaphore, #tpu.memory_space<semaphore_mem>>)
        %mul3A_948 = arith.constant 8 : i32
        %mul3A_949 = arith.muli %add3A_902, %mul3A_948 : i32
        %add3A_950 = arith.addi %mul3A_2, %mul3A_949 : i32
        %dma_start3A_951 = arith.constant 2 : i32
        %dma_start3A_952 = arith.constant 104 : i32
        %dma_start3A_953 = arith.constant 0 : i32
        %dma_start3A_954 = tpu.memref_slice %arg5[%dma_start3A_952, %dma_start3A_953] : memref<160x768xf32, #tpu.memory_space<vmem>> -> memref<8x768xf32, #tpu.memory_space<vmem>>
        %dma_start3A_955 = arith.constant 0 : i32
        %dma_start3A_956 = tpu.memref_slice %arg2[%dma_start3A_951, %add3A_950, %dma_start3A_955] : memref<4x4096x768xf32, #tpu.memory_space<hbm>> -> memref<1x8x768xf32, #tpu.memory_space<hbm>>
        %dma_start3A_957 = tpu.memref_squeeze %dma_start3A_956 : memref<1x8x768xf32, #tpu.memory_space<hbm>> -> memref<8x768xf32, #tpu.memory_space<hbm>>
        %dma_start3A_958 = arith.constant 104 : i32
        %dma_start3A_959 = arith.constant 0 : i32
        %dma_start3A_960 = tpu.memref_slice %arg5[%dma_start3A_958, %dma_start3A_959] : memref<160x768xf32, #tpu.memory_space<vmem>> -> memref<8x768xf32, #tpu.memory_space<vmem>>
        %dma_start3A_961 = arith.constant 0 : i32
        %dma_start3A_962 = tpu.memref_slice %arg2[%dma_start3A_951, %add3A_950, %dma_start3A_961] : memref<4x4096x768xf32, #tpu.memory_space<hbm>> -> memref<1x8x768xf32, #tpu.memory_space<hbm>>
        %dma_start3A_963 = tpu.memref_squeeze %dma_start3A_962 : memref<1x8x768xf32, #tpu.memory_space<hbm>> -> memref<8x768xf32, #tpu.memory_space<hbm>>
        tpu.enqueue_dma source(%dma_start3A_963 : memref<8x768xf32, #tpu.memory_space<hbm>>) target(%dma_start3A_960 : memref<8x768xf32, #tpu.memory_space<vmem>>) target_semaphore(%arg7 : memref<!tpu.dma_semaphore, #tpu.memory_space<semaphore_mem>>)
        %mul3A_964 = arith.constant 8 : i32
        %mul3A_965 = arith.muli %add3A_902, %mul3A_964 : i32
        %add3A_966 = arith.addi %mul3A_2, %mul3A_965 : i32
        %dma_start3A_967 = arith.constant 3 : i32
        %dma_start3A_968 = arith.constant 136 : i32
        %dma_start3A_969 = arith.constant 0 : i32
        %dma_start3A_970 = tpu.memref_slice %arg5[%dma_start3A_968, %dma_start3A_969] : memref<160x768xf32, #tpu.memory_space<vmem>> -> memref<8x768xf32, #tpu.memory_space<vmem>>
        %dma_start3A_971 = arith.constant 0 : i32
        %dma_start3A_972 = tpu.memref_slice %arg2[%dma_start3A_967, %add3A_966, %dma_start3A_971] : memref<4x4096x768xf32, #tpu.memory_space<hbm>> -> memref<1x8x768xf32, #tpu.memory_space<hbm>>
        %dma_start3A_973 = tpu.memref_squeeze %dma_start3A_972 : memref<1x8x768xf32, #tpu.memory_space<hbm>> -> memref<8x768xf32, #tpu.memory_space<hbm>>
        %dma_start3A_974 = arith.constant 136 : i32
        %dma_start3A_975 = arith.constant 0 : i32
        %dma_start3A_976 = tpu.memref_slice %arg5[%dma_start3A_974, %dma_start3A_975] : memref<160x768xf32, #tpu.memory_space<vmem>> -> memref<8x768xf32, #tpu.memory_space<vmem>>
        %dma_start3A_977 = arith.constant 0 : i32
        %dma_start3A_978 = tpu.memref_slice %arg2[%dma_start3A_967, %add3A_966, %dma_start3A_977] : memref<4x4096x768xf32, #tpu.memory_space<hbm>> -> memref<1x8x768xf32, #tpu.memory_space<hbm>>
        %dma_start3A_979 = tpu.memref_squeeze %dma_start3A_978 : memref<1x8x768xf32, #tpu.memory_space<hbm>> -> memref<8x768xf32, #tpu.memory_space<hbm>>
        tpu.enqueue_dma source(%dma_start3A_979 : memref<8x768xf32, #tpu.memory_space<hbm>>) target(%dma_start3A_976 : memref<8x768xf32, #tpu.memory_space<vmem>>) target_semaphore(%arg7 : memref<!tpu.dma_semaphore, #tpu.memory_space<semaphore_mem>>)
      } else {
      }
      %mul3A_757 = arith.constant 8 : i32
      %mul3A_758 = arith.muli %add3A_744, %mul3A_757 : i32
      %add3A_759 = arith.addi %mul3A_2, %mul3A_758 : i32
      %dma_wait3A_760 = arith.constant 24 : i32
      %dma_wait3A_761 = arith.constant 0 : i32
      %dma_wait3A_762 = tpu.memref_slice %arg5[%dma_wait3A_760, %dma_wait3A_761] : memref<160x768xf32, #tpu.memory_space<vmem>> -> memref<8x768xf32, #tpu.memory_space<vmem>>
      %dma_wait3A_763 = arith.constant 0 : i32
      %dma_wait3A_764 = tpu.memref_slice %arg3[%add3A_759, %dma_wait3A_763] : memref<4096x768xf32, #tpu.memory_space<hbm>> -> memref<8x768xf32, #tpu.memory_space<hbm>>
      %dma_wait3A_765 = arith.constant 24 : i32
      %dma_wait3A_766 = arith.constant 0 : i32
      %dma_wait3A_767 = tpu.memref_slice %arg5[%dma_wait3A_765, %dma_wait3A_766] : memref<160x768xf32, #tpu.memory_space<vmem>> -> memref<8x768xf32, #tpu.memory_space<vmem>>
      %dma_wait3A_768 = arith.constant 0 : i32
      %dma_wait3A_769 = tpu.memref_slice %arg3[%add3A_759, %dma_wait3A_768] : memref<4096x768xf32, #tpu.memory_space<hbm>> -> memref<8x768xf32, #tpu.memory_space<hbm>>
      tpu.wait_dma2 semaphore(%arg9 : memref<!tpu.dma_semaphore, #tpu.memory_space<semaphore_mem>>) src(%dma_wait3A_769 : memref<8x768xf32, #tpu.memory_space<hbm>>) dst(%dma_wait3A_767 : memref<8x768xf32, #tpu.memory_space<vmem>>)
      %mul3A_770 = arith.constant 8 : i32
      %mul3A_771 = arith.muli %add3A_744, %mul3A_770 : i32
      %add3A_772 = arith.addi %mul3A_2, %mul3A_771 : i32
      %dma_wait3A_773 = arith.constant 0 : i32
      %dma_wait3A_774 = arith.constant 56 : i32
      %dma_wait3A_775 = arith.constant 0 : i32
      %dma_wait3A_776 = tpu.memref_slice %arg5[%dma_wait3A_774, %dma_wait3A_775] : memref<160x768xf32, #tpu.memory_space<vmem>> -> memref<8x768xf32, #tpu.memory_space<vmem>>
      %dma_wait3A_777 = arith.constant 0 : i32
      %dma_wait3A_778 = tpu.memref_slice %arg2[%dma_wait3A_773, %add3A_772, %dma_wait3A_777] : memref<4x4096x768xf32, #tpu.memory_space<hbm>> -> memref<1x8x768xf32, #tpu.memory_space<hbm>>
      %dma_wait3A_779 = tpu.memref_squeeze %dma_wait3A_778 : memref<1x8x768xf32, #tpu.memory_space<hbm>> -> memref<8x768xf32, #tpu.memory_space<hbm>>
      %dma_wait3A_780 = arith.constant 56 : i32
      %dma_wait3A_781 = arith.constant 0 : i32
      %dma_wait3A_782 = tpu.memref_slice %arg5[%dma_wait3A_780, %dma_wait3A_781] : memref<160x768xf32, #tpu.memory_space<vmem>> -> memref<8x768xf32, #tpu.memory_space<vmem>>
      %dma_wait3A_783 = arith.constant 0 : i32
      %dma_wait3A_784 = tpu.memref_slice %arg2[%dma_wait3A_773, %add3A_772, %dma_wait3A_783] : memref<4x4096x768xf32, #tpu.memory_space<hbm>> -> memref<1x8x768xf32, #tpu.memory_space<hbm>>
      %dma_wait3A_785 = tpu.memref_squeeze %dma_wait3A_784 : memref<1x8x768xf32, #tpu.memory_space<hbm>> -> memref<8x768xf32, #tpu.memory_space<hbm>>
      tpu.wait_dma2 semaphore(%arg9 : memref<!tpu.dma_semaphore, #tpu.memory_space<semaphore_mem>>) src(%dma_wait3A_785 : memref<8x768xf32, #tpu.memory_space<hbm>>) dst(%dma_wait3A_782 : memref<8x768xf32, #tpu.memory_space<vmem>>)
      %mul3A_786 = arith.constant 8 : i32
      %mul3A_787 = arith.muli %add3A_744, %mul3A_786 : i32
      %add3A_788 = arith.addi %mul3A_2, %mul3A_787 : i32
      %dma_wait3A_789 = arith.constant 1 : i32
      %dma_wait3A_790 = arith.constant 88 : i32
      %dma_wait3A_791 = arith.constant 0 : i32
      %dma_wait3A_792 = tpu.memref_slice %arg5[%dma_wait3A_790, %dma_wait3A_791] : memref<160x768xf32, #tpu.memory_space<vmem>> -> memref<8x768xf32, #tpu.memory_space<vmem>>
      %dma_wait3A_793 = arith.constant 0 : i32
      %dma_wait3A_794 = tpu.memref_slice %arg2[%dma_wait3A_789, %add3A_788, %dma_wait3A_793] : memref<4x4096x768xf32, #tpu.memory_space<hbm>> -> memref<1x8x768xf32, #tpu.memory_space<hbm>>
      %dma_wait3A_795 = tpu.memref_squeeze %dma_wait3A_794 : memref<1x8x768xf32, #tpu.memory_space<hbm>> -> memref<8x768xf32, #tpu.memory_space<hbm>>
      %dma_wait3A_796 = arith.constant 88 : i32
      %dma_wait3A_797 = arith.constant 0 : i32
      %dma_wait3A_798 = tpu.memref_slice %arg5[%dma_wait3A_796, %dma_wait3A_797] : memref<160x768xf32, #tpu.memory_space<vmem>> -> memref<8x768xf32, #tpu.memory_space<vmem>>
      %dma_wait3A_799 = arith.constant 0 : i32
      %dma_wait3A_800 = tpu.memref_slice %arg2[%dma_wait3A_789, %add3A_788, %dma_wait3A_799] : memref<4x4096x768xf32, #tpu.memory_space<hbm>> -> memref<1x8x768xf32, #tpu.memory_space<hbm>>
      %dma_wait3A_801 = tpu.memref_squeeze %dma_wait3A_800 : memref<1x8x768xf32, #tpu.memory_space<hbm>> -> memref<8x768xf32, #tpu.memory_space<hbm>>
      tpu.wait_dma2 semaphore(%arg9 : memref<!tpu.dma_semaphore, #tpu.memory_space<semaphore_mem>>) src(%dma_wait3A_801 : memref<8x768xf32, #tpu.memory_space<hbm>>) dst(%dma_wait3A_798 : memref<8x768xf32, #tpu.memory_space<vmem>>)
      %mul3A_802 = arith.constant 8 : i32
      %mul3A_803 = arith.muli %add3A_744, %mul3A_802 : i32
      %add3A_804 = arith.addi %mul3A_2, %mul3A_803 : i32
      %dma_wait3A_805 = arith.constant 2 : i32
      %dma_wait3A_806 = arith.constant 120 : i32
      %dma_wait3A_807 = arith.constant 0 : i32
      %dma_wait3A_808 = tpu.memref_slice %arg5[%dma_wait3A_806, %dma_wait3A_807] : memref<160x768xf32, #tpu.memory_space<vmem>> -> memref<8x768xf32, #tpu.memory_space<vmem>>
      %dma_wait3A_809 = arith.constant 0 : i32
      %dma_wait3A_810 = tpu.memref_slice %arg2[%dma_wait3A_805, %add3A_804, %dma_wait3A_809] : memref<4x4096x768xf32, #tpu.memory_space<hbm>> -> memref<1x8x768xf32, #tpu.memory_space<hbm>>
      %dma_wait3A_811 = tpu.memref_squeeze %dma_wait3A_810 : memref<1x8x768xf32, #tpu.memory_space<hbm>> -> memref<8x768xf32, #tpu.memory_space<hbm>>
      %dma_wait3A_812 = arith.constant 120 : i32
      %dma_wait3A_813 = arith.constant 0 : i32
      %dma_wait3A_814 = tpu.memref_slice %arg5[%dma_wait3A_812, %dma_wait3A_813] : memref<160x768xf32, #tpu.memory_space<vmem>> -> memref<8x768xf32, #tpu.memory_space<vmem>>
      %dma_wait3A_815 = arith.constant 0 : i32
      %dma_wait3A_816 = tpu.memref_slice %arg2[%dma_wait3A_805, %add3A_804, %dma_wait3A_815] : memref<4x4096x768xf32, #tpu.memory_space<hbm>> -> memref<1x8x768xf32, #tpu.memory_space<hbm>>
      %dma_wait3A_817 = tpu.memref_squeeze %dma_wait3A_816 : memref<1x8x768xf32, #tpu.memory_space<hbm>> -> memref<8x768xf32, #tpu.memory_space<hbm>>
      tpu.wait_dma2 semaphore(%arg9 : memref<!tpu.dma_semaphore, #tpu.memory_space<semaphore_mem>>) src(%dma_wait3A_817 : memref<8x768xf32, #tpu.memory_space<hbm>>) dst(%dma_wait3A_814 : memref<8x768xf32, #tpu.memory_space<vmem>>)
      %mul3A_818 = arith.constant 8 : i32
      %mul3A_819 = arith.muli %add3A_744, %mul3A_818 : i32
      %add3A_820 = arith.addi %mul3A_2, %mul3A_819 : i32
      %dma_wait3A_821 = arith.constant 3 : i32
      %dma_wait3A_822 = arith.constant 152 : i32
      %dma_wait3A_823 = arith.constant 0 : i32
      %dma_wait3A_824 = tpu.memref_slice %arg5[%dma_wait3A_822, %dma_wait3A_823] : memref<160x768xf32, #tpu.memory_space<vmem>> -> memref<8x768xf32, #tpu.memory_space<vmem>>
      %dma_wait3A_825 = arith.constant 0 : i32
      %dma_wait3A_826 = tpu.memref_slice %arg2[%dma_wait3A_821, %add3A_820, %dma_wait3A_825] : memref<4x4096x768xf32, #tpu.memory_space<hbm>> -> memref<1x8x768xf32, #tpu.memory_space<hbm>>
      %dma_wait3A_827 = tpu.memref_squeeze %dma_wait3A_826 : memref<1x8x768xf32, #tpu.memory_space<hbm>> -> memref<8x768xf32, #tpu.memory_space<hbm>>
      %dma_wait3A_828 = arith.constant 152 : i32
      %dma_wait3A_829 = arith.constant 0 : i32
      %dma_wait3A_830 = tpu.memref_slice %arg5[%dma_wait3A_828, %dma_wait3A_829] : memref<160x768xf32, #tpu.memory_space<vmem>> -> memref<8x768xf32, #tpu.memory_space<vmem>>
      %dma_wait3A_831 = arith.constant 0 : i32
      %dma_wait3A_832 = tpu.memref_slice %arg2[%dma_wait3A_821, %add3A_820, %dma_wait3A_831] : memref<4x4096x768xf32, #tpu.memory_space<hbm>> -> memref<1x8x768xf32, #tpu.memory_space<hbm>>
      %dma_wait3A_833 = tpu.memref_squeeze %dma_wait3A_832 : memref<1x8x768xf32, #tpu.memory_space<hbm>> -> memref<8x768xf32, #tpu.memory_space<hbm>>
      tpu.wait_dma2 semaphore(%arg9 : memref<!tpu.dma_semaphore, #tpu.memory_space<semaphore_mem>>) src(%dma_wait3A_833 : memref<8x768xf32, #tpu.memory_space<hbm>>) dst(%dma_wait3A_830 : memref<8x768xf32, #tpu.memory_space<vmem>>)
      %parallel_loop3A_834 = arith.constant 0 : i32
      %parallel_loop3A_835 = arith.constant 8 : i32
      %parallel_loop3A_836 = arith.constant 1 : i32
      scf.for %parallel_loop3A_901 = %parallel_loop3A_834 to %parallel_loop3A_835 step %parallel_loop3A_836  : i32 {
        %parallel_loop3A_902 = arith.constant 0 : i32
        %parallel_loop3A_903 = arith.constant 48 : i32
        %parallel_loop3A_904 = arith.constant 1 : i32
        scf.for %parallel_loop3A_905 = %parallel_loop3A_902 to %parallel_loop3A_903 step %parallel_loop3A_904  : i32 {
          %parallel_loop3A_906 = arith.constant 24 : i32
          %parallel_loop3A_907 = arith.addi %parallel_loop3A_906, %parallel_loop3A_901 : i32
          %parallel_loop3A_908 = arith.constant 16 : i32
          %parallel_loop3A_909 = arith.muli %parallel_loop3A_905, %parallel_loop3A_908 : i32
          %parallel_loop3A_910 = arith.index_cast %parallel_loop3A_907 : i32 to index
          %parallel_loop3A_911 = arith.index_cast %parallel_loop3A_909 : i32 to index
          %parallel_loop3A_912 = tpu.vector_load %arg5[%parallel_loop3A_910, %parallel_loop3A_911] {strides = array<i32>} : memref<160x768xf32, #tpu.memory_space<vmem>>, vector<1x16xf32>,
          %parallel_loop3A_913 = vector.shape_cast %parallel_loop3A_912 : vector<1x16xf32> to vector<16xf32>
          %parallel_loop3A_914 = arith.constant 56 : i32
          %parallel_loop3A_915 = arith.addi %parallel_loop3A_914, %parallel_loop3A_901 : i32
          %parallel_loop3A_916 = arith.constant 16 : i32
          %parallel_loop3A_917 = arith.muli %parallel_loop3A_905, %parallel_loop3A_916 : i32
          %parallel_loop3A_918 = arith.index_cast %parallel_loop3A_915 : i32 to index
          %parallel_loop3A_919 = arith.index_cast %parallel_loop3A_917 : i32 to index
          %parallel_loop3A_920 = tpu.vector_load %arg5[%parallel_loop3A_918, %parallel_loop3A_919] {strides = array<i32>} : memref<160x768xf32, #tpu.memory_space<vmem>>, vector<1x16xf32>,
          %parallel_loop3A_921 = vector.shape_cast %parallel_loop3A_920 : vector<1x16xf32> to vector<16xf32>
          %parallel_loop3A_922 = vector.shape_cast %parallel_loop3A_913 : vector<16xf32> to vector<1x16xf32>
          tpu.vector_store %arg5[%parallel_loop3A_918, %parallel_loop3A_919], %parallel_loop3A_922 {add = true, strides = array<i32>} : memref<160x768xf32, #tpu.memory_space<vmem>>, vector<1x16xf32>,
          %parallel_loop3A_923 = arith.constant 88 : i32
          %parallel_loop3A_924 = arith.addi %parallel_loop3A_923, %parallel_loop3A_901 : i32
          %parallel_loop3A_925 = arith.constant 16 : i32
          %parallel_loop3A_926 = arith.muli %parallel_loop3A_905, %parallel_loop3A_925 : i32
          %parallel_loop3A_927 = arith.index_cast %parallel_loop3A_924 : i32 to index
          %parallel_loop3A_928 = arith.index_cast %parallel_loop3A_926 : i32 to index
          %parallel_loop3A_929 = tpu.vector_load %arg5[%parallel_loop3A_927, %parallel_loop3A_928] {strides = array<i32>} : memref<160x768xf32, #tpu.memory_space<vmem>>, vector<1x16xf32>,
          %parallel_loop3A_930 = vector.shape_cast %parallel_loop3A_929 : vector<1x16xf32> to vector<16xf32>
          %parallel_loop3A_931 = vector.shape_cast %parallel_loop3A_913 : vector<16xf32> to vector<1x16xf32>
          tpu.vector_store %arg5[%parallel_loop3A_927, %parallel_loop3A_928], %parallel_loop3A_931 {add = true, strides = array<i32>} : memref<160x768xf32, #tpu.memory_space<vmem>>, vector<1x16xf32>,
          %parallel_loop3A_932 = arith.constant 120 : i32
          %parallel_loop3A_933 = arith.addi %parallel_loop3A_932, %parallel_loop3A_901 : i32
          %parallel_loop3A_934 = arith.constant 16 : i32
          %parallel_loop3A_935 = arith.muli %parallel_loop3A_905, %parallel_loop3A_934 : i32
          %parallel_loop3A_936 = arith.index_cast %parallel_loop3A_933 : i32 to index
          %parallel_loop3A_937 = arith.index_cast %parallel_loop3A_935 : i32 to index
          %parallel_loop3A_938 = tpu.vector_load %arg5[%parallel_loop3A_936, %parallel_loop3A_937] {strides = array<i32>} : memref<160x768xf32, #tpu.memory_space<vmem>>, vector<1x16xf32>,
          %parallel_loop3A_939 = vector.shape_cast %parallel_loop3A_938 : vector<1x16xf32> to vector<16xf32>
          %parallel_loop3A_940 = vector.shape_cast %parallel_loop3A_913 : vector<16xf32> to vector<1x16xf32>
          tpu.vector_store %arg5[%parallel_loop3A_936, %parallel_loop3A_937], %parallel_loop3A_940 {add = true, strides = array<i32>} : memref<160x768xf32, #tpu.memory_space<vmem>>, vector<1x16xf32>,
          %parallel_loop3A_941 = arith.constant 152 : i32
          %parallel_loop3A_942 = arith.addi %parallel_loop3A_941, %parallel_loop3A_901 : i32
          %parallel_loop3A_943 = arith.constant 16 : i32
          %parallel_loop3A_944 = arith.muli %parallel_loop3A_905, %parallel_loop3A_943 : i32
          %parallel_loop3A_945 = arith.index_cast %parallel_loop3A_942 : i32 to index
          %parallel_loop3A_946 = arith.index_cast %parallel_loop3A_944 : i32 to index
          %parallel_loop3A_947 = tpu.vector_load %arg5[%parallel_loop3A_945, %parallel_loop3A_946] {strides = array<i32>} : memref<160x768xf32, #tpu.memory_space<vmem>>, vector<1x16xf32>,
          %parallel_loop3A_948 = vector.shape_cast %parallel_loop3A_947 : vector<1x16xf32> to vector<16xf32>
          %parallel_loop3A_949 = vector.shape_cast %parallel_loop3A_913 : vector<16xf32> to vector<1x16xf32>
          tpu.vector_store %arg5[%parallel_loop3A_945, %parallel_loop3A_946], %parallel_loop3A_949 {add = true, strides = array<i32>} : memref<160x768xf32, #tpu.memory_space<vmem>>, vector<1x16xf32>,
        } {sc.loop_unroll_factor = 4 : i64, sc.parallel_access}
      } {sc.loop_unroll_factor = 1 : i64, sc.parallel_access}
      %mul3A_837 = arith.constant 8 : i32
      %mul3A_838 = arith.muli %add3A_744, %mul3A_837 : i32
      %add3A_839 = arith.addi %mul3A_2, %mul3A_838 : i32
      %dma_start3A_840 = arith.constant 0 : i32
      %dma_start3A_841 = arith.constant 56 : i32
      %dma_start3A_842 = arith.constant 0 : i32
      %dma_start3A_843 = tpu.memref_slice %arg5[%dma_start3A_841, %dma_start3A_842] : memref<160x768xf32, #tpu.memory_space<vmem>> -> memref<8x768xf32, #tpu.memory_space<vmem>>
      %dma_start3A_844 = arith.constant 0 : i32
      %dma_start3A_845 = tpu.memref_slice %arg4[%dma_start3A_840, %add3A_839, %dma_start3A_844] : memref<4x4096x768xf32, #tpu.memory_space<hbm>> -> memref<1x8x768xf32, #tpu.memory_space<hbm>>
      %dma_start3A_846 = tpu.memref_squeeze %dma_start3A_845 : memref<1x8x768xf32, #tpu.memory_space<hbm>> -> memref<8x768xf32, #tpu.memory_space<hbm>>
      %dma_start3A_847 = arith.constant 0 : i32
      %dma_start3A_848 = tpu.memref_slice %arg4[%dma_start3A_840, %add3A_839, %dma_start3A_847] : memref<4x4096x768xf32, #tpu.memory_space<hbm>> -> memref<1x8x768xf32, #tpu.memory_space<hbm>>
      %dma_start3A_849 = tpu.memref_squeeze %dma_start3A_848 : memref<1x8x768xf32, #tpu.memory_space<hbm>> -> memref<8x768xf32, #tpu.memory_space<hbm>>
      %dma_start3A_850 = arith.constant 56 : i32
      %dma_start3A_851 = arith.constant 0 : i32
      %dma_start3A_852 = tpu.memref_slice %arg5[%dma_start3A_850, %dma_start3A_851] : memref<160x768xf32, #tpu.memory_space<vmem>> -> memref<8x768xf32, #tpu.memory_space<vmem>>
      tpu.enqueue_dma source(%dma_start3A_852 : memref<8x768xf32, #tpu.memory_space<vmem>>) target(%dma_start3A_849 : memref<8x768xf32, #tpu.memory_space<hbm>>) target_semaphore(%arg13 : memref<!tpu.dma_semaphore, #tpu.memory_space<semaphore_mem>>)
      %mul3A_853 = arith.constant 8 : i32
      %mul3A_854 = arith.muli %add3A_744, %mul3A_853 : i32
      %add3A_855 = arith.addi %mul3A_2, %mul3A_854 : i32
      %dma_start3A_856 = arith.constant 1 : i32
      %dma_start3A_857 = arith.constant 88 : i32
      %dma_start3A_858 = arith.constant 0 : i32
      %dma_start3A_859 = tpu.memref_slice %arg5[%dma_start3A_857, %dma_start3A_858] : memref<160x768xf32, #tpu.memory_space<vmem>> -> memref<8x768xf32, #tpu.memory_space<vmem>>
      %dma_start3A_860 = arith.constant 0 : i32
      %dma_start3A_861 = tpu.memref_slice %arg4[%dma_start3A_856, %add3A_855, %dma_start3A_860] : memref<4x4096x768xf32, #tpu.memory_space<hbm>> -> memref<1x8x768xf32, #tpu.memory_space<hbm>>
      %dma_start3A_862 = tpu.memref_squeeze %dma_start3A_861 : memref<1x8x768xf32, #tpu.memory_space<hbm>> -> memref<8x768xf32, #tpu.memory_space<hbm>>
      %dma_start3A_863 = arith.constant 0 : i32
      %dma_start3A_864 = tpu.memref_slice %arg4[%dma_start3A_856, %add3A_855, %dma_start3A_863] : memref<4x4096x768xf32, #tpu.memory_space<hbm>> -> memref<1x8x768xf32, #tpu.memory_space<hbm>>
      %dma_start3A_865 = tpu.memref_squeeze %dma_start3A_864 : memref<1x8x768xf32, #tpu.memory_space<hbm>> -> memref<8x768xf32, #tpu.memory_space<hbm>>
      %dma_start3A_866 = arith.constant 88 : i32
      %dma_start3A_867 = arith.constant 0 : i32
      %dma_start3A_868 = tpu.memref_slice %arg5[%dma_start3A_866, %dma_start3A_867] : memref<160x768xf32, #tpu.memory_space<vmem>> -> memref<8x768xf32, #tpu.memory_space<vmem>>
      tpu.enqueue_dma source(%dma_start3A_868 : memref<8x768xf32, #tpu.memory_space<vmem>>) target(%dma_start3A_865 : memref<8x768xf32, #tpu.memory_space<hbm>>) target_semaphore(%arg13 : memref<!tpu.dma_semaphore, #tpu.memory_space<semaphore_mem>>)
      %mul3A_869 = arith.constant 8 : i32
      %mul3A_870 = arith.muli %add3A_744, %mul3A_869 : i32
      %add3A_871 = arith.addi %mul3A_2, %mul3A_870 : i32
      %dma_start3A_872 = arith.constant 2 : i32
      %dma_start3A_873 = arith.constant 120 : i32
      %dma_start3A_874 = arith.constant 0 : i32
      %dma_start3A_875 = tpu.memref_slice %arg5[%dma_start3A_873, %dma_start3A_874] : memref<160x768xf32, #tpu.memory_space<vmem>> -> memref<8x768xf32, #tpu.memory_space<vmem>>
      %dma_start3A_876 = arith.constant 0 : i32
      %dma_start3A_877 = tpu.memref_slice %arg4[%dma_start3A_872, %add3A_871, %dma_start3A_876] : memref<4x4096x768xf32, #tpu.memory_space<hbm>> -> memref<1x8x768xf32, #tpu.memory_space<hbm>>
      %dma_start3A_878 = tpu.memref_squeeze %dma_start3A_877 : memref<1x8x768xf32, #tpu.memory_space<hbm>> -> memref<8x768xf32, #tpu.memory_space<hbm>>
      %dma_start3A_879 = arith.constant 0 : i32
      %dma_start3A_880 = tpu.memref_slice %arg4[%dma_start3A_872, %add3A_871, %dma_start3A_879] : memref<4x4096x768xf32, #tpu.memory_space<hbm>> -> memref<1x8x768xf32, #tpu.memory_space<hbm>>
      %dma_start3A_881 = tpu.memref_squeeze %dma_start3A_880 : memref<1x8x768xf32, #tpu.memory_space<hbm>> -> memref<8x768xf32, #tpu.memory_space<hbm>>
      %dma_start3A_882 = arith.constant 120 : i32
      %dma_start3A_883 = arith.constant 0 : i32
      %dma_start3A_884 = tpu.memref_slice %arg5[%dma_start3A_882, %dma_start3A_883] : memref<160x768xf32, #tpu.memory_space<vmem>> -> memref<8x768xf32, #tpu.memory_space<vmem>>
      tpu.enqueue_dma source(%dma_start3A_884 : memref<8x768xf32, #tpu.memory_space<vmem>>) target(%dma_start3A_881 : memref<8x768xf32, #tpu.memory_space<hbm>>) target_semaphore(%arg13 : memref<!tpu.dma_semaphore, #tpu.memory_space<semaphore_mem>>)
      %mul3A_885 = arith.constant 8 : i32
      %mul3A_886 = arith.muli %add3A_744, %mul3A_885 : i32
      %add3A_887 = arith.addi %mul3A_2, %mul3A_886 : i32
      %dma_start3A_888 = arith.constant 3 : i32
      %dma_start3A_889 = arith.constant 152 : i32
      %dma_start3A_890 = arith.constant 0 : i32
      %dma_start3A_891 = tpu.memref_slice %arg5[%dma_start3A_889, %dma_start3A_890] : memref<160x768xf32, #tpu.memory_space<vmem>> -> memref<8x768xf32, #tpu.memory_space<vmem>>
      %dma_start3A_892 = arith.constant 0 : i32
      %dma_start3A_893 = tpu.memref_slice %arg4[%dma_start3A_888, %add3A_887, %dma_start3A_892] : memref<4x4096x768xf32, #tpu.memory_space<hbm>> -> memref<1x8x768xf32, #tpu.memory_space<hbm>>
      %dma_start3A_894 = tpu.memref_squeeze %dma_start3A_893 : memref<1x8x768xf32, #tpu.memory_space<hbm>> -> memref<8x768xf32, #tpu.memory_space<hbm>>
      %dma_start3A_895 = arith.constant 0 : i32
      %dma_start3A_896 = tpu.memref_slice %arg4[%dma_start3A_888, %add3A_887, %dma_start3A_895] : memref<4x4096x768xf32, #tpu.memory_space<hbm>> -> memref<1x8x768xf32, #tpu.memory_space<hbm>>
      %dma_start3A_897 = tpu.memref_squeeze %dma_start3A_896 : memref<1x8x768xf32, #tpu.memory_space<hbm>> -> memref<8x768xf32, #tpu.memory_space<hbm>>
      %dma_start3A_898 = arith.constant 152 : i32
      %dma_start3A_899 = arith.constant 0 : i32
      %dma_start3A_900 = tpu.memref_slice %arg5[%dma_start3A_898, %dma_start3A_899] : memref<160x768xf32, #tpu.memory_space<vmem>> -> memref<8x768xf32, #tpu.memory_space<vmem>>
      tpu.enqueue_dma source(%dma_start3A_900 : memref<8x768xf32, #tpu.memory_space<vmem>>) target(%dma_start3A_897 : memref<8x768xf32, #tpu.memory_space<hbm>>) target_semaphore(%arg13 : memref<!tpu.dma_semaphore, #tpu.memory_space<semaphore_mem>>)
    }
    %scan3A_149 = arith.constant 4 : i32
    %add3A_150 = arith.constant 112 : i32
    %add3A_151 = arith.addi %mul3A_2, %add3A_150 : i32
    %dma_wait3A = arith.constant 0 : i32
    %dma_wait3A_152 = arith.constant 48 : i32
    %dma_wait3A_153 = arith.constant 0 : i32
    %dma_wait3A_154 = tpu.memref_slice %arg5[%dma_wait3A_152, %dma_wait3A_153] : memref<160x768xf32, #tpu.memory_space<vmem>> -> memref<8x768xf32, #tpu.memory_space<vmem>>
    %dma_wait3A_155 = arith.constant 0 : i32
    %dma_wait3A_156 = tpu.memref_slice %arg4[%dma_wait3A, %add3A_151, %dma_wait3A_155] : memref<4x4096x768xf32, #tpu.memory_space<hbm>> -> memref<1x8x768xf32, #tpu.memory_space<hbm>>
    %dma_wait3A_157 = tpu.memref_squeeze %dma_wait3A_156 : memref<1x8x768xf32, #tpu.memory_space<hbm>> -> memref<8x768xf32, #tpu.memory_space<hbm>>
    %dma_wait3A_158 = arith.constant 0 : i32
    %dma_wait3A_159 = tpu.memref_slice %arg4[%dma_wait3A, %add3A_151, %dma_wait3A_158] : memref<4x4096x768xf32, #tpu.memory_space<hbm>> -> memref<1x8x768xf32, #tpu.memory_space<hbm>>
    %dma_wait3A_160 = tpu.memref_squeeze %dma_wait3A_159 : memref<1x8x768xf32, #tpu.memory_space<hbm>> -> memref<8x768xf32, #tpu.memory_space<hbm>>
    %dma_wait3A_161 = arith.constant 48 : i32
    %dma_wait3A_162 = arith.constant 0 : i32
    %dma_wait3A_163 = tpu.memref_slice %arg5[%dma_wait3A_161, %dma_wait3A_162] : memref<160x768xf32, #tpu.memory_space<vmem>> -> memref<8x768xf32, #tpu.memory_space<vmem>>
    tpu.wait_dma2 semaphore(%arg12 : memref<!tpu.dma_semaphore, #tpu.memory_space<semaphore_mem>>) src(%dma_wait3A_163 : memref<8x768xf32, #tpu.memory_space<vmem>>) dst(%dma_wait3A_160 : memref<8x768xf32, #tpu.memory_space<hbm>>)
    %add3A_164 = arith.constant 112 : i32
    %add3A_165 = arith.addi %mul3A_2, %add3A_164 : i32
    %dma_wait3A_166 = arith.constant 1 : i32
    %dma_wait3A_167 = arith.constant 80 : i32
    %dma_wait3A_168 = arith.constant 0 : i32
    %dma_wait3A_169 = tpu.memref_slice %arg5[%dma_wait3A_167, %dma_wait3A_168] : memref<160x768xf32, #tpu.memory_space<vmem>> -> memref<8x768xf32, #tpu.memory_space<vmem>>
    %dma_wait3A_170 = arith.constant 0 : i32
    %dma_wait3A_171 = tpu.memref_slice %arg4[%dma_wait3A_166, %add3A_165, %dma_wait3A_170] : memref<4x4096x768xf32, #tpu.memory_space<hbm>> -> memref<1x8x768xf32, #tpu.memory_space<hbm>>
    %dma_wait3A_172 = tpu.memref_squeeze %dma_wait3A_171 : memref<1x8x768xf32, #tpu.memory_space<hbm>> -> memref<8x768xf32, #tpu.memory_space<hbm>>
    %dma_wait3A_173 = arith.constant 0 : i32
    %dma_wait3A_174 = tpu.memref_slice %arg4[%dma_wait3A_166, %add3A_165, %dma_wait3A_173] : memref<4x4096x768xf32, #tpu.memory_space<hbm>> -> memref<1x8x768xf32, #tpu.memory_space<hbm>>
    %dma_wait3A_175 = tpu.memref_squeeze %dma_wait3A_174 : memref<1x8x768xf32, #tpu.memory_space<hbm>> -> memref<8x768xf32, #tpu.memory_space<hbm>>
    %dma_wait3A_176 = arith.constant 80 : i32
    %dma_wait3A_177 = arith.constant 0 : i32
    %dma_wait3A_178 = tpu.memref_slice %arg5[%dma_wait3A_176, %dma_wait3A_177] : memref<160x768xf32, #tpu.memory_space<vmem>> -> memref<8x768xf32, #tpu.memory_space<vmem>>
    tpu.wait_dma2 semaphore(%arg12 : memref<!tpu.dma_semaphore, #tpu.memory_space<semaphore_mem>>) src(%dma_wait3A_178 : memref<8x768xf32, #tpu.memory_space<vmem>>) dst(%dma_wait3A_175 : memref<8x768xf32, #tpu.memory_space<hbm>>)
    %add3A_179 = arith.constant 112 : i32
    %add3A_180 = arith.addi %mul3A_2, %add3A_179 : i32
    %dma_wait3A_181 = arith.constant 2 : i32
    %dma_wait3A_182 = arith.constant 112 : i32
    %dma_wait3A_183 = arith.constant 0 : i32
    %dma_wait3A_184 = tpu.memref_slice %arg5[%dma_wait3A_182, %dma_wait3A_183] : memref<160x768xf32, #tpu.memory_space<vmem>> -> memref<8x768xf32, #tpu.memory_space<vmem>>
    %dma_wait3A_185 = arith.constant 0 : i32
    %dma_wait3A_186 = tpu.memref_slice %arg4[%dma_wait3A_181, %add3A_180, %dma_wait3A_185] : memref<4x4096x768xf32, #tpu.memory_space<hbm>> -> memref<1x8x768xf32, #tpu.memory_space<hbm>>
    %dma_wait3A_187 = tpu.memref_squeeze %dma_wait3A_186 : memref<1x8x768xf32, #tpu.memory_space<hbm>> -> memref<8x768xf32, #tpu.memory_space<hbm>>
    %dma_wait3A_188 = arith.constant 0 : i32
    %dma_wait3A_189 = tpu.memref_slice %arg4[%dma_wait3A_181, %add3A_180, %dma_wait3A_188] : memref<4x4096x768xf32, #tpu.memory_space<hbm>> -> memref<1x8x768xf32, #tpu.memory_space<hbm>>
    %dma_wait3A_190 = tpu.memref_squeeze %dma_wait3A_189 : memref<1x8x768xf32, #tpu.memory_space<hbm>> -> memref<8x768xf32, #tpu.memory_space<hbm>>
    %dma_wait3A_191 = arith.constant 112 : i32
    %dma_wait3A_192 = arith.constant 0 : i32
    %dma_wait3A_193 = tpu.memref_slice %arg5[%dma_wait3A_191, %dma_wait3A_192] : memref<160x768xf32, #tpu.memory_space<vmem>> -> memref<8x768xf32, #tpu.memory_space<vmem>>
    tpu.wait_dma2 semaphore(%arg12 : memref<!tpu.dma_semaphore, #tpu.memory_space<semaphore_mem>>) src(%dma_wait3A_193 : memref<8x768xf32, #tpu.memory_space<vmem>>) dst(%dma_wait3A_190 : memref<8x768xf32, #tpu.memory_space<hbm>>)
    %add3A_194 = arith.constant 112 : i32
    %add3A_195 = arith.addi %mul3A_2, %add3A_194 : i32
    %dma_wait3A_196 = arith.constant 3 : i32
    %dma_wait3A_197 = arith.constant 144 : i32
    %dma_wait3A_198 = arith.constant 0 : i32
    %dma_wait3A_199 = tpu.memref_slice %arg5[%dma_wait3A_197, %dma_wait3A_198] : memref<160x768xf32, #tpu.memory_space<vmem>> -> memref<8x768xf32, #tpu.memory_space<vmem>>
    %dma_wait3A_200 = arith.constant 0 : i32
    %dma_wait3A_201 = tpu.memref_slice %arg4[%dma_wait3A_196, %add3A_195, %dma_wait3A_200] : memref<4x4096x768xf32, #tpu.memory_space<hbm>> -> memref<1x8x768xf32, #tpu.memory_space<hbm>>
    %dma_wait3A_202 = tpu.memref_squeeze %dma_wait3A_201 : memref<1x8x768xf32, #tpu.memory_space<hbm>> -> memref<8x768xf32, #tpu.memory_space<hbm>>
    %dma_wait3A_203 = arith.constant 0 : i32
    %dma_wait3A_204 = tpu.memref_slice %arg4[%dma_wait3A_196, %add3A_195, %dma_wait3A_203] : memref<4x4096x768xf32, #tpu.memory_space<hbm>> -> memref<1x8x768xf32, #tpu.memory_space<hbm>>
    %dma_wait3A_205 = tpu.memref_squeeze %dma_wait3A_204 : memref<1x8x768xf32, #tpu.memory_space<hbm>> -> memref<8x768xf32, #tpu.memory_space<hbm>>
    %dma_wait3A_206 = arith.constant 144 : i32
    %dma_wait3A_207 = arith.constant 0 : i32
    %dma_wait3A_208 = tpu.memref_slice %arg5[%dma_wait3A_206, %dma_wait3A_207] : memref<160x768xf32, #tpu.memory_space<vmem>> -> memref<8x768xf32, #tpu.memory_space<vmem>>
    tpu.wait_dma2 semaphore(%arg12 : memref<!tpu.dma_semaphore, #tpu.memory_space<semaphore_mem>>) src(%dma_wait3A_208 : memref<8x768xf32, #tpu.memory_space<vmem>>) dst(%dma_wait3A_205 : memref<8x768xf32, #tpu.memory_space<hbm>>)
    %add3A_209 = arith.constant 120 : i32
    %add3A_210 = arith.addi %mul3A_2, %add3A_209 : i32
    %dma_wait3A_211 = arith.constant 0 : i32
    %dma_wait3A_212 = arith.constant 56 : i32
    %dma_wait3A_213 = arith.constant 0 : i32
    %dma_wait3A_214 = tpu.memref_slice %arg5[%dma_wait3A_212, %dma_wait3A_213] : memref<160x768xf32, #tpu.memory_space<vmem>> -> memref<8x768xf32, #tpu.memory_space<vmem>>
    %dma_wait3A_215 = arith.constant 0 : i32
    %dma_wait3A_216 = tpu.memref_slice %arg4[%dma_wait3A_211, %add3A_210, %dma_wait3A_215] : memref<4x4096x768xf32, #tpu.memory_space<hbm>> -> memref<1x8x768xf32, #tpu.memory_space<hbm>>
    %dma_wait3A_217 = tpu.memref_squeeze %dma_wait3A_216 : memref<1x8x768xf32, #tpu.memory_space<hbm>> -> memref<8x768xf32, #tpu.memory_space<hbm>>
    %dma_wait3A_218 = arith.constant 0 : i32
    %dma_wait3A_219 = tpu.memref_slice %arg4[%dma_wait3A_211, %add3A_210, %dma_wait3A_218] : memref<4x4096x768xf32, #tpu.memory_space<hbm>> -> memref<1x8x768xf32, #tpu.memory_space<hbm>>
    %dma_wait3A_220 = tpu.memref_squeeze %dma_wait3A_219 : memref<1x8x768xf32, #tpu.memory_space<hbm>> -> memref<8x768xf32, #tpu.memory_space<hbm>>
    %dma_wait3A_221 = arith.constant 56 : i32
    %dma_wait3A_222 = arith.constant 0 : i32
    %dma_wait3A_223 = tpu.memref_slice %arg5[%dma_wait3A_221, %dma_wait3A_222] : memref<160x768xf32, #tpu.memory_space<vmem>> -> memref<8x768xf32, #tpu.memory_space<vmem>>
    tpu.wait_dma2 semaphore(%arg13 : memref<!tpu.dma_semaphore, #tpu.memory_space<semaphore_mem>>) src(%dma_wait3A_223 : memref<8x768xf32, #tpu.memory_space<vmem>>) dst(%dma_wait3A_220 : memref<8x768xf32, #tpu.memory_space<hbm>>)
    %add3A_224 = arith.constant 120 : i32
    %add3A_225 = arith.addi %mul3A_2, %add3A_224 : i32
    %dma_wait3A_226 = arith.constant 1 : i32
    %dma_wait3A_227 = arith.constant 88 : i32
    %dma_wait3A_228 = arith.constant 0 : i32
    %dma_wait3A_229 = tpu.memref_slice %arg5[%dma_wait3A_227, %dma_wait3A_228] : memref<160x768xf32, #tpu.memory_space<vmem>> -> memref<8x768xf32, #tpu.memory_space<vmem>>
    %dma_wait3A_230 = arith.constant 0 : i32
    %dma_wait3A_231 = tpu.memref_slice %arg4[%dma_wait3A_226, %add3A_225, %dma_wait3A_230] : memref<4x4096x768xf32, #tpu.memory_space<hbm>> -> memref<1x8x768xf32, #tpu.memory_space<hbm>>
    %dma_wait3A_232 = tpu.memref_squeeze %dma_wait3A_231 : memref<1x8x768xf32, #tpu.memory_space<hbm>> -> memref<8x768xf32, #tpu.memory_space<hbm>>
    %dma_wait3A_233 = arith.constant 0 : i32
    %dma_wait3A_234 = tpu.memref_slice %arg4[%dma_wait3A_226, %add3A_225, %dma_wait3A_233] : memref<4x4096x768xf32, #tpu.memory_space<hbm>> -> memref<1x8x768xf32, #tpu.memory_space<hbm>>
    %dma_wait3A_235 = tpu.memref_squeeze %dma_wait3A_234 : memref<1x8x768xf32, #tpu.memory_space<hbm>> -> memref<8x768xf32, #tpu.memory_space<hbm>>
    %dma_wait3A_236 = arith.constant 88 : i32
    %dma_wait3A_237 = arith.constant 0 : i32
    %dma_wait3A_238 = tpu.memref_slice %arg5[%dma_wait3A_236, %dma_wait3A_237] : memref<160x768xf32, #tpu.memory_space<vmem>> -> memref<8x768xf32, #tpu.memory_space<vmem>>
    tpu.wait_dma2 semaphore(%arg13 : memref<!tpu.dma_semaphore, #tpu.memory_space<semaphore_mem>>) src(%dma_wait3A_238 : memref<8x768xf32, #tpu.memory_space<vmem>>) dst(%dma_wait3A_235 : memref<8x768xf32, #tpu.memory_space<hbm>>)
    %add3A_239 = arith.constant 120 : i32
    %add3A_240 = arith.addi %mul3A_2, %add3A_239 : i32
    %dma_wait3A_241 = arith.constant 2 : i32
    %dma_wait3A_242 = arith.constant 120 : i32
    %dma_wait3A_243 = arith.constant 0 : i32
    %dma_wait3A_244 = tpu.memref_slice %arg5[%dma_wait3A_242, %dma_wait3A_243] : memref<160x768xf32, #tpu.memory_space<vmem>> -> memref<8x768xf32, #tpu.memory_space<vmem>>
    %dma_wait3A_245 = arith.constant 0 : i32
    %dma_wait3A_246 = tpu.memref_slice %arg4[%dma_wait3A_241, %add3A_240, %dma_wait3A_245] : memref<4x4096x768xf32, #tpu.memory_space<hbm>> -> memref<1x8x768xf32, #tpu.memory_space<hbm>>
    %dma_wait3A_247 = tpu.memref_squeeze %dma_wait3A_246 : memref<1x8x768xf32, #tpu.memory_space<hbm>> -> memref<8x768xf32, #tpu.memory_space<hbm>>
    %dma_wait3A_248 = arith.constant 0 : i32
    %dma_wait3A_249 = tpu.memref_slice %arg4[%dma_wait3A_241, %add3A_240, %dma_wait3A_248] : memref<4x4096x768xf32, #tpu.memory_space<hbm>> -> memref<1x8x768xf32, #tpu.memory_space<hbm>>
    %dma_wait3A_250 = tpu.memref_squeeze %dma_wait3A_249 : memref<1x8x768xf32, #tpu.memory_space<hbm>> -> memref<8x768xf32, #tpu.memory_space<hbm>>
    %dma_wait3A_251 = arith.constant 120 : i32
    %dma_wait3A_252 = arith.constant 0 : i32
    %dma_wait3A_253 = tpu.memref_slice %arg5[%dma_wait3A_251, %dma_wait3A_252] : memref<160x768xf32, #tpu.memory_space<vmem>> -> memref<8x768xf32, #tpu.memory_space<vmem>>
    tpu.wait_dma2 semaphore(%arg13 : memref<!tpu.dma_semaphore, #tpu.memory_space<semaphore_mem>>) src(%dma_wait3A_253 : memref<8x768xf32, #tpu.memory_space<vmem>>) dst(%dma_wait3A_250 : memref<8x768xf32, #tpu.memory_space<hbm>>)
    %add3A_254 = arith.constant 120 : i32
    %add3A_255 = arith.addi %mul3A_2, %add3A_254 : i32
    %dma_wait3A_256 = arith.constant 3 : i32
    %dma_wait3A_257 = arith.constant 152 : i32
    %dma_wait3A_258 = arith.constant 0 : i32
    %dma_wait3A_259 = tpu.memref_slice %arg5[%dma_wait3A_257, %dma_wait3A_258] : memref<160x768xf32, #tpu.memory_space<vmem>> -> memref<8x768xf32, #tpu.memory_space<vmem>>
    %dma_wait3A_260 = arith.constant 0 : i32
    %dma_wait3A_261 = tpu.memref_slice %arg4[%dma_wait3A_256, %add3A_255, %dma_wait3A_260] : memref<4x4096x768xf32, #tpu.memory_space<hbm>> -> memref<1x8x768xf32, #tpu.memory_space<hbm>>
    %dma_wait3A_262 = tpu.memref_squeeze %dma_wait3A_261 : memref<1x8x768xf32, #tpu.memory_space<hbm>> -> memref<8x768xf32, #tpu.memory_space<hbm>>
    %dma_wait3A_263 = arith.constant 0 : i32
    %dma_wait3A_264 = tpu.memref_slice %arg4[%dma_wait3A_256, %add3A_255, %dma_wait3A_263] : memref<4x4096x768xf32, #tpu.memory_space<hbm>> -> memref<1x8x768xf32, #tpu.memory_space<hbm>>
    %dma_wait3A_265 = tpu.memref_squeeze %dma_wait3A_264 : memref<1x8x768xf32, #tpu.memory_space<hbm>> -> memref<8x768xf32, #tpu.memory_space<hbm>>
    %dma_wait3A_266 = arith.constant 152 : i32
    %dma_wait3A_267 = arith.constant 0 : i32
    %dma_wait3A_268 = tpu.memref_slice %arg5[%dma_wait3A_266, %dma_wait3A_267] : memref<160x768xf32, #tpu.memory_space<vmem>> -> memref<8x768xf32, #tpu.memory_space<vmem>>
    tpu.wait_dma2 semaphore(%arg13 : memref<!tpu.dma_semaphore, #tpu.memory_space<semaphore_mem>>) src(%dma_wait3A_268 : memref<8x768xf32, #tpu.memory_space<vmem>>) dst(%dma_wait3A_265 : memref<8x768xf32, #tpu.memory_space<hbm>>)
    return
  }
}

</mosaic_0001>

<sc_bundles>
// kernel: kernel.3.cloned.1.call-start
scs
__scs_entry_jumppad:
0x0: {  	(pc) =	sbr.rel $0x88, $3  }
0x1: {  	(tag) =	ssettag $0x0;
	lr =	simm.s32 $0x1  }
0x2: {  	[smem:$0x3F9F] =	sst lr;
	_ =	strace $0xD0000000  }
0x3: {  	_ = 	snop  }
0x4: {  	_ = 	snop  }
0x5: {  	_ = 	snop  }
0x6: {  	_ = 	snop  }
0x7: {  	_ = 	snop  }
__scs_overlays_trampoline_lowered:
0x8: {  	[smem:$0x3FAE] =	sst s0  }
0x9: {  	[smem:$0x3FAF] =	sst s1  }
0xa: {  	[smem:$0x3FB0] =	sst s2  }
0xb: {  	[smem:$0x3FB1] =	sst s3  }
0xc: {  	[smem:$0x3FB2] =	sst s4  }
0xd: {  	[smem:$0x3FB3] =	sst s5  }
0xe: {  	[smem:$0x3FB4] =	sst s6  }
0xf: {  	[smem:$0x3FB5] =	sst s7  }
0x10: {  	[smem:$0x3FB6] =	sst s8  }
0x11: {  	[smem:$0x3FB7] =	sst s9;
	s0 =	simm.s32 @!p0 $0x0  }
0x12: {  	s1 =	sld [smem:$0x3F9D];
	s0 =	simm.s32 @p0 $0x1  }
0x13: {  	[smem:$0x3FB8] =	sst s0;
	s0 =	simm.s32 @!p1 $0x0  }
0x14: {  	s2 =	sld [smem:$0x3F9C];
	s0 =	simm.s32 @p1 $0x1  }
0x15: {  	[smem:$0x3FB9] =	sst s0;
	s0 =	simm.s32 @!p2 $0x0  }
0x16: {  	s3 =	sld [smem:$0x3FDB];
	s0 =	simm.s32 @p2 $0x1  }
0x17: {  	s4 =	simm.s32 $0x1BF5;
	[smem:$0x3FBB] =	sst s0  }
0x18: {  	s0 =	sld [smem:$0x3F9E];
	_ =	swait.ge [sflag:s4], $0x0  }
0x19: {  	s7 =	sld [smem:$0x3F9F]  }
0x1a: {  	s8 =	sadd.s32 $0xFFFFE003, lr  }
0x1b: {  	s9 =	sadd.s32 $0xFFFFFEF7, lr;
	s5 =	simm.s32 $0xFFFFFFFF;
	p2 =	slt.u32 s8, $0xFFFFF086  }
0x1c: {  	p1 =	slt.u32 s9, $0xF7A;
	s5 =	simm.s32 @!p2 $0x0  }
0x1d: {  	s5 =	simm.s32 @p1 $0x1;
	p0 =	seq.s32 s7, s2  }
0x1e: {  	s7 =	smul.u32 @!p0 $0xF7A, s2;
	p2 =	seq.s32 @!p0 s5, $0x0  }
0x1f: {  	s9 =	smul.u32 $0xF7A, s1;
	s8 =	simm.s32 @!p0 $0x1BF5;
	p2 =	por !p2, p0  }
0x20: {  	[sflag:s8] =	ssyncset.s32 @!p0 $0xFFFFF086;
	s6 =	sadd.s32 @!p0 s3, s7;
	s7 =	simm.s32 @!p0 $0x108  }
0x21: {  	s3 =	sadd.s32 s3, s9;
	s6 =	sadd.s32 @!p0 $0x88, s6;
	s7 =	simm.s32 @p2 $0x1082  }
0x22: {  	[simem:s7], [sflag:s8] =	dma.local @!p0 [hbm:s6], $0xF7A  }
0x23: {  	s9 =	sor.u32 $0xD0000000, s2;
	s6 =	simm.s32 $0x108;
	_ =	swait.ge @!p0 [sflag:s8], $0x0  }
0x24: {  	s3 =	sadd.s32 $0x88, s3;
	s6 =	simm.s32 @!p1 $0x1082;
	[sflag:s4] =	ssyncset.s32 $0xFFFFF086  }
0x25: {  	[simem:s6], [sflag:s4] =	dma.local [hbm:s3], $0xF7A  }
0x26: {  	[smem:$0x3F9F] =	sst s1;
	(tag) =	ssettag s2;
	_ =	strace s9  }
0x27: {  	s1 =	sld [smem:$0x3FAF]  }
0x28: {  	s2 =	sld [smem:$0x3FB0]  }
0x29: {  	s4 =	sld [smem:$0x3FB2]  }
0x2a: {  	p0 =	seq.s32 s5, $0x0;
	s5 =	sld [smem:$0x3FB3]  }
0x2b: {  	s6 =	sld [smem:$0x3FB4]  }
0x2c: {  	s7 =	sld [smem:$0x3FB5]  }
0x2d: {  	s3 =	simm.s32 $0x108;
	s8 =	sld [smem:$0x3FB6]  }
0x2e: {  	s3 =	simm.s32 @!p0 $0x1082;
	s9 =	sld [smem:$0x3FB7]  }
0x2f: {  	lr =	sadd.s32 s0, s3;
	s0 =	sld [smem:$0x3FAE]  }
0x30: {  	s3 =	sld [smem:$0x3FB1]  }
0x31: {  	[smem:$0x3FBA] =	sst s10  }
0x32: {  	s10 =	sld [smem:$0x3FB8];
	_ =	sdelay $0x3  }
0x33: {  	p0 =	seq.s32 s10, $0x1;
	s10 =	sld [smem:$0x3FBA];
	_ =	sdelay $0x3  }
0x34: {  	[smem:$0x3FBA] =	sst s10  }
0x35: {  	s10 =	sld [smem:$0x3FB9];
	_ =	sdelay $0x3  }
0x36: {  	p1 =	seq.s32 s10, $0x1;
	s10 =	sld [smem:$0x3FBA];
	_ =	sdelay $0x3  }
0x37: {  	[smem:$0x3FBA] =	sst s10  }
0x38: {  	s10 =	sld [smem:$0x3FBB]  }
0x39: {  	_ = 	snop;
	(pc) =	sbr.ind lr, $3  }
0x3a: {  	_ = 	snop  }
0x3b: {  	_ = 	snop  }
0x3c: {  	p2 =	seq.s32 s10, $0x1;
	s10 =	sld [smem:$0x3FBA]  }
0x3d: {  	_ =	shalt  }
0x3e: {  	_ =	shalt  }
0x3f: {  	_ =	shalt  }
0x40: {  	_ =	shalt  }
0x41: {  	_ =	shalt  }
0x42: {  	_ =	shalt  }
0x43: {  	_ =	shalt  }
0x44: {  	_ =	shalt  }
0x45: {  	_ =	shalt  }
0x46: {  	_ =	shalt  }
0x47: {  	_ =	shalt  }
0x48: {  	_ =	shalt  }
0x49: {  	_ =	shalt  }
0x4a: {  	_ =	shalt  }
0x4b: {  	_ =	shalt  }
0x4c: {  	_ =	shalt  }
0x4d: {  	_ =	shalt  }
0x4e: {  	_ =	shalt  }
0x4f: {  	_ =	shalt  }
0x50: {  	_ =	shalt  }
0x51: {  	_ =	shalt  }
0x52: {  	_ =	shalt  }
0x53: {  	_ =	shalt  }
0x54: {  	_ =	shalt  }
0x55: {  	_ =	shalt  }
0x56: {  	_ =	shalt  }
0x57: {  	_ =	shalt  }
0x58: {  	_ =	shalt  }
0x59: {  	_ =	shalt  }
0x5a: {  	_ =	shalt  }
0x5b: {  	_ =	shalt  }
0x5c: {  	_ =	shalt  }
0x5d: {  	_ =	shalt  }
0x5e: {  	_ =	shalt  }
0x5f: {  	_ =	shalt  }
0x60: {  	_ =	shalt  }
0x61: {  	_ =	shalt  }
0x62: {  	_ =	shalt  }
0x63: {  	_ =	shalt  }
0x64: {  	_ =	shalt  }
0x65: {  	_ =	shalt  }
0x66: {  	_ =	shalt  }
0x67: {  	_ =	shalt  }
0x68: {  	_ =	shalt  }
0x69: {  	_ =	shalt  }
0x6a: {  	_ =	shalt  }
0x6b: {  	_ =	shalt  }
0x6c: {  	_ =	shalt  }
0x6d: {  	_ =	shalt  }
0x6e: {  	_ =	shalt  }
0x6f: {  	_ =	shalt  }
0x70: {  	_ =	shalt  }
0x71: {  	_ =	shalt  }
0x72: {  	_ =	shalt  }
0x73: {  	_ =	shalt  }
0x74: {  	_ =	shalt  }
0x75: {  	_ =	shalt  }
0x76: {  	_ =	shalt  }
0x77: {  	_ =	shalt  }
0x78: {  	_ =	shalt  }
0x79: {  	_ =	shalt  }
0x7a: {  	_ =	shalt  }
0x7b: {  	_ =	shalt  }
0x7c: {  	_ =	shalt  }
0x7d: {  	_ =	shalt  }
0x7e: {  	_ =	shalt  }
0x7f: {  	_ =	shalt  }
0x80: {  	_ =	shalt  }
0x81: {  	_ =	shalt  }
0x82: {  	_ =	shalt  }
0x83: {  	_ =	shalt  }
0x84: {  	_ =	shalt  }
0x85: {  	_ =	shalt  }
0x86: {  	_ =	shalt  }
0x87: {  	_ =	shalt  }
.Lfunc_end0:
.L_simem_size_0:
called_computation_lowered:
.L_overlay_start_0:
0x88: {  	s2 =	sld [smem:$0x3FD9]  }
0x89: {  	s3 =	sld [smem:$0x3FFE];
	_ =	sdelay $0x1  }
0x8a: {  	s1 =	srdreg.scid  }
0x8b: {  	s0 =	sand.u32 $0x1, s1  }
0x8c: {  	s18 =	sshll.u32 s0, $0xA;
	s2 =	sadd.s32 s3, s2  }
0x8d: {  	s2 =	sadd.s32 s2, s18  }
0x8e: {  	[smem:$0x3FC6] =	sst s2  }
0x8f: {  	_ = 	snop  }
0x90: {  	s2 =	sld [smem:$0x3FC9]  }
0x91: {  	s19 =	sld [smem:$0x3FC8]  }
0x92: {  	s4 =	sld [smem:$0x3FD0];
	(tm) =	ssettm $0x1  }
0x93: {  	s5 =	sld [smem:$0x3FFB];
	_ =	sdelay $0x3  }
0x94: {  	_ =	strace s5  }
0x95: {  	s5 =	sld [smem:$0x3FFC];
	_ =	sdelay $0x3  }
0x96: {  	_ =	strace s5  }
0x97: {  	s5 =	sld [smem:$0x3FFD];
	_ =	sdelay $0x3  }
0x98: {  	_ =	strace s5  }
0x99: {  	_ =	strace $0x8FFFFFFF  }
0x9a: {  	s20 =	sld [smem:$0x3FDB];
	_ =	sdelay $0x1  }
0x9b: {  	s6 =	simm.s32 $_scs_section_size  }
0x9c: {  	s7 =	simm.s32 $_size__tile_overlayer_lowered;
	s8 =	simm.s32 $_tile_overlayer_lowered  }
0x9d: {  	s23 =	simm.s32 $0x1BFF;
	s22 =	sshll.u32 s8, $0x1;
	s5 =	sadd.s32 s6, s20  }
0x9e: {  	s9 =	simm.s32 $0x0;
	s21 =	sshll.u32 s7, $0x1;
	s7 =	sadd.s32 s22, s5  }
0x9f: {  	[timem:s9], [sflag:s23] =	dma.local [hbm:s7], s21  }
0xa0: {  	_ =	swait.ge [sflag:s23], s21  }
0xa1: {  	s6 =	ssub.s32 $0x0, s21;
	[sflag:s23] =	ssyncset.done $0x0  }
0xa2: {  	[sflag:s23] =	ssyncadd.s32 s6;
	_ =	sdelay $0x1  }
0xa3: {  	s24 =	simm.s32 $0x1B8B  }
0xa4: {  	_ =	swait.ge [sflag:s24], $0x1  }
0xa5: {  	[sflag:s24] =	ssyncset.done $0x0  }
0xa6: {  	s25 =	simm.s32 $0x1B8E;
	[sflag:s24] =	ssyncadd.s32 $0xFFFFFFFF  }
0xa7: {  	s26 =	simm.s32 $execute0_lowered;
	[smem:$0x3FD2] =	sst s25  }
0xa8: {  	s6 =	sshll.u32 s26, $0x1;
	_ =	strace $0x80000046;
	[dreg:$0x1] =	wrdreg $0xFFFFFFFF  }
0xa9: {  	s28 =	simm.s32 $_size_execute0_lowered;
	s5 =	sadd.s32 s5, s6;
	[dreg:$0x0] =	wrdreg $0x0  }
0xaa: {  	s6 =	sshll.u32 s28, $0x1;
	[dreg:$0x2] =	wrdreg s5  }
0xab: {  	[dreg:$0x3] =	wrdreg s6  }
0xac: {  	[dreg:$0x4] =	wrdreg $0xC0  }
0xad: {  	_ =	task [dreg:s9], $0x5FFFF  }
0xae: {  	[dreg:$0x1] =	wrdreg $0xFFFFFFFF  }
0xaf: {  	[dreg:$0x0] =	wrdreg $0x60  }
0xb0: {  	[dreg:$0x2] =	wrdreg s2  }
0xb1: {  	[dreg:$0x3] =	wrdreg s19  }
0xb2: {  	[dreg:$0x4] =	wrdreg s4  }
0xb3: {  	[dreg:$0x5] =	wrdreg $0x9  }
0xb4: {  	_ =	task.clear_ibuf [dreg:s9], $0x6FFFF;
	_ =	strace $0x90000046  }
0xb5: {  	s29 =	simm.s32 $0x9;
	_ =	strace $0x80000048  }
0xb6: {  	_ =	swait.ge [sflag:s29], $0x1  }
0xb7: {  	[sflag:s29] =	ssyncadd.s32 $0xFFFFFFFF  }
0xb8: {  	_ =	strace $0x90000048  }
0xb9: {  	_ =	sfence  }
0xba: {  	s30 =	sld [smem:$0x0];
	_ =	sdelay $0x2  }
0xbb: {  	s31 =	sshll.u32 s1, $0xD;
	s1 =	sshrl.u32 s1, $0x2  }
0xbc: {  	s3 =	sand.u32 $0x4000, s31;
	s1 =	sadd.s32 s1, s30  }
0xbd: {  	s0 =	sor.u32 s3, s0;
	s1 =	sshll.u32 s1, $0x11  }
0xbe: {  	s0 =	sor.u32 s1, s0  }
0xbf: {  	s0 =	sadd.s32 $0x8F2B, s0  }
0xc0: {  	[sflag:s0] =	ssyncadd.remote.s32 $0x1  }
0xc1: {  	_ =	sfence.sel $0xFFFF  }
0xc2: {  	[dreg:$0x0] =	wrdreg $0xFFFFFFFF;
	(pc) =	sbr.abs _section_cstart, $3  }
0xc3: {  	[dreg:$0x1] =	wrdreg $0xFFFFFFFF  }
0xc4: {  	_ =	task.clear_ibuf [dreg:s9], $0x2FFFF;
	_ =	strace $0x9FFFFFFF  }
0xc5: {  	(tm) =	ssettm $0x7FFFFFFF  }
tec
execute0_lowered:
.L_overlay_start_1:
0x0: {  	(tag) =	ssettag $0x1  }
0x1: {  	s0 =	srdreg.scid  }
0x2: {  	s1 =	stileid.u32;
	s0 =	sand.u32 $0x1, s0  }
0x3: {  	s29 =	rddreg [dreg:$0x0];
	s1 =	sshll.u32 s1, $0x8;
	s3 =	sshll.u32 s0, $0x7  }
0x4: {  	s30 =	rddreg [dreg:$0x1];
	s7 =	simm.s32 $0x0;
	s1 =	sor.u32 s3, s1  }
0x5: {  	[smem:$0x7FF] =	sst s7;
	s0 =	ssub.s32 $0x2, s0;
	s2 =	sshrl.u32 s1, $0x3  }
0x6: {  	s17 =	sshrl.u32 s0, $0x1;
	[dreg:$0x14] =	wrdreg s1;
	s1 =	smul.u32 $0x1800, s2  }
0x7: {  	_ =	strace $0x80000047;
	s26 =	sor.u32 $0x4, s2;
	[dreg:$0x15] =	wrdreg s2  }
0x8: {  	s0 =	ssub.s32 s0, s17;
	s28 =	sor.u32 $0x5, s2;
	[smem:$0x7FB] =	sst s26  }
0x9: {  	s0 =	smax.u32 s0, $0x1;
	[smem:$0x7FC] =	sst s28;
	s1 =	sshrl.u32 s1, $0x3  }
0xa: {  	[smem:$0x7FD] =	sst s0;
	s18 =	sadd.s32 s30, s1  }
0xb: {  	s4 =	sadd.s32 s29, s1;
	[dreg:$0x17] =	wrdreg s18  }
0xc: {  	s19 =	sadd.s32 $0x60000, s4;
	[dreg:$0x16] =	wrdreg s4  }
0xd: {  	s20 =	sadd.s32 $0xC0000, s4;
	[dreg:$0x18] =	wrdreg s19  }
0xe: {  	s1 =	sor.u32 $0x300, s1;
	s21 =	sadd.s32 $0x120000, s4;
	[dreg:$0x19] =	wrdreg s20  }
0xf: {  	s22 =	sadd.s32 s30, s1;
	[dreg:$0x1a] =	wrdreg s21  }
0x10: {  	s1 =	sadd.s32 s29, s1;
	[dreg:$0x1b] =	wrdreg s22  }
0x11: {  	s10 =	simm.s32 $0x1;
	s23 =	sadd.s32 $0x60300, s4;
	[dreg:$0x1c] =	wrdreg s1  }
0x12: {  	s16 =	simm.s32 $0x2;
	s24 =	sadd.s32 $0xC0300, s4;
	[dreg:$0x1d] =	wrdreg s23  }
0x13: {  	s31 =	simm.s32 $0x4;
	s25 =	sadd.s32 $0x120300, s4;
	[dreg:$0x1e] =	wrdreg s24  }
0x14: {  	s17 =	simm.s32 $0x9000;
	s2 =	simm.s32 $0x0;
	[dreg:$0x1f] =	wrdreg s25  }
0x15: {  	s21 =	simm.s32 $0xA800;
	s22 =	simm.s32 $0x10800;
	s20 =	simm.s32 $0x3  }
.LBB2_1:
0x16: {  	[smem:$0x7FA] =	sst s2  }
0x17: {  	s0 =	rddreg [dreg:$0x17]  }
0x18: {  	[tilespmem:s7], [sflag:$0x1] =	stream.linear.gather [hbm4b:s0+s7], $0x1800, $0x38;
	[tilespmem:$0x1E000] =	vst v63  }
0x19: {  	s4 =	rddreg [dreg:$0x16];
	s1 =	simm.s32 $0x6000  }
0x1a: {  	[tilespmem:s1], [sflag:$0x1] =	stream.linear.gather [hbm4b:s4+s7], $0x1800, $0x38;
	[tilespmem:$0x1E000] =	vst v63  }
0x1b: {  	s5 =	rddreg [dreg:$0x18];
	s6 =	simm.s32 $0xC000  }
0x1c: {  	[tilespmem:s6], [sflag:$0x1] =	stream.linear.gather [hbm4b:s5+s7], $0x1800, $0x38;
	[tilespmem:$0x1E000] =	vst v63  }
0x1d: {  	s8 =	rddreg [dreg:$0x19];
	s9 =	simm.s32 $0x12000  }
0x1e: {  	[tilespmem:s9], [sflag:$0x1] =	stream.linear.gather [hbm4b:s8+s7], $0x1800, $0x38;
	[tilespmem:$0x1E000] =	vst v63  }
0x1f: {  	s11 =	rddreg [dreg:$0x1a];
	s12 =	simm.s32 $0x18000  }
0x20: {  	[tilespmem:s12], [sflag:$0x1] =	stream.linear.gather [hbm4b:s11+s7], $0x1800, $0x38;
	[tilespmem:$0x1E000] =	vst v63  }
0x21: {  	s13 =	rddreg [dreg:$0x1b];
	s14 =	simm.s32 $0x1800  }
0x22: {  	[tilespmem:s14], [sflag:$0x2] =	stream.linear.gather [hbm4b:s13+s7], $0x1800, $0x38;
	[tilespmem:$0x1E000] =	vst v63  }
0x23: {  	s15 =	rddreg [dreg:$0x1c];
	s18 =	simm.s32 $0x7800  }
0x24: {  	[tilespmem:s18], [sflag:$0x2] =	stream.linear.gather [hbm4b:s15+s7], $0x1800, $0x38;
	[tilespmem:$0x1E000] =	vst v63  }
0x25: {  	s19 =	rddreg [dreg:$0x1d];
	s23 =	simm.s32 $0xD800  }
0x26: {  	[tilespmem:s23], [sflag:$0x2] =	stream.linear.gather [hbm4b:s19+s7], $0x1800, $0x38;
	[tilespmem:$0x1E000] =	vst v63  }
0x27: {  	s24 =	rddreg [dreg:$0x1e];
	s25 =	simm.s32 $0x13800  }
0x28: {  	[tilespmem:s25], [sflag:$0x2] =	stream.linear.gather [hbm4b:s24+s7], $0x1800, $0x38;
	[tilespmem:$0x1E000] =	vst v63  }
0x29: {  	s26 =	rddreg [dreg:$0x1f];
	s28 =	simm.s32 $0x19800;
	s11 =	simm.s32 $0x0  }
0x2a: {  	[tilespmem:s28], [sflag:$0x2] =	stream.linear.gather [hbm4b:s26+s7], $0x1800, $0x38;
	[tilespmem:$0x1E000] =	vst v63  }
.LBB2_2:
0x2b: {  	p0 =	seq.s32 s11, $0x0  }
0x2c: {  	s0 =	simm.s32 @!p0 $0x7  }
0x2d: {  	_ =	swait.ge @!p0 [sflag:s0], $0x1800  }
0x2e: {  	[sflag:s0] =	ssyncset.done @!p0 $0x0  }
0x2f: {  	[sflag:s0] =	ssyncadd.s32 @!p0 $0xFFFFE800  }
0x30: {  	_ =	swait.ge @!p0 [sflag:s0], $0x1800  }
0x31: {  	[sflag:s0] =	ssyncset.done @!p0 $0x0  }
0x32: {  	[sflag:s0] =	ssyncadd.s32 @!p0 $0xFFFFE800  }
0x33: {  	_ =	swait.ge @!p0 [sflag:s0], $0x1800  }
0x34: {  	s2 =	sshll.u32 s11, $0x2;
	s1 =	rddreg [dreg:$0x15]  }
0x35: {  	s1 =	sor.u32 s2, s1  }
0x36: {  	s8 =	smov.u32 s30;
	[sflag:s0] =	ssyncset.done @!p0 $0x0;
	s1 =	smul.u32 $0x1800, s1  }
0x37: {  	s5 =	simm.s32 $0x0;
	[smem:$0x7F5] =	sst s2;
	[sflag:s0] =	ssyncadd.s32 @!p0 $0xFFFFE800  }
0x38: {  	s18 =	simm.s32 $0x3000;
	_ =	swait.ge @!p0 [sflag:s0], $0x1800;
	s3 =	sshrl.u32 s1, $0x3  }
0x39: {  	s24 =	simm.s32 $0xF000;
	[sflag:s0] =	ssyncset.done @!p0 $0x0;
	s14 =	sadd.s32 $0x600, s3  }
0x3a: {  	s26 =	simm.s32 $0x15000;
	[sflag:s0] =	ssyncadd.s32 @!p0 $0xFFFFE800;
	s15 =	sadd.s32 s30, s14  }
0x3b: {  	[tilespmem:s18], [sflag:$0x3] =	stream.linear.gather [hbm4b:s15+s5], $0x1800, $0x38;
	[tilespmem:$0x1E000] =	vst v63  }
0x3c: {  	s23 =	sadd.s32 $0x60600, s3;
	[smem:$0x7F6] =	sst s14;
	s19 =	sadd.s32 s29, s14  }
0x3d: {  	[tilespmem:s17], [sflag:$0x3] =	stream.linear.gather [hbm4b:s19+s5], $0x1800, $0x38;
	[tilespmem:$0x1E000] =	vst v63  }
0x3e: {  	s25 =	sadd.s32 $0xC0600, s3;
	[smem:$0x7F7] =	sst s23;
	s0 =	sadd.s32 s29, s23  }
0x3f: {  	[tilespmem:s24], [sflag:$0x3] =	stream.linear.gather [hbm4b:s0+s5], $0x1800, $0x38;
	[tilespmem:$0x1E000] =	vst v63  }
0x40: {  	s28 =	sadd.s32 $0x120600, s3;
	[smem:$0x7F8] =	sst s25;
	s0 =	sadd.s32 s29, s25  }
0x41: {  	[tilespmem:s26], [sflag:$0x3] =	stream.linear.gather [hbm4b:s0+s5], $0x1800, $0x38;
	[tilespmem:$0x1E000] =	vst v63  }
0x42: {  	[smem:$0x7F9] =	sst s28;
	s30 =	simm.s32 $0x1B000;
	s0 =	sadd.s32 s29, s28  }
0x43: {  	[tilespmem:s30], [sflag:$0x3] =	stream.linear.gather [hbm4b:s0+s5], $0x1800, $0x38;
	[tilespmem:$0x1E000] =	vst v63  }
0x44: {  	_ =	swait.ge [sflag:s10], $0x1800  }
0x45: {  	[sflag:s10] =	ssyncset.done $0x0  }
0x46: {  	[sflag:s10] =	ssyncadd.s32 $0xFFFFE800  }
0x47: {  	_ =	swait.ge [sflag:s10], $0x1800  }
0x48: {  	[sflag:s10] =	ssyncset.done $0x0  }
0x49: {  	[sflag:s10] =	ssyncadd.s32 $0xFFFFE800  }
0x4a: {  	_ =	swait.ge [sflag:s10], $0x1800  }
0x4b: {  	[sflag:s10] =	ssyncset.done $0x0  }
0x4c: {  	[sflag:s10] =	ssyncadd.s32 $0xFFFFE800  }
0x4d: {  	_ =	swait.ge [sflag:s10], $0x1800  }
0x4e: {  	[sflag:s10] =	ssyncset.done $0x0  }
0x4f: {  	[sflag:s10] =	ssyncadd.s32 $0xFFFFE800  }
0x50: {  	_ =	swait.ge [sflag:s10], $0x1800  }
0x51: {  	[sflag:s10] =	ssyncset.done $0x0  }
0x52: {  	s1 =	simm.s32 $0x0;
	s17 =	smov.u32 s29;
	[sflag:s10] =	ssyncadd.s32 $0xFFFFE800  }
.LBB2_3:
0x53: {  	s18 =	sshll.u32 s1, $0x7  }
0x54: {  	s0 =	sadd.s32 $0x6000, s18  }
0x55: {  	s4 =	sand.u32 $0x1C00, s5;
	s24 =	sadd.s32 $0xC000, s18;
	[dreg:$0x4] =	wrdreg s0  }
0x56: {  	s25 =	sadd.s32 $0x12000, s18;
	s9 =	sadd.s32 $0x18000, s18;
	[dreg:$0x5] =	wrdreg s24  }
0x57: {  	s12 =	sadd.s32 s4, s18;
	[dreg:$0x6] =	wrdreg s25;
	s0 =	sand.u32 $0x40, s5  }
0x58: {  	[dreg:$0x7] =	wrdreg s9;
	s13 =	sor.u32 $0x30, s0;
	s15 =	sadd.s32 s0, s12  }
0x59: {  	s26 =	sadd.s32 s13, s12;
	v2 =	vld [tilespmem:s15+$0x0]  }
0x5a: {  	s9 =	sor.u32 $0x10, s0;
	v1 =	vld [tilespmem:s26+$0x0]  }
0x5b: {  	s14 =	rddreg [dreg:$0x4];
	s23 =	sor.u32 $0x20, s0;
	s24 =	sadd.s32 s9, s12  }
0x5c: {  	s19 =	rddreg [dreg:$0x5];
	s12 =	sadd.s32 s23, s12;
	s14 =	sadd.s32 s4, s14;
	v3 =	vld [tilespmem:s24+$0x0]  }
0x5d: {  	s28 =	rddreg [dreg:$0x6];
	v0 =	vld [tilespmem:s12+$0x0];
	s12 =	sadd.s32 s4, s19;
	s19 =	sadd.s32 s0, s14  }
0x5e: {  	s29 =	rddreg [dreg:$0x7];
	s30 =	sadd.s32 s13, s14;
	[tilespmem:s19+$0x0] =	vst.add.f32.msk $0xffff, v2  }
0x5f: {  	s25 =	sadd.s32 s0, s12;
	[tilespmem:s30+$0x0] =	vst.add.f32.msk $0xffff, v1  }
0x60: {  	s15 =	sadd.s32 s4, s28;
	s28 =	sadd.s32 s9, s14;
	[tilespmem:s25+$0x0] =	vst.add.f32.msk $0xffff, v2  }
0x61: {  	s2 =	sadd.s32 s13, s12;
	[tilespmem:s28+$0x0] =	vst.add.f32.msk $0xffff, v3  }
0x62: {  	s26 =	sadd.s32 s0, s15;
	[tilespmem:s2+$0x0] =	vst.add.f32.msk $0xffff, v1  }
0x63: {  	s24 =	sadd.s32 s4, s29;
	s29 =	sadd.s32 s9, s12;
	[tilespmem:s26+$0x0] =	vst.add.f32.msk $0xffff, v2  }
0x64: {  	s6 =	sadd.s32 s13, s15;
	[tilespmem:s29+$0x0] =	vst.add.f32.msk $0xffff, v3  }
0x65: {  	s0 =	sadd.s32 s0, s24;
	[tilespmem:s6+$0x0] =	vst.add.f32.msk $0xffff, v1  }
0x66: {  	s30 =	sadd.s32 s9, s15;
	[tilespmem:s0+$0x0] =	vst.add.f32.msk $0xffff, v2  }
0x67: {  	s14 =	sadd.s32 s23, s14;
	s4 =	sadd.s32 s23, s15;
	s13 =	sadd.s32 s13, s24;
	[tilespmem:s30+$0x0] =	vst.add.f32.msk $0xffff, v3  }
0x68: {  	s19 =	simm.s32 $0x200;
	s9 =	sadd.s32 s9, s24;
	s0 =	simm.s32 $0x0;
	[tilespmem:s13+$0x0] =	vst.add.f32.msk $0xffff, v1  }
0x69: {  	s13 =	sadd.s32 s23, s12;
	s12 =	sadd.s32 s23, s24;
	[tilespmem:s9+$0x0] =	vst.add.f32.msk $0xffff, v3;
	s9 =	simm.s32 $0x40  }
.LBB2_4:
0x6a: {  	s15 =	sand.u32 $0x40, s9;
	s23 =	sand.u32 $0x1C00, s19;
	[tilespmem:s14+$0x0] =	vst.add.f32.msk $0xffff, v0  }
0x6b: {  	s14 =	sadd.s32 s23, s18;
	s25 =	sor.u32 $0x30, s15;
	[tilespmem:s13+$0x0] =	vst.add.f32.msk $0xffff, v0  }
0x6c: {  	s29 =	sadd.s32 s25, s14;
	[tilespmem:s4+$0x0] =	vst.add.f32.msk $0xffff, v0  }
0x6d: {  	s24 =	sor.u32 $0x10, s15;
	s2 =	sadd.s32 s15, s14;
	v1 =	vld [tilespmem:s29+$0x0]  }
0x6e: {  	s26 =	sor.u32 $0x20, s15;
	s28 =	sadd.s32 s24, s14;
	v2 =	vld [tilespmem:s2+$0x0]  }
0x6f: {  	s6 =	rddreg [dreg:$0x4];
	s14 =	sadd.s32 s26, s14;
	v3 =	vld [tilespmem:s28+$0x0]  }
0x70: {  	s30 =	rddreg [dreg:$0x5];
	s4 =	sadd.s32 s23, s6;
	v4 =	vld [tilespmem:s14+$0x0]  }
0x71: {  	s13 =	sadd.s32 s23, s30;
	s30 =	sadd.s32 s25, s4;
	[tilespmem:s12+$0x0] =	vst.add.f32.msk $0xffff, v0  }
0x72: {  	s14 =	sadd.s32 s15, s4;
	[tilespmem:s30+$0x0] =	vst.add.f32.msk $0xffff, v1  }
0x73: {  	s6 =	sadd.s32 s25, s13;
	[tilespmem:s14+$0x0] =	vst.add.f32.msk $0xffff, v2  }
0x74: {  	s2 =	rddreg [dreg:$0x6];
	s12 =	sadd.s32 s15, s13;
	[tilespmem:s6+$0x0] =	vst.add.f32.msk $0xffff, v1  }
0x75: {  	s29 =	sadd.s32 s23, s2;
	s30 =	sadd.s32 s24, s4;
	[tilespmem:s12+$0x0] =	vst.add.f32.msk $0xffff, v2  }
0x76: {  	s6 =	sadd.s32 s25, s29;
	[tilespmem:s30+$0x0] =	vst.add.f32.msk $0xffff, v3  }
0x77: {  	s0 =	sadd.s32 $0x4, s0;
	s28 =	rddreg [dreg:$0x7];
	s2 =	sadd.s32 s15, s29;
	[tilespmem:s6+$0x0] =	vst.add.f32.msk $0xffff, v1  }
0x78: {  	p1 =	slt.u32 s0, $0x2C;
	s23 =	sadd.s32 s23, s28;
	s28 =	sadd.s32 s24, s13;
	[tilespmem:s2+$0x0] =	vst.add.f32.msk $0xffff, v2  }
.Ltmp0:
0x79: {  	s25 =	sadd.s32 s25, s23;
	[tilespmem:s28+$0x0] =	vst.add.f32.msk $0xffff, v3;
	(pc) =	sbr.rel @p1 .LBB2_4-.Ltmp0, $4  }
0x7a: {  	s15 =	sadd.s32 s15, s23;
	[tilespmem:s25+$0x0] =	vst.add.f32.msk $0xffff, v1  }
0x7b: {  	s19 =	sadd.s32 $0x200, s19;
	s6 =	sadd.s32 s24, s29;
	[tilespmem:s15+$0x0] =	vst.add.f32.msk $0xffff, v2  }
0x7c: {  	s9 =	sadd.s32 $0x40, s9;
	s13 =	sadd.s32 s26, s13;
	s24 =	sadd.s32 s24, s23;
	[tilespmem:s6+$0x0] =	vst.add.f32.msk $0xffff, v3  }
0x7d: {  	v0 =	vmov v4;
	s14 =	sadd.s32 s26, s4;
	s4 =	sadd.s32 s26, s29;
	s12 =	sadd.s32 s26, s23;
	[tilespmem:s24+$0x0] =	vst.add.f32.msk $0xffff, v3  }
0x7e: {  	s1 =	sadd.s32 $0x1, s1  }
0x7f: {  	p1 =	sne.s32 s1, $0x8  }
.Ltmp1:
0x80: {  	_ = 	snop;
	(pc) =	sbr.rel @p1 .LBB2_3-.Ltmp1, $4  }
0x81: {  	[tilespmem:s14+$0x0] =	vst.add.f32.msk $0xffff, v0  }
0x82: {  	[tilespmem:s13+$0x0] =	vst.add.f32.msk $0xffff, v0  }
0x83: {  	[tilespmem:s4+$0x0] =	vst.add.f32.msk $0xffff, v0  }
0x84: {  	[tilespmem:s12+$0x0] =	vst.add.f32.msk $0xffff, v0  }
0x85: {  	s0 =	sshll.u32 s11, $0x5;
	s1 =	rddreg [dreg:$0x14]  }
0x86: {  	s0 =	sor.u32 s1, s0  }
0x87: {  	s0 =	sshrl.u32 s0, $0x3  }
0x88: {  	s0 =	smul.u32 $0x1800, s0;
	_ =	sdelay $0x1  }
0x89: {  	s1 =	rddreg [dreg:$0x2];
	s18 =	sshrl.u32 s0, $0x3  }
0x8a: {  	s2 =	simm.s32 $0x6000;
	s5 =	sadd.s32 s1, s18  }
0x8b: {  	[hbm4b:s5+s7] =	stream.linear.scatter [tilespmem:s2], [sflag:$0x5], $0x1800, $0x38;
	[tilespmem:$0x1E000] =	vst v63  }
0x8c: {  	s6 =	simm.s32 $0xC000;
	s4 =	sadd.s32 $0x60000, s5  }
0x8d: {  	[hbm4b:s4+s7] =	stream.linear.scatter [tilespmem:s6], [sflag:$0x5], $0x1800, $0x38;
	[tilespmem:$0x1E000] =	vst v63  }
0x8e: {  	s12 =	simm.s32 $0x12000;
	s9 =	sadd.s32 $0xC0000, s5  }
0x8f: {  	[hbm4b:s9+s7] =	stream.linear.scatter [tilespmem:s12], [sflag:$0x5], $0x1800, $0x38;
	[tilespmem:$0x1E000] =	vst v63  }
0x90: {  	s14 =	simm.s32 $0x18000;
	s0 =	simm.s32 @!p0 $0x8;
	s13 =	sadd.s32 $0x120000, s5  }
0x91: {  	[hbm4b:s13+s7] =	stream.linear.scatter [tilespmem:s14], [sflag:$0x5], $0x1800, $0x38;
	[tilespmem:$0x1E000] =	vst v63  }
0x92: {  	_ =	swait.ge @!p0 [sflag:s0], $0x1800  }
0x93: {  	[sflag:s0] =	ssyncset.done @!p0 $0x0  }
0x94: {  	[sflag:s0] =	ssyncadd.s32 @!p0 $0xFFFFE800  }
0x95: {  	_ =	swait.ge @!p0 [sflag:s0], $0x1800  }
0x96: {  	[sflag:s0] =	ssyncset.done @!p0 $0x0  }
0x97: {  	[sflag:s0] =	ssyncadd.s32 @!p0 $0xFFFFE800  }
0x98: {  	_ =	swait.ge @!p0 [sflag:s0], $0x1800  }
0x99: {  	[sflag:s0] =	ssyncset.done @!p0 $0x0  }
0x9a: {  	[sflag:s0] =	ssyncadd.s32 @!p0 $0xFFFFE800  }
0x9b: {  	s19 =	simm.s32 $0x0;
	_ =	swait.ge @!p0 [sflag:s0], $0x1800  }
0x9c: {  	s23 =	simm.s32 $0x4800;
	s2 =	sadd.s32 $0x900, s3;
	[sflag:s0] =	ssyncset.done @!p0 $0x0  }
0x9d: {  	s25 =	sadd.s32 $0x60900, s3;
	s15 =	sadd.s32 s8, s2;
	[sflag:s0] =	ssyncadd.s32 @!p0 $0xFFFFE800  }
0x9e: {  	[tilespmem:s23], [sflag:$0x4] =	stream.linear.gather [hbm4b:s15+s19], $0x1800, $0x38;
	[tilespmem:$0x1E000] =	vst v63  }
0x9f: {  	s26 =	sadd.s32 $0xC0900, s3;
	s24 =	sadd.s32 s17, s2;
	[smem:$0x7F1] =	sst s2  }
0xa0: {  	[tilespmem:s21], [sflag:$0x4] =	stream.linear.gather [hbm4b:s24+s19], $0x1800, $0x38;
	[tilespmem:$0x1E000] =	vst v63  }
0xa1: {  	s28 =	simm.s32 $0x16800;
	[smem:$0x7F2] =	sst s25;
	s0 =	sadd.s32 s17, s25  }
0xa2: {  	[tilespmem:s22], [sflag:$0x4] =	stream.linear.gather [hbm4b:s0+s19], $0x1800, $0x38;
	[tilespmem:$0x1E000] =	vst v63  }
0xa3: {  	s29 =	sadd.s32 $0x120900, s3;
	[smem:$0x7F3] =	sst s26;
	s0 =	sadd.s32 s17, s26  }
0xa4: {  	[tilespmem:s28], [sflag:$0x4] =	stream.linear.gather [hbm4b:s0+s19], $0x1800, $0x38;
	[tilespmem:$0x1E000] =	vst v63  }
0xa5: {  	s30 =	simm.s32 $0x1C800;
	[smem:$0x7F4] =	sst s29;
	s0 =	sadd.s32 s17, s29  }
0xa6: {  	[tilespmem:s30], [sflag:$0x4] =	stream.linear.gather [hbm4b:s0+s19], $0x1800, $0x38;
	[tilespmem:$0x1E000] =	vst v63  }
0xa7: {  	_ =	swait.ge [sflag:s16], $0x1800  }
0xa8: {  	[sflag:s16] =	ssyncset.done $0x0  }
0xa9: {  	[sflag:s16] =	ssyncadd.s32 $0xFFFFE800  }
0xaa: {  	_ =	swait.ge [sflag:s16], $0x1800  }
0xab: {  	[sflag:s16] =	ssyncset.done $0x0  }
0xac: {  	[sflag:s16] =	ssyncadd.s32 $0xFFFFE800  }
0xad: {  	_ =	swait.ge [sflag:s16], $0x1800  }
0xae: {  	[sflag:s16] =	ssyncset.done $0x0  }
0xaf: {  	[sflag:s16] =	ssyncadd.s32 $0xFFFFE800  }
0xb0: {  	_ =	swait.ge [sflag:s16], $0x1800  }
0xb1: {  	[sflag:s16] =	ssyncset.done $0x0  }
0xb2: {  	[sflag:s16] =	ssyncadd.s32 $0xFFFFE800  }
0xb3: {  	_ =	swait.ge [sflag:s16], $0x1800  }
0xb4: {  	[sflag:s16] =	ssyncset.done $0x0  }
0xb5: {  	s1 =	simm.s32 $0x0;
	[sflag:s16] =	ssyncadd.s32 $0xFFFFE800  }
.LBB2_7:
0xb6: {  	s0 =	sshll.u32 s1, $0x7  }
0xb7: {  	s2 =	sadd.s32 $0x1800, s0  }
0xb8: {  	s26 =	sadd.s32 $0x7800, s0;
	[dreg:$0x8] =	wrdreg s2  }
0xb9: {  	s29 =	sand.u32 $0x40, s19;
	s6 =	sand.u32 $0x1C00, s19;
	[dreg:$0x9] =	wrdreg s26  }
0xba: {  	s28 =	sadd.s32 $0xD800, s0;
	s9 =	sadd.s32 $0x13800, s0;
	s4 =	rddreg [dreg:$0x8]  }
0xbb: {  	s12 =	sor.u32 $0x30, s29;
	[dreg:$0xa] =	wrdreg s28;
	s4 =	sadd.s32 s6, s4  }
0xbc: {  	[dreg:$0xb] =	wrdreg s9;
	s30 =	sadd.s32 s12, s4  }
0xbd: {  	s14 =	sadd.s32 s29, s4;
	v2 =	vld [tilespmem:s30+$0x0]  }
0xbe: {  	s9 =	sor.u32 $0x10, s29;
	v3 =	vld [tilespmem:s14+$0x0]  }
0xbf: {  	s28 =	sor.u32 $0x20, s29;
	s13 =	rddreg [dreg:$0x9];
	s3 =	sadd.s32 s9, s4  }
0xc0: {  	s15 =	rddreg [dreg:$0xa];
	s13 =	sadd.s32 s6, s13;
	s4 =	sadd.s32 s28, s4;
	v1 =	vld [tilespmem:s3+$0x0]  }
0xc1: {  	s24 =	rddreg [dreg:$0xb];
	v0 =	vld [tilespmem:s4+$0x0];
	s30 =	sadd.s32 s12, s13  }
0xc2: {  	s15 =	sadd.s32 s6, s15;
	s3 =	sadd.s32 s6, s24;
	s24 =	sadd.s32 s29, s13;
	[tilespmem:s30+$0x0] =	vst.add.f32.msk $0xffff, v2  }
0xc3: {  	s21 =	sadd.s32 s12, s15;
	[tilespmem:s24+$0x0] =	vst.add.f32.msk $0xffff, v3  }
0xc4: {  	s25 =	sadd.s32 s29, s15;
	[tilespmem:s21+$0x0] =	vst.add.f32.msk $0xffff, v2  }
0xc5: {  	s30 =	sadd.s32 s9, s13;
	[tilespmem:s25+$0x0] =	vst.add.f32.msk $0xffff, v3  }
0xc6: {  	s0 =	sadd.s32 $0x19800, s0;
	s22 =	sadd.s32 s12, s3;
	[tilespmem:s30+$0x0] =	vst.add.f32.msk $0xffff, v1  }
0xc7: {  	s6 =	sadd.s32 s6, s0;
	s26 =	sadd.s32 s29, s3;
	[tilespmem:s22+$0x0] =	vst.add.f32.msk $0xffff, v2  }
0xc8: {  	s4 =	sadd.s32 s28, s13;
	s2 =	sadd.s32 s29, s6;
	s29 =	sadd.s32 s9, s15;
	[tilespmem:s26+$0x0] =	vst.add.f32.msk $0xffff, v3  }
0xc9: {  	s14 =	sadd.s32 s28, s15;
	s23 =	sadd.s32 s12, s6;
	s15 =	sadd.s32 s28, s3;
	[tilespmem:s29+$0x0] =	vst.add.f32.msk $0xffff, v1  }
0xca: {  	s12 =	simm.s32 $0x0;
	s24 =	sadd.s32 s9, s3;
	s13 =	sadd.s32 s28, s6;
	[tilespmem:s23+$0x0] =	vst.add.f32.msk $0xffff, v2  }
0xcb: {  	s25 =	simm.s32 $0x0;
	s26 =	sadd.s32 s9, s6;
	s9 =	simm.s32 $0x0;
	[tilespmem:s2+$0x0] =	vst.add.f32.msk $0xffff, v3  }
.LBB2_8:
0xcc: {  	[tilespmem:s24+$0x0] =	vst.add.f32.msk $0xffff, v1  }
0xcd: {  	s9 =	sadd.s32 $0x200, s9;
	s12 =	sadd.s32 $0x40, s12;
	[tilespmem:s4+$0x0] =	vst.add.f32.msk $0xffff, v0  }
0xce: {  	s2 =	rddreg [dreg:$0x8];
	[tilespmem:s26+$0x0] =	vst.add.f32.msk $0xffff, v1;
	s6 =	sand.u32 $0x40, s12;
	s24 =	sand.u32 $0x1C00, s9  }
0xcf: {  	[tilespmem:s14+$0x0] =	vst.add.f32.msk $0xffff, v0;
	s2 =	sadd.s32 s24, s2;
	s4 =	sor.u32 $0x30, s6  }
0xd0: {  	[tilespmem:s15+$0x0] =	vst.add.f32.msk $0xffff, v0;
	s23 =	sadd.s32 s4, s2  }
0xd1: {  	s26 =	sor.u32 $0x10, s6;
	s29 =	sadd.s32 s6, s2;
	v2 =	vld [tilespmem:s23+$0x0]  }
0xd2: {  	s30 =	sor.u32 $0x20, s6;
	s21 =	sadd.s32 s26, s2;
	v3 =	vld [tilespmem:s29+$0x0]  }
0xd3: {  	s28 =	rddreg [dreg:$0x9];
	s2 =	sadd.s32 s30, s2;
	v1 =	vld [tilespmem:s21+$0x0]  }
0xd4: {  	s15 =	sadd.s32 s24, s28;
	v4 =	vld [tilespmem:s2+$0x0]  }
0xd5: {  	s3 =	rddreg [dreg:$0xa];
	s28 =	sadd.s32 s4, s15;
	[tilespmem:s13+$0x0] =	vst.add.f32.msk $0xffff, v0  }
0xd6: {  	s14 =	sadd.s32 s24, s3;
	s2 =	sadd.s32 s6, s15;
	[tilespmem:s28+$0x0] =	vst.add.f32.msk $0xffff, v2  }
0xd7: {  	s22 =	sadd.s32 s4, s14;
	[tilespmem:s2+$0x0] =	vst.add.f32.msk $0xffff, v3  }
0xd8: {  	s29 =	rddreg [dreg:$0xb];
	s13 =	sadd.s32 s6, s14;
	[tilespmem:s22+$0x0] =	vst.add.f32.msk $0xffff, v2  }
0xd9: {  	s25 =	sadd.s32 $0x4, s25;
	s29 =	sadd.s32 s24, s29;
	s28 =	sadd.s32 s26, s15;
	[tilespmem:s13+$0x0] =	vst.add.f32.msk $0xffff, v3  }
0xda: {  	p0 =	slt.u32 s25, $0x2C;
	s23 =	sadd.s32 s4, s29;
	[tilespmem:s28+$0x0] =	vst.add.f32.msk $0xffff, v1  }
.Ltmp2:
0xdb: {  	s3 =	sadd.s32 s6, s29;
	[tilespmem:s23+$0x0] =	vst.add.f32.msk $0xffff, v2;
	(pc) =	sbr.rel @p0 .LBB2_8-.Ltmp2, $4  }
0xdc: {  	s21 =	sadd.s32 s24, s0;
	s22 =	sadd.s32 s26, s14;
	[tilespmem:s3+$0x0] =	vst.add.f32.msk $0xffff, v3  }
0xdd: {  	s24 =	sadd.s32 s26, s29;
	s23 =	sadd.s32 s4, s21;
	[tilespmem:s22+$0x0] =	vst.add.f32.msk $0xffff, v1  }
0xde: {  	s14 =	sadd.s32 s30, s14;
	s26 =	sadd.s32 s26, s21;
	[tilespmem:s23+$0x0] =	vst.add.f32.msk $0xffff, v2;
	s23 =	sadd.s32 s6, s21  }
0xdf: {  	v0 =	vmov v4;
	s13 =	sadd.s32 s30, s21;
	s4 =	sadd.s32 s30, s15;
	s15 =	sadd.s32 s30, s29;
	[tilespmem:s23+$0x0] =	vst.add.f32.msk $0xffff, v3  }
0xe0: {  	s1 =	sadd.s32 $0x1, s1  }
0xe1: {  	[tilespmem:s24+$0x0] =	vst.add.f32.msk $0xffff, v1;
	p0 =	sne.s32 s1, $0x8  }
.Ltmp3:
0xe2: {  	[tilespmem:s4+$0x0] =	vst.add.f32.msk $0xffff, v0;
	(pc) =	sbr.rel @p0 .LBB2_7-.Ltmp3, $4  }
0xe3: {  	[tilespmem:s26+$0x0] =	vst.add.f32.msk $0xffff, v1  }
0xe4: {  	[tilespmem:s14+$0x0] =	vst.add.f32.msk $0xffff, v0  }
0xe5: {  	[tilespmem:s15+$0x0] =	vst.add.f32.msk $0xffff, v0  }
0xe6: {  	[tilespmem:s13+$0x0] =	vst.add.f32.msk $0xffff, v0  }
0xe7: {  	s0 =	sor.u32 $0x300, s18;
	s1 =	rddreg [dreg:$0x2]  }
0xe8: {  	s19 =	simm.s32 $0x7800;
	s0 =	sadd.s32 s1, s0  }
0xe9: {  	[hbm4b:s0+s7] =	stream.linear.scatter [tilespmem:s19], [sflag:$0x6], $0x1800, $0x38;
	[tilespmem:$0x1E000] =	vst v63  }
0xea: {  	s21 =	sadd.s32 $0x60300, s5;
	s22 =	simm.s32 $0xD800  }
0xeb: {  	[hbm4b:s21+s7] =	stream.linear.scatter [tilespmem:s22], [sflag:$0x6], $0x1800, $0x38;
	[tilespmem:$0x1E000] =	vst v63  }
0xec: {  	s23 =	sadd.s32 $0xC0300, s5;
	s24 =	simm.s32 $0x13800  }
0xed: {  	[hbm4b:s23+s7] =	stream.linear.scatter [tilespmem:s24], [sflag:$0x6], $0x1800, $0x38;
	[tilespmem:$0x1E000] =	vst v63  }
0xee: {  	s25 =	sadd.s32 $0x120300, s5;
	s26 =	simm.s32 $0x19800;
	s28 =	simm.s32 $0x5  }
0xef: {  	[hbm4b:s25+s7] =	stream.linear.scatter [tilespmem:s26], [sflag:$0x6], $0x1800, $0x38;
	[tilespmem:$0x1E000] =	vst v63  }
0xf0: {  	_ =	swait.ge [sflag:s28], $0x1800  }
0xf1: {  	[sflag:s28] =	ssyncset.done $0x0  }
0xf2: {  	[sflag:s28] =	ssyncadd.s32 $0xFFFFE800  }
0xf3: {  	_ =	swait.ge [sflag:s28], $0x1800  }
0xf4: {  	[sflag:s28] =	ssyncset.done $0x0  }
0xf5: {  	[sflag:s28] =	ssyncadd.s32 $0xFFFFE800  }
0xf6: {  	_ =	swait.ge [sflag:s28], $0x1800  }
0xf7: {  	s0 =	sld [smem:$0x7FB]  }
0xf8: {  	s2 =	sld [smem:$0x7F5];
	_ =	sdelay $0x1  }
0xf9: {  	p0 =	seq.s32 s11, $0x3  }
0xfa: {  	[sflag:s28] =	ssyncset.done $0x0;
	s0 =	sadd.s32 @!p0 s2, s0  }
0xfb: {  	[sflag:s28] =	ssyncadd.s32 $0xFFFFE800;
	s0 =	smul.u32 @!p0 $0x1800, s0  }
0xfc: {  	_ =	swait.ge [sflag:s28], $0x1800  }
0xfd: {  	[sflag:s28] =	ssyncset.done $0x0;
	s0 =	sshrl.u32 @!p0 s0, $0x3  }
0xfe: {  	s2 =	simm.s32 @!p0 $0x0;
	[sflag:s28] =	ssyncadd.s32 $0xFFFFE800;
	s1 =	sadd.s32 @!p0 s8, s0  }
0xff: {  	[tilespmem:s2], [sflag:$0x1] =	stream.linear.gather @!p0 [hbm4b:s1+s2], $0x1800, $0x38;
	[tilespmem:$0x1E000] =	vst v63  }
0x100: {  	s0 =	sadd.s32 @!p0 s17, s0;
	s1 =	simm.s32 @!p0 $0x6000  }
0x101: {  	[tilespmem:s1], [sflag:$0x1] =	stream.linear.gather @!p0 [hbm4b:s0+s2], $0x1800, $0x38;
	[tilespmem:$0x1E000] =	vst v63  }
0x102: {  	s3 =	simm.s32 @!p0 $0xC000;
	s1 =	sadd.s32 @!p0 $0x60000, s0  }
0x103: {  	[tilespmem:s3], [sflag:$0x1] =	stream.linear.gather @!p0 [hbm4b:s1+s2], $0x1800, $0x38;
	[tilespmem:$0x1E000] =	vst v63  }
0x104: {  	s1 =	sadd.s32 @!p0 $0xC0000, s0;
	s3 =	simm.s32 @!p0 $0x12000  }
0x105: {  	[tilespmem:s3], [sflag:$0x1] =	stream.linear.gather @!p0 [hbm4b:s1+s2], $0x1800, $0x38;
	[tilespmem:$0x1E000] =	vst v63  }
0x106: {  	s0 =	sadd.s32 @!p0 $0x120000, s0;
	s1 =	simm.s32 @!p0 $0x18000  }
0x107: {  	[tilespmem:s1], [sflag:$0x1] =	stream.linear.gather @!p0 [hbm4b:s0+s2], $0x1800, $0x38;
	[tilespmem:$0x1E000] =	vst v63  }
0x108: {  	_ =	swait.ge [sflag:s20], $0x1800  }
0x109: {  	[sflag:s20] =	ssyncset.done $0x0  }
0x10a: {  	[sflag:s20] =	ssyncadd.s32 $0xFFFFE800  }
0x10b: {  	_ =	swait.ge [sflag:s20], $0x1800  }
0x10c: {  	[sflag:s20] =	ssyncset.done $0x0  }
0x10d: {  	[sflag:s20] =	ssyncadd.s32 $0xFFFFE800  }
0x10e: {  	_ =	swait.ge [sflag:s20], $0x1800  }
0x10f: {  	[sflag:s20] =	ssyncset.done $0x0  }
0x110: {  	[sflag:s20] =	ssyncadd.s32 $0xFFFFE800  }
0x111: {  	_ =	swait.ge [sflag:s20], $0x1800  }
0x112: {  	[sflag:s20] =	ssyncset.done $0x0  }
0x113: {  	[sflag:s20] =	ssyncadd.s32 $0xFFFFE800  }
0x114: {  	s30 =	smov.u32 s8;
	_ =	swait.ge [sflag:s20], $0x1800  }
0x115: {  	s29 =	smov.u32 s17;
	s5 =	simm.s32 $0x0;
	[sflag:s20] =	ssyncset.done $0x0  }
0x116: {  	s17 =	simm.s32 $0x9000;
	s1 =	simm.s32 $0x0;
	[sflag:s20] =	ssyncadd.s32 $0xFFFFE800  }
.LBB2_11:
0x117: {  	s0 =	sshll.u32 s1, $0x7  }
0x118: {  	s2 =	sadd.s32 $0x3000, s0  }
0x119: {  	s24 =	sadd.s32 $0x9000, s0;
	[dreg:$0xc] =	wrdreg s2  }
0x11a: {  	s4 =	sand.u32 $0x1C00, s5;
	s25 =	sadd.s32 $0xF000, s0;
	[dreg:$0xd] =	wrdreg s24  }
0x11b: {  	s6 =	sadd.s32 $0x15000, s0;
	s2 =	sand.u32 $0x40, s5;
	s3 =	rddreg [dreg:$0xc]  }
0x11c: {  	[dreg:$0xe] =	wrdreg s25;
	s9 =	sor.u32 $0x30, s2;
	s3 =	sadd.s32 s4, s3  }
0x11d: {  	[dreg:$0xf] =	wrdreg s6;
	s26 =	sadd.s32 s9, s3  }
0x11e: {  	s6 =	sor.u32 $0x10, s2;
	s13 =	sadd.s32 s2, s3;
	v2 =	vld [tilespmem:s26+$0x0]  }
0x11f: {  	s28 =	sadd.s32 s6, s3;
	v3 =	vld [tilespmem:s13+$0x0]  }
0x120: {  	s12 =	rddreg [dreg:$0xd];
	s21 =	sor.u32 $0x20, s2;
	v1 =	vld [tilespmem:s28+$0x0]  }
0x121: {  	s12 =	sadd.s32 s4, s12;
	s3 =	sadd.s32 s21, s3  }
0x122: {  	s14 =	rddreg [dreg:$0xe];
	s8 =	sadd.s32 s9, s12;
	v0 =	vld [tilespmem:s3+$0x0]  }
0x123: {  	s15 =	rddreg [dreg:$0xf];
	s23 =	sadd.s32 s2, s12;
	[tilespmem:s8+$0x0] =	vst.add.f32.msk $0xffff, v2  }
0x124: {  	s3 =	sadd.s32 s4, s14;
	s26 =	sadd.s32 s6, s12;
	[tilespmem:s23+$0x0] =	vst.add.f32.msk $0xffff, v3  }
0x125: {  	s14 =	sadd.s32 s9, s3;
	[tilespmem:s26+$0x0] =	vst.add.f32.msk $0xffff, v1  }
0x126: {  	s24 =	sadd.s32 s2, s3;
	[tilespmem:s14+$0x0] =	vst.add.f32.msk $0xffff, v2  }
0x127: {  	s0 =	sadd.s32 $0x1B000, s0;
	s15 =	sadd.s32 s4, s15;
	s28 =	sadd.s32 s6, s3;
	[tilespmem:s24+$0x0] =	vst.add.f32.msk $0xffff, v3  }
0x128: {  	s22 =	sadd.s32 s4, s0;
	s18 =	sadd.s32 s9, s15;
	[tilespmem:s28+$0x0] =	vst.add.f32.msk $0xffff, v1  }
0x129: {  	s19 =	sadd.s32 s9, s22;
	s25 =	sadd.s32 s2, s15;
	s4 =	sadd.s32 s21, s12;
	[tilespmem:s18+$0x0] =	vst.add.f32.msk $0xffff, v2  }
0x12a: {  	s13 =	sadd.s32 s21, s22;
	s12 =	simm.s32 $0x0;
	s2 =	sadd.s32 s2, s22;
	[tilespmem:s25+$0x0] =	vst.add.f32.msk $0xffff, v3  }
0x12b: {  	s9 =	simm.s32 $0x0;
	s14 =	sadd.s32 s21, s3;
	s24 =	sadd.s32 s6, s22;
	[tilespmem:s19+$0x0] =	vst.add.f32.msk $0xffff, v2  }
0x12c: {  	s18 =	simm.s32 $0x0;
	s19 =	sadd.s32 s6, s15;
	[tilespmem:s2+$0x0] =	vst.add.f32.msk $0xffff, v3;
	s15 =	sadd.s32 s21, s15  }
.LBB2_12:
0x12d: {  	[tilespmem:s19+$0x0] =	vst.add.f32.msk $0xffff, v1  }
0x12e: {  	s9 =	sadd.s32 $0x200, s9;
	s12 =	sadd.s32 $0x40, s12;
	[tilespmem:s4+$0x0] =	vst.add.f32.msk $0xffff, v0  }
0x12f: {  	s2 =	rddreg [dreg:$0xc];
	[tilespmem:s24+$0x0] =	vst.add.f32.msk $0xffff, v1;
	s3 =	sand.u32 $0x40, s12;
	s6 =	sand.u32 $0x1C00, s9  }
0x130: {  	[tilespmem:s14+$0x0] =	vst.add.f32.msk $0xffff, v0;
	s2 =	sadd.s32 s6, s2;
	s4 =	sor.u32 $0x30, s3  }
0x131: {  	[tilespmem:s15+$0x0] =	vst.add.f32.msk $0xffff, v0;
	s23 =	sadd.s32 s4, s2  }
0x132: {  	s21 =	sor.u32 $0x10, s3;
	s24 =	sadd.s32 s3, s2;
	v2 =	vld [tilespmem:s23+$0x0]  }
0x133: {  	s22 =	sor.u32 $0x20, s3;
	s28 =	sadd.s32 s21, s2;
	v3 =	vld [tilespmem:s24+$0x0]  }
0x134: {  	s25 =	rddreg [dreg:$0xd];
	s2 =	sadd.s32 s22, s2;
	v1 =	vld [tilespmem:s28+$0x0]  }
0x135: {  	s15 =	sadd.s32 s6, s25;
	v4 =	vld [tilespmem:s2+$0x0]  }
0x136: {  	s19 =	sadd.s32 s4, s15;
	[tilespmem:s13+$0x0] =	vst.add.f32.msk $0xffff, v0  }
0x137: {  	s26 =	rddreg [dreg:$0xe];
	s2 =	sadd.s32 s3, s15;
	[tilespmem:s19+$0x0] =	vst.add.f32.msk $0xffff, v2  }
0x138: {  	s14 =	sadd.s32 s6, s26;
	s26 =	sadd.s32 s21, s15;
	[tilespmem:s2+$0x0] =	vst.add.f32.msk $0xffff, v3  }
0x139: {  	s8 =	sadd.s32 s4, s14;
	[tilespmem:s26+$0x0] =	vst.add.f32.msk $0xffff, v1  }
0x13a: {  	s18 =	sadd.s32 $0x4, s18;
	s23 =	rddreg [dreg:$0xf];
	s13 =	sadd.s32 s3, s14;
	[tilespmem:s8+$0x0] =	vst.add.f32.msk $0xffff, v2  }
0x13b: {  	p1 =	slt.u32 s18, $0x2C;
	s28 =	sadd.s32 s21, s14;
	s23 =	sadd.s32 s6, s23;
	[tilespmem:s13+$0x0] =	vst.add.f32.msk $0xffff, v3  }
.Ltmp4:
0x13c: {  	s24 =	sadd.s32 s4, s23;
	[tilespmem:s28+$0x0] =	vst.add.f32.msk $0xffff, v1;
	(pc) =	sbr.rel @p1 .LBB2_12-.Ltmp4, $4  }
0x13d: {  	s6 =	sadd.s32 s6, s0;
	s25 =	sadd.s32 s3, s23;
	[tilespmem:s24+$0x0] =	vst.add.f32.msk $0xffff, v2  }
0x13e: {  	s14 =	sadd.s32 s22, s14;
	s8 =	sadd.s32 s4, s6;
	[tilespmem:s25+$0x0] =	vst.add.f32.msk $0xffff, v3  }
0x13f: {  	s19 =	sadd.s32 s21, s23;
	s4 =	sadd.s32 s22, s15;
	[tilespmem:s8+$0x0] =	vst.add.f32.msk $0xffff, v2;
	s8 =	sadd.s32 s3, s6  }
0x140: {  	v0 =	vmov v4;
	s15 =	sadd.s32 s22, s23;
	s13 =	sadd.s32 s22, s6;
	s24 =	sadd.s32 s21, s6;
	[tilespmem:s8+$0x0] =	vst.add.f32.msk $0xffff, v3  }
0x141: {  	s1 =	sadd.s32 $0x1, s1  }
0x142: {  	[tilespmem:s19+$0x0] =	vst.add.f32.msk $0xffff, v1;
	p1 =	sne.s32 s1, $0x8  }
.Ltmp5:
0x143: {  	[tilespmem:s4+$0x0] =	vst.add.f32.msk $0xffff, v0;
	(pc) =	sbr.rel @p1 .LBB2_11-.Ltmp5, $4  }
0x144: {  	[tilespmem:s24+$0x0] =	vst.add.f32.msk $0xffff, v1  }
0x145: {  	[tilespmem:s14+$0x0] =	vst.add.f32.msk $0xffff, v0  }
0x146: {  	[tilespmem:s15+$0x0] =	vst.add.f32.msk $0xffff, v0  }
0x147: {  	[tilespmem:s13+$0x0] =	vst.add.f32.msk $0xffff, v0  }
0x148: {  	s0 =	sld [smem:$0x7F6]  }
0x149: {  	s1 =	rddreg [dreg:$0x2]  }
0x14a: {  	s22 =	sld [smem:$0x7F7]  }
0x14b: {  	s23 =	sld [smem:$0x7F8];
	s0 =	sadd.s32 s1, s0  }
0x14c: {  	[hbm4b:s0+s7] =	stream.linear.scatter [tilespmem:s17], [sflag:$0x7], $0x1800, $0x38;
	[tilespmem:$0x1E000] =	vst v63  }
0x14d: {  	s2 =	simm.s32 $0xF000;
	s25 =	sld [smem:$0x7F9];
	s0 =	sadd.s32 s1, s22  }
0x14e: {  	[hbm4b:s0+s7] =	stream.linear.scatter [tilespmem:s2], [sflag:$0x7], $0x1800, $0x38;
	[tilespmem:$0x1E000] =	vst v63  }
0x14f: {  	s24 =	simm.s32 $0x15000;
	s0 =	sadd.s32 s1, s23  }
0x150: {  	[hbm4b:s0+s7] =	stream.linear.scatter [tilespmem:s24], [sflag:$0x7], $0x1800, $0x38;
	[tilespmem:$0x1E000] =	vst v63  }
0x151: {  	s26 =	simm.s32 $0x1B000;
	s28 =	simm.s32 $0x6;
	s0 =	sadd.s32 s1, s25  }
0x152: {  	[hbm4b:s0+s7] =	stream.linear.scatter [tilespmem:s26], [sflag:$0x7], $0x1800, $0x38;
	[tilespmem:$0x1E000] =	vst v63  }
0x153: {  	_ =	swait.ge [sflag:s28], $0x1800  }
0x154: {  	[sflag:s28] =	ssyncset.done $0x0  }
0x155: {  	[sflag:s28] =	ssyncadd.s32 $0xFFFFE800  }
0x156: {  	_ =	swait.ge [sflag:s28], $0x1800  }
0x157: {  	[sflag:s28] =	ssyncset.done $0x0  }
0x158: {  	[sflag:s28] =	ssyncadd.s32 $0xFFFFE800  }
0x159: {  	_ =	swait.ge [sflag:s28], $0x1800  }
0x15a: {  	s0 =	sld [smem:$0x7FC]  }
0x15b: {  	s2 =	sld [smem:$0x7F5];
	_ =	sdelay $0x2  }
0x15c: {  	[sflag:s28] =	ssyncset.done $0x0;
	s0 =	sadd.s32 @!p0 s2, s0  }
0x15d: {  	[sflag:s28] =	ssyncadd.s32 $0xFFFFE800;
	s0 =	smul.u32 @!p0 $0x1800, s0  }
0x15e: {  	_ =	swait.ge [sflag:s28], $0x1800  }
0x15f: {  	s3 =	simm.s32 @!p0 $0x1800;
	[sflag:s28] =	ssyncset.done $0x0;
	s0 =	sshrl.u32 @!p0 s0, $0x3  }
0x160: {  	s2 =	simm.s32 @!p0 $0x0;
	[sflag:s28] =	ssyncadd.s32 $0xFFFFE800;
	s1 =	sadd.s32 @!p0 s30, s0  }
0x161: {  	[tilespmem:s3], [sflag:$0x2] =	stream.linear.gather @!p0 [hbm4b:s1+s2], $0x1800, $0x38;
	[tilespmem:$0x1E000] =	vst v63  }
0x162: {  	s0 =	sadd.s32 @!p0 s29, s0;
	s1 =	simm.s32 @!p0 $0x7800  }
0x163: {  	[tilespmem:s1], [sflag:$0x2] =	stream.linear.gather @!p0 [hbm4b:s0+s2], $0x1800, $0x38;
	[tilespmem:$0x1E000] =	vst v63  }
0x164: {  	s3 =	simm.s32 @!p0 $0xD800;
	s1 =	sadd.s32 @!p0 $0x60000, s0  }
0x165: {  	[tilespmem:s3], [sflag:$0x2] =	stream.linear.gather @!p0 [hbm4b:s1+s2], $0x1800, $0x38;
	[tilespmem:$0x1E000] =	vst v63  }
0x166: {  	s1 =	sadd.s32 @!p0 $0xC0000, s0;
	s3 =	simm.s32 @!p0 $0x13800  }
0x167: {  	[tilespmem:s3], [sflag:$0x2] =	stream.linear.gather @!p0 [hbm4b:s1+s2], $0x1800, $0x38;
	[tilespmem:$0x1E000] =	vst v63  }
0x168: {  	s0 =	sadd.s32 @!p0 $0x120000, s0;
	s1 =	simm.s32 @!p0 $0x19800  }
0x169: {  	[tilespmem:s1], [sflag:$0x2] =	stream.linear.gather @!p0 [hbm4b:s0+s2], $0x1800, $0x38;
	[tilespmem:$0x1E000] =	vst v63  }
0x16a: {  	_ =	swait.ge [sflag:s31], $0x1800  }
0x16b: {  	[sflag:s31] =	ssyncset.done $0x0  }
0x16c: {  	[sflag:s31] =	ssyncadd.s32 $0xFFFFE800  }
0x16d: {  	_ =	swait.ge [sflag:s31], $0x1800  }
0x16e: {  	[sflag:s31] =	ssyncset.done $0x0  }
0x16f: {  	[sflag:s31] =	ssyncadd.s32 $0xFFFFE800  }
0x170: {  	_ =	swait.ge [sflag:s31], $0x1800  }
0x171: {  	[sflag:s31] =	ssyncset.done $0x0  }
0x172: {  	[sflag:s31] =	ssyncadd.s32 $0xFFFFE800  }
0x173: {  	_ =	swait.ge [sflag:s31], $0x1800  }
0x174: {  	[sflag:s31] =	ssyncset.done $0x0  }
0x175: {  	[sflag:s31] =	ssyncadd.s32 $0xFFFFE800  }
0x176: {  	_ =	swait.ge [sflag:s31], $0x1800  }
0x177: {  	[sflag:s31] =	ssyncset.done $0x0  }
0x178: {  	s5 =	simm.s32 $0x0;
	s1 =	simm.s32 $0x0;
	[sflag:s31] =	ssyncadd.s32 $0xFFFFE800  }
.LBB2_15:
0x179: {  	s0 =	sshll.u32 s1, $0x7  }
0x17a: {  	s2 =	sadd.s32 $0x4800, s0  }
0x17b: {  	s24 =	sadd.s32 $0xA800, s0;
	[dreg:$0x10] =	wrdreg s2  }
0x17c: {  	s4 =	sand.u32 $0x1C00, s5;
	s25 =	sadd.s32 $0x10800, s0;
	[dreg:$0x11] =	wrdreg s24  }
0x17d: {  	s6 =	sadd.s32 $0x16800, s0;
	s2 =	sand.u32 $0x40, s5;
	s3 =	rddreg [dreg:$0x10]  }
0x17e: {  	[dreg:$0x12] =	wrdreg s25;
	s9 =	sor.u32 $0x30, s2;
	s3 =	sadd.s32 s4, s3  }
0x17f: {  	[dreg:$0x13] =	wrdreg s6;
	s26 =	sadd.s32 s9, s3  }
0x180: {  	s6 =	sor.u32 $0x10, s2;
	s13 =	sadd.s32 s2, s3;
	v2 =	vld [tilespmem:s26+$0x0]  }
0x181: {  	s28 =	sadd.s32 s6, s3;
	v3 =	vld [tilespmem:s13+$0x0]  }
0x182: {  	s12 =	rddreg [dreg:$0x11];
	s22 =	sor.u32 $0x20, s2;
	v1 =	vld [tilespmem:s28+$0x0]  }
0x183: {  	s12 =	sadd.s32 s4, s12;
	s3 =	sadd.s32 s22, s3  }
0x184: {  	s14 =	rddreg [dreg:$0x12];
	s8 =	sadd.s32 s9, s12;
	v0 =	vld [tilespmem:s3+$0x0]  }
0x185: {  	s15 =	rddreg [dreg:$0x13];
	s21 =	sadd.s32 s2, s12;
	[tilespmem:s8+$0x0] =	vst.add.f32.msk $0xffff, v2  }
0x186: {  	s3 =	sadd.s32 s4, s14;
	s26 =	sadd.s32 s6, s12;
	[tilespmem:s21+$0x0] =	vst.add.f32.msk $0xffff, v3  }
0x187: {  	s14 =	sadd.s32 s9, s3;
	[tilespmem:s26+$0x0] =	vst.add.f32.msk $0xffff, v1  }
0x188: {  	s24 =	sadd.s32 s2, s3;
	[tilespmem:s14+$0x0] =	vst.add.f32.msk $0xffff, v2  }
0x189: {  	s0 =	sadd.s32 $0x1C800, s0;
	s15 =	sadd.s32 s4, s15;
	s28 =	sadd.s32 s6, s3;
	[tilespmem:s24+$0x0] =	vst.add.f32.msk $0xffff, v3  }
0x18a: {  	s23 =	sadd.s32 s4, s0;
	s18 =	sadd.s32 s9, s15;
	[tilespmem:s28+$0x0] =	vst.add.f32.msk $0xffff, v1  }
0x18b: {  	s19 =	sadd.s32 s9, s23;
	s25 =	sadd.s32 s2, s15;
	s4 =	sadd.s32 s22, s12;
	[tilespmem:s18+$0x0] =	vst.add.f32.msk $0xffff, v2  }
0x18c: {  	s13 =	sadd.s32 s22, s23;
	s12 =	simm.s32 $0x0;
	s2 =	sadd.s32 s2, s23;
	[tilespmem:s25+$0x0] =	vst.add.f32.msk $0xffff, v3  }
0x18d: {  	s9 =	simm.s32 $0x0;
	s21 =	sadd.s32 s6, s23;
	s14 =	sadd.s32 s22, s3;
	[tilespmem:s19+$0x0] =	vst.add.f32.msk $0xffff, v2  }
0x18e: {  	s18 =	simm.s32 $0x0;
	s19 =	sadd.s32 s6, s15;
	[tilespmem:s2+$0x0] =	vst.add.f32.msk $0xffff, v3;
	s15 =	sadd.s32 s22, s15  }
.LBB2_16:
0x18f: {  	[tilespmem:s19+$0x0] =	vst.add.f32.msk $0xffff, v1  }
0x190: {  	s9 =	sadd.s32 $0x200, s9;
	s12 =	sadd.s32 $0x40, s12;
	[tilespmem:s4+$0x0] =	vst.add.f32.msk $0xffff, v0  }
0x191: {  	s2 =	rddreg [dreg:$0x10];
	[tilespmem:s21+$0x0] =	vst.add.f32.msk $0xffff, v1;
	s3 =	sand.u32 $0x40, s12;
	s6 =	sand.u32 $0x1C00, s9  }
0x192: {  	[tilespmem:s14+$0x0] =	vst.add.f32.msk $0xffff, v0;
	s2 =	sadd.s32 s6, s2;
	s4 =	sor.u32 $0x30, s3  }
0x193: {  	[tilespmem:s15+$0x0] =	vst.add.f32.msk $0xffff, v0;
	s19 =	sadd.s32 s4, s2  }
0x194: {  	s21 =	sor.u32 $0x10, s3;
	s23 =	sadd.s32 s3, s2;
	v2 =	vld [tilespmem:s19+$0x0]  }
0x195: {  	s22 =	sor.u32 $0x20, s3;
	s26 =	sadd.s32 s21, s2;
	v3 =	vld [tilespmem:s23+$0x0]  }
0x196: {  	s24 =	rddreg [dreg:$0x11];
	s2 =	sadd.s32 s22, s2;
	v1 =	vld [tilespmem:s26+$0x0]  }
0x197: {  	s15 =	sadd.s32 s6, s24;
	v4 =	vld [tilespmem:s2+$0x0]  }
0x198: {  	s19 =	sadd.s32 s4, s15;
	[tilespmem:s13+$0x0] =	vst.add.f32.msk $0xffff, v0  }
0x199: {  	s25 =	rddreg [dreg:$0x12];
	s2 =	sadd.s32 s3, s15;
	[tilespmem:s19+$0x0] =	vst.add.f32.msk $0xffff, v2  }
0x19a: {  	s14 =	sadd.s32 s6, s25;
	s25 =	sadd.s32 s21, s15;
	[tilespmem:s2+$0x0] =	vst.add.f32.msk $0xffff, v3  }
0x19b: {  	s28 =	sadd.s32 s4, s14;
	[tilespmem:s25+$0x0] =	vst.add.f32.msk $0xffff, v1  }
0x19c: {  	s18 =	sadd.s32 $0x4, s18;
	s23 =	rddreg [dreg:$0x13];
	s13 =	sadd.s32 s3, s14;
	[tilespmem:s28+$0x0] =	vst.add.f32.msk $0xffff, v2  }
0x19d: {  	p0 =	slt.u32 s18, $0x2C;
	s26 =	sadd.s32 s21, s14;
	s23 =	sadd.s32 s6, s23;
	[tilespmem:s13+$0x0] =	vst.add.f32.msk $0xffff, v3  }
.Ltmp6:
0x19e: {  	s8 =	sadd.s32 s4, s23;
	[tilespmem:s26+$0x0] =	vst.add.f32.msk $0xffff, v1;
	(pc) =	sbr.rel @p0 .LBB2_16-.Ltmp6, $4  }
0x19f: {  	s6 =	sadd.s32 s6, s0;
	s24 =	sadd.s32 s3, s23;
	[tilespmem:s8+$0x0] =	vst.add.f32.msk $0xffff, v2  }
0x1a0: {  	s14 =	sadd.s32 s22, s14;
	s28 =	sadd.s32 s4, s6;
	[tilespmem:s24+$0x0] =	vst.add.f32.msk $0xffff, v3  }
0x1a1: {  	s19 =	sadd.s32 s21, s23;
	s21 =	sadd.s32 s21, s6;
	[tilespmem:s28+$0x0] =	vst.add.f32.msk $0xffff, v2;
	s28 =	sadd.s32 s3, s6  }
0x1a2: {  	v0 =	vmov v4;
	s4 =	sadd.s32 s22, s15;
	s15 =	sadd.s32 s22, s23;
	s13 =	sadd.s32 s22, s6;
	[tilespmem:s28+$0x0] =	vst.add.f32.msk $0xffff, v3  }
0x1a3: {  	s1 =	sadd.s32 $0x1, s1  }
0x1a4: {  	[tilespmem:s19+$0x0] =	vst.add.f32.msk $0xffff, v1;
	p0 =	sne.s32 s1, $0x8  }
.Ltmp7:
0x1a5: {  	[tilespmem:s4+$0x0] =	vst.add.f32.msk $0xffff, v0;
	(pc) =	sbr.rel @p0 .LBB2_15-.Ltmp7, $4  }
0x1a6: {  	[tilespmem:s21+$0x0] =	vst.add.f32.msk $0xffff, v1  }
0x1a7: {  	[tilespmem:s14+$0x0] =	vst.add.f32.msk $0xffff, v0  }
0x1a8: {  	[tilespmem:s15+$0x0] =	vst.add.f32.msk $0xffff, v0  }
0x1a9: {  	[tilespmem:s13+$0x0] =	vst.add.f32.msk $0xffff, v0  }
0x1aa: {  	s0 =	sld [smem:$0x7F1]  }
0x1ab: {  	s1 =	rddreg [dreg:$0x2]  }
0x1ac: {  	s21 =	simm.s32 $0xA800;
	s24 =	sld [smem:$0x7F2]  }
0x1ad: {  	s22 =	simm.s32 $0x10800;
	s11 =	sadd.s32 $0x1, s11;
	s0 =	sadd.s32 s1, s0  }
0x1ae: {  	[hbm4b:s0+s7] =	stream.linear.scatter [tilespmem:s21], [sflag:$0x8], $0x1800, $0x38;
	[tilespmem:$0x1E000] =	vst v63  }
0x1af: {  	s25 =	sld [smem:$0x7F3];
	p0 =	sne.s32 s11, $0x4;
	s0 =	sadd.s32 s1, s24  }
0x1b0: {  	[hbm4b:s0+s7] =	stream.linear.scatter [tilespmem:s22], [sflag:$0x8], $0x1800, $0x38;
	[tilespmem:$0x1E000] =	vst v63  }
.Ltmp8:
0x1b1: {  	s26 =	sld [smem:$0x7F4];
	(pc) =	sbr.rel @p0 .LBB2_2-.Ltmp8, $4  }
0x1b2: {  	s2 =	simm.s32 $0x16800;
	s0 =	sadd.s32 s1, s25  }
0x1b3: {  	[hbm4b:s0+s7] =	stream.linear.scatter [tilespmem:s2], [sflag:$0x8], $0x1800, $0x38;
	[tilespmem:$0x1E000] =	vst v63  }
0x1b4: {  	s28 =	simm.s32 $0x1C800;
	s0 =	sadd.s32 s1, s26  }
0x1b5: {  	[hbm4b:s0+s7] =	stream.linear.scatter [tilespmem:s28], [sflag:$0x8], $0x1800, $0x38;
	[tilespmem:$0x1E000] =	vst v63  }
0x1b6: {  	s0 =	simm.s32 $0x7  }
0x1b7: {  	_ =	swait.ge [sflag:s0], $0x1800  }
0x1b8: {  	[sflag:s0] =	ssyncset.done $0x0  }
0x1b9: {  	[sflag:s0] =	ssyncadd.s32 $0xFFFFE800  }
0x1ba: {  	_ =	swait.ge [sflag:s0], $0x1800  }
0x1bb: {  	[sflag:s0] =	ssyncset.done $0x0  }
0x1bc: {  	[sflag:s0] =	ssyncadd.s32 $0xFFFFE800  }
0x1bd: {  	_ =	swait.ge [sflag:s0], $0x1800  }
0x1be: {  	[sflag:s0] =	ssyncset.done $0x0  }
0x1bf: {  	[sflag:s0] =	ssyncadd.s32 $0xFFFFE800  }
0x1c0: {  	_ =	swait.ge [sflag:s0], $0x1800  }
0x1c1: {  	[sflag:s0] =	ssyncset.done $0x0  }
0x1c2: {  	s1 =	simm.s32 $0x8;
	[sflag:s0] =	ssyncadd.s32 $0xFFFFE800  }
0x1c3: {  	_ =	swait.ge [sflag:s1], $0x1800  }
0x1c4: {  	[sflag:s1] =	ssyncset.done $0x0  }
0x1c5: {  	[sflag:s1] =	ssyncadd.s32 $0xFFFFE800  }
0x1c6: {  	_ =	swait.ge [sflag:s1], $0x1800  }
0x1c7: {  	[sflag:s1] =	ssyncset.done $0x0  }
0x1c8: {  	[sflag:s1] =	ssyncadd.s32 $0xFFFFE800  }
0x1c9: {  	_ =	swait.ge [sflag:s1], $0x1800  }
0x1ca: {  	[sflag:s1] =	ssyncset.done $0x0  }
0x1cb: {  	[sflag:s1] =	ssyncadd.s32 $0xFFFFE800  }
0x1cc: {  	_ =	swait.ge [sflag:s1], $0x1800  }
0x1cd: {  	s2 =	sld [smem:$0x7FA]  }
0x1ce: {  	s28 =	sld [smem:$0x7FD];
	_ =	sdelay $0x1  }
0x1cf: {  	s2 =	sadd.s32 $0x1, s2  }
0x1d0: {  	p0 =	sne.s32 s2, s28  }
.Ltmp9:
0x1d1: {  	_ = 	snop;
	(pc) =	sbr.rel @p0 .LBB2_1-.Ltmp9, $3  }
0x1d2: {  	_ =	sdelay $0x1  }
0x1d3: {  	[sflag:s1] =	ssyncset.done $0x0  }
0x1d4: {  	[sflag:s1] =	ssyncadd.s32 $0xFFFFE800  }
0x1d5: {  	_ =	sfence.sel $0x180000  }
0x1d6: {  	[bflag:$0x0] =	sbarrier.arrive $0xFFFF  }
0x1d7: {  	_ =	strace $0x90000047  }
0x1d8: {  	s0 =	stileid.u32;
	[bflag:$0x2] =	sbarrier.arrive $0xFFFF  }
0x1d9: {  	p0 =	sne.s32 s0, $0x0;
	s0 =	rddreg [dreg:$0x3]  }
0x1da: {  	s0 =	sadd.s32 @!p0 $0x100000, s0  }
0x1db: {  	[sflag:s0] =	ssyncadd.tile.s32 @!p0 $0x1;
	_ =	shalt  }
.Lfunc_end2:
_tile_overlayer_lowered:
.L_overlay_start_2:
0x1dc: {  	(tag) =	ssettag $0x2  }
0x1dd: {  	s0 =	rddreg [dreg:$0x0];
	s2 =	stileid.u32  }
0x1de: {  	s1 =	rddreg [dreg:$0x1];
	p0 =	sne.s32 s2, $0x0  }
0x1df: {  	s3 =	rddreg [dreg:$0x2];
	[bflag:$0x3] =	sbarrier.arrive $0xFFFF;
	s2 =	simm.s32 @!p0 $0x1C09  }
0x1e0: {  	[timem:s3], [sflag:s2] =	dma.local @!p0 [hbm:s0], s1  }
0x1e1: {  	s0 =	simm.s32 @!p0 $0x9  }
0x1e2: {  	_ =	swait.ge @!p0 [sflag:s0], s1  }
0x1e3: {  	s1 =	ssub.s32 @!p0 $0x0, s1;
	[sflag:s0] =	ssyncset.done @!p0 $0x0  }
0x1e4: {  	[sflag:s0] =	ssyncadd.s32 @!p0 s1  }
0x1e5: {  	[bflag:$0x3] =	sbarrier.arrive $0xFFFF  }
0x1e6: {  	_ =	shalt  }

</sc_bundles>
